<compile_context>
chip_gen: v7x
topology: tpu7x:2x2x1
jax: 0.10.2.dev20260603
libtpu: 0.0.44.dev20260713+nightly
codegen_flags: <defaults>
</compile_context>

<pallas_src>
import functools

import jax
import jax.numpy as jnp
from jax import lax
from jax.experimental import pallas as pl
from jax.experimental.pallas import tpu as pltpu
from jax.experimental.pallas import tpu_sc as plsc

VOCAB = 100000
HID = 128
NCLS = 128
B = 4096
L = 50

NC = 2
NS = 16
NW = NC * NS
BPW = B // NW
NCH = NCLS // 16

RPB = 1
NBLK = BPW // RPB
NBUF = 8
NITER = NBLK // NBUF

ROWS_BLK = 2000


def _transform_body(t_ref, w_ref, b_ref, z_ref):
    z = jnp.dot(t_ref[...], w_ref[...], preferred_element_type=jnp.float32)
    z_ref[...] = jnp.exp(jnp.maximum(z + b_ref[...], 0.0))


def _transform_table(table, W, b):
    return pl.pallas_call(
        _transform_body,
        grid=(VOCAB // ROWS_BLK,),
        in_specs=[
            pl.BlockSpec((ROWS_BLK, HID), lambda i: (i, 0)),
            pl.BlockSpec((HID, NCLS), lambda i: (0, 0)),
            pl.BlockSpec((1, NCLS), lambda i: (0, 0)),
        ],
        out_specs=pl.BlockSpec((ROWS_BLK, NCLS), lambda i: (i, 0)),
        out_shape=jax.ShapeDtypeStruct((VOCAB, NCLS), jnp.float32),
    )(table, W, b.reshape(1, NCLS))


def _normalize(gbuf, obuf, off):

    def sum_body(l, accs):
        return tuple(accs[c] + gbuf[l, pl.ds(c * 16, 16)]
                     for c in range(NCH))

    zeros = tuple(jnp.zeros((16,), jnp.float32) for _ in range(NCH))
    accs = lax.fori_loop(off, off + L, sum_body, zeros)
    invs = tuple(1.0 / a for a in accs)

    def norm_body(l, carry):
        for c in range(NCH):
            obuf[l, pl.ds(c * 16, 16)] = gbuf[l, pl.ds(c * 16, 16)] * invs[c]
        return carry

    lax.fori_loop(off, off + L, norm_body, 0)


def _gather_softmax_kernel(x_hbm, z_hbm, out_hbm, idx_v, *scratch):
    gbufs = scratch[:NBUF]
    obufs = scratch[NBUF:2 * NBUF]
    gsems = scratch[2 * NBUF:3 * NBUF]
    wsems = scratch[3 * NBUF:]

    wid = lax.axis_index("s") * NC + lax.axis_index("c")
    base = wid * NBLK
    pltpu.sync_copy(x_hbm.at[pl.ds(base, NBLK), :], idx_v)

    def gather(k, j):
        return pltpu.make_async_copy(z_hbm.at[idx_v.at[k]], gbufs[j],
                                     gsems[j])

    def write(k, j):
        return pltpu.make_async_copy(obufs[j], out_hbm.at[base + k],
                                     wsems[j])

    for j in range(NBUF):
        gather(j, j).start()

    def body(i2, carry):
        for j in range(NBUF):
            k = i2 * NBUF + j
            gather(k, j).wait()

            @pl.when(i2 > 0)
            def _():
                write(k - NBUF, j).wait()

            for r in range(RPB):
                _normalize(gbufs[j], obufs[j], r * L)
            write(k, j).start()

            @pl.when(i2 + 1 < NITER)
            def _():
                gather(k + NBUF, j).start()

        return carry

    lax.fori_loop(0, NITER, body, 0)

    for j in range(NBUF):
        write((NITER - 1) * NBUF + j, j).wait()


@functools.cache
def _gather_softmax():
    return pl.kernel(
        _gather_softmax_kernel,
        out_type=jax.ShapeDtypeStruct((B // RPB, RPB * L, NCLS),
                                      jnp.float32),
        mesh=plsc.VectorSubcoreMesh(core_axis_name="c", subcore_axis_name="s"),
        scratch_types=[
            pltpu.VMEM((NBLK, RPB * L), jnp.int32),
            *[pltpu.VMEM((RPB * L, NCLS), jnp.float32)
              for _ in range(2 * NBUF)],
            *[pltpu.SemaphoreType.DMA for _ in range(2 * NBUF)],
        ],
    )


def kernel(x, embed_table, W, b):
    z = _transform_table(embed_table, W, b)
    y = _gather_softmax()(x.reshape(B // RPB, RPB * L), z)
    return y.reshape(B, L, NCLS)

# --- scband reference (transcript-rebuilt; emitter-appended) ---
"""Pipeline reference for scband-sequence-model-18202071400737 (READ-ONLY COPY).

The authoritative reference and input builder live on the scoring server;
editing this copy changes nothing except your own understanding.
"""

import jax, jax.numpy as jnp
import numpy as np

VOCAB = 100000
HID = 128
NCLS = 128
B = 4096
L = 50

def setup_inputs(seed: int = 0) -> dict:
    key = jax.random.key(seed)
    k1, k2, k3, k4 = jax.random.split(key, 4)
    x = jax.random.randint(k1, (B, L), 0, VOCAB, dtype=jnp.int64 if jax.config.read('jax_enable_x64') else jnp.int32)
    embed_table = jax.random.normal(k2, (VOCAB, HID), dtype=jnp.float32) * 0.02
    W = jax.random.normal(k3, (HID, NCLS), dtype=jnp.float32) * (1.0 / np.sqrt(HID))
    b = jax.random.normal(k4, (NCLS,), dtype=jnp.float32) * 0.01
    return {"x": x, "embed_table": embed_table, "W": W, "b": b}

def reference(x, embed_table, W, b):
    # embedding lookup (pre_embed=False path)
    h = jnp.take(embed_table, x, axis=0)          # [B, L, HID]
    # _forward is identity in the base SequenceModel
    y = jnp.einsum('bld,dc->blc', h, W) + b       # fc: [B, L, NCLS]
    y = jax.nn.relu(y)
    # nn.Softmax(dim=1): softmax over the sequence-length axis (axis=1), faithful to original
    y = jax.nn.softmax(y, axis=1)
    return y

if __name__ == "__main__":
    import jax
    _d = setup_inputs()
    print(jax.jit(kernel)(*tuple(_d.values())))

</pallas_src>

<mosaic_0001>
#map = affine_map<(d0, d1) -> (0, 0)>
#map1 = affine_map<(d0, d1) -> (0, 0, 0)>
module attributes {stable_mosaic.version = 14 : i64} {
  func.func @_gather_softmax_kernel(%arg0: i32, %arg1: i32, %arg2: memref<4096x50xi32, #tpu.memory_space<hbm>>, %arg3: memref<100000x128xf32, #tpu.memory_space<hbm>>, %arg4: memref<4096x50x128xf32, #tpu.memory_space<hbm>>, %arg5: memref<128x50xi32, #tpu.memory_space<vmem>>, %arg6: memref<50x128xf32, #tpu.memory_space<vmem>>, %arg7: memref<50x128xf32, #tpu.memory_space<vmem>>, %arg8: memref<50x128xf32, #tpu.memory_space<vmem>>, %arg9: memref<50x128xf32, #tpu.memory_space<vmem>>, %arg10: memref<50x128xf32, #tpu.memory_space<vmem>>, %arg11: memref<50x128xf32, #tpu.memory_space<vmem>>, %arg12: memref<50x128xf32, #tpu.memory_space<vmem>>, %arg13: memref<50x128xf32, #tpu.memory_space<vmem>>, %arg14: memref<50x128xf32, #tpu.memory_space<vmem>>, %arg15: memref<50x128xf32, #tpu.memory_space<vmem>>, %arg16: memref<50x128xf32, #tpu.memory_space<vmem>>, %arg17: memref<50x128xf32, #tpu.memory_space<vmem>>, %arg18: memref<50x128xf32, #tpu.memory_space<vmem>>, %arg19: memref<50x128xf32, #tpu.memory_space<vmem>>, %arg20: memref<50x128xf32, #tpu.memory_space<vmem>>, %arg21: memref<50x128xf32, #tpu.memory_space<vmem>>, %arg22: memref<!tpu.dma_semaphore, #tpu.memory_space<semaphore_mem>>, %arg23: memref<!tpu.dma_semaphore, #tpu.memory_space<semaphore_mem>>, %arg24: memref<!tpu.dma_semaphore, #tpu.memory_space<semaphore_mem>>, %arg25: memref<!tpu.dma_semaphore, #tpu.memory_space<semaphore_mem>>, %arg26: memref<!tpu.dma_semaphore, #tpu.memory_space<semaphore_mem>>, %arg27: memref<!tpu.dma_semaphore, #tpu.memory_space<semaphore_mem>>, %arg28: memref<!tpu.dma_semaphore, #tpu.memory_space<semaphore_mem>>, %arg29: memref<!tpu.dma_semaphore, #tpu.memory_space<semaphore_mem>>, %arg30: memref<!tpu.dma_semaphore, #tpu.memory_space<semaphore_mem>>, %arg31: memref<!tpu.dma_semaphore, #tpu.memory_space<semaphore_mem>>, %arg32: memref<!tpu.dma_semaphore, #tpu.memory_space<semaphore_mem>>, %arg33: memref<!tpu.dma_semaphore, #tpu.memory_space<semaphore_mem>>, %arg34: memref<!tpu.dma_semaphore, #tpu.memory_space<semaphore_mem>>, %arg35: memref<!tpu.dma_semaphore, #tpu.memory_space<semaphore_mem>>, %arg36: memref<!tpu.dma_semaphore, #tpu.memory_space<semaphore_mem>>, %arg37: memref<!tpu.dma_semaphore, #tpu.memory_space<semaphore_mem>>) attributes {dimension_semantics = [#tpu.dimension_semantics<core_parallel>, #tpu.dimension_semantics<subcore_parallel>], iteration_bounds = array<i64: 2, 16>, scalar_prefetch = 0 : i64, scratch_operands = 33 : i64, tpu.core_type = #tpu.core_type<sc_vector_subcore>, window_params = [{transform_indices = #map}, {transform_indices = #map}, {transform_indices = #map1}]} {
    %mul3A = arith.constant 2 : i32
    %mul3A_0 = arith.muli %arg1, %mul3A : i32
    %add3A = arith.addi %mul3A_0, %arg0 : i32
    %mul3A_1 = arith.constant 128 : i32
    %mul3A_2 = arith.muli %add3A, %mul3A_1 : i32
    "tpu.region"() ({
      %run_scoped3A = tpu.sem_alloc : memref<!tpu.dma_semaphore, #tpu.memory_space<semaphore_mem>>
      %dma_start3A_142 = arith.constant 0 : i32
      %dma_start3A_143 = tpu.memref_slice %arg2[%mul3A_2, %dma_start3A_142] : memref<4096x50xi32, #tpu.memory_space<hbm>> -> memref<128x50xi32, #tpu.memory_space<hbm>>
      %dma_start3A_144 = arith.constant 0 : i32
      %dma_start3A_145 = tpu.memref_slice %arg2[%mul3A_2, %dma_start3A_144] : memref<4096x50xi32, #tpu.memory_space<hbm>> -> memref<128x50xi32, #tpu.memory_space<hbm>>
      tpu.enqueue_dma source(%dma_start3A_145 : memref<128x50xi32, #tpu.memory_space<hbm>>) target(%arg5 : memref<128x50xi32, #tpu.memory_space<vmem>>) target_semaphore(%run_scoped3A : memref<!tpu.dma_semaphore, #tpu.memory_space<semaphore_mem>>)
      %dma_wait3A_146 = arith.constant 0 : i32
      %dma_wait3A_147 = tpu.memref_slice %arg2[%mul3A_2, %dma_wait3A_146] : memref<4096x50xi32, #tpu.memory_space<hbm>> -> memref<128x50xi32, #tpu.memory_space<hbm>>
      %dma_wait3A_148 = arith.constant 0 : i32
      %dma_wait3A_149 = tpu.memref_slice %arg2[%mul3A_2, %dma_wait3A_148] : memref<4096x50xi32, #tpu.memory_space<hbm>> -> memref<128x50xi32, #tpu.memory_space<hbm>>
      tpu.wait_dma2 semaphore(%run_scoped3A : memref<!tpu.dma_semaphore, #tpu.memory_space<semaphore_mem>>) src(%dma_wait3A_149 : memref<128x50xi32, #tpu.memory_space<hbm>>) dst(%arg5 : memref<128x50xi32, #tpu.memory_space<vmem>>)
      tpu.yield
    }) : () -> ()
    %dma_start3A = arith.constant 0 : i32
    %dma_start3A_3 = arith.constant 0 : i32
    %dma_start3A_4 = tpu.memref_slice %arg5[%dma_start3A, %dma_start3A_3] : memref<128x50xi32, #tpu.memory_space<vmem>> -> memref<1x50xi32, #tpu.memory_space<vmem>>
    %dma_start3A_5 = tpu.memref_squeeze %dma_start3A_4 : memref<1x50xi32, #tpu.memory_space<vmem>> -> memref<50xi32, #tpu.memory_space<vmem>>
    %dma_start3A_6 = arith.constant 0 : i32
    %dma_start3A_7 = arith.constant 0 : i32
    %dma_start3A_8 = tpu.memref_slice %arg3[%dma_start3A_6, %dma_start3A_7] : memref<100000x128xf32, #tpu.memory_space<hbm>> -> memref<100000x128xf32, #tpu.memory_space<hbm>>
    tpu.enqueue_indirect_dma source(%dma_start3A_8 : memref<100000x128xf32, #tpu.memory_space<hbm>>) target(%arg6 : memref<50x128xf32, #tpu.memory_space<vmem>>) offsets(%dma_start3A_5 : memref<50xi32, #tpu.memory_space<vmem>>) semaphore(%arg22 : memref<!tpu.dma_semaphore, #tpu.memory_space<semaphore_mem>>)
    %dma_start3A_9 = arith.constant 1 : i32
    %dma_start3A_10 = arith.constant 0 : i32
    %dma_start3A_11 = tpu.memref_slice %arg5[%dma_start3A_9, %dma_start3A_10] : memref<128x50xi32, #tpu.memory_space<vmem>> -> memref<1x50xi32, #tpu.memory_space<vmem>>
    %dma_start3A_12 = tpu.memref_squeeze %dma_start3A_11 : memref<1x50xi32, #tpu.memory_space<vmem>> -> memref<50xi32, #tpu.memory_space<vmem>>
    %dma_start3A_13 = arith.constant 0 : i32
    %dma_start3A_14 = arith.constant 0 : i32
    %dma_start3A_15 = tpu.memref_slice %arg3[%dma_start3A_13, %dma_start3A_14] : memref<100000x128xf32, #tpu.memory_space<hbm>> -> memref<100000x128xf32, #tpu.memory_space<hbm>>
    tpu.enqueue_indirect_dma source(%dma_start3A_15 : memref<100000x128xf32, #tpu.memory_space<hbm>>) target(%arg7 : memref<50x128xf32, #tpu.memory_space<vmem>>) offsets(%dma_start3A_12 : memref<50xi32, #tpu.memory_space<vmem>>) semaphore(%arg23 : memref<!tpu.dma_semaphore, #tpu.memory_space<semaphore_mem>>)
    %dma_start3A_16 = arith.constant 2 : i32
    %dma_start3A_17 = arith.constant 0 : i32
    %dma_start3A_18 = tpu.memref_slice %arg5[%dma_start3A_16, %dma_start3A_17] : memref<128x50xi32, #tpu.memory_space<vmem>> -> memref<1x50xi32, #tpu.memory_space<vmem>>
    %dma_start3A_19 = tpu.memref_squeeze %dma_start3A_18 : memref<1x50xi32, #tpu.memory_space<vmem>> -> memref<50xi32, #tpu.memory_space<vmem>>
    %dma_start3A_20 = arith.constant 0 : i32
    %dma_start3A_21 = arith.constant 0 : i32
    %dma_start3A_22 = tpu.memref_slice %arg3[%dma_start3A_20, %dma_start3A_21] : memref<100000x128xf32, #tpu.memory_space<hbm>> -> memref<100000x128xf32, #tpu.memory_space<hbm>>
    tpu.enqueue_indirect_dma source(%dma_start3A_22 : memref<100000x128xf32, #tpu.memory_space<hbm>>) target(%arg8 : memref<50x128xf32, #tpu.memory_space<vmem>>) offsets(%dma_start3A_19 : memref<50xi32, #tpu.memory_space<vmem>>) semaphore(%arg24 : memref<!tpu.dma_semaphore, #tpu.memory_space<semaphore_mem>>)
    %dma_start3A_23 = arith.constant 3 : i32
    %dma_start3A_24 = arith.constant 0 : i32
    %dma_start3A_25 = tpu.memref_slice %arg5[%dma_start3A_23, %dma_start3A_24] : memref<128x50xi32, #tpu.memory_space<vmem>> -> memref<1x50xi32, #tpu.memory_space<vmem>>
    %dma_start3A_26 = tpu.memref_squeeze %dma_start3A_25 : memref<1x50xi32, #tpu.memory_space<vmem>> -> memref<50xi32, #tpu.memory_space<vmem>>
    %dma_start3A_27 = arith.constant 0 : i32
    %dma_start3A_28 = arith.constant 0 : i32
    %dma_start3A_29 = tpu.memref_slice %arg3[%dma_start3A_27, %dma_start3A_28] : memref<100000x128xf32, #tpu.memory_space<hbm>> -> memref<100000x128xf32, #tpu.memory_space<hbm>>
    tpu.enqueue_indirect_dma source(%dma_start3A_29 : memref<100000x128xf32, #tpu.memory_space<hbm>>) target(%arg9 : memref<50x128xf32, #tpu.memory_space<vmem>>) offsets(%dma_start3A_26 : memref<50xi32, #tpu.memory_space<vmem>>) semaphore(%arg25 : memref<!tpu.dma_semaphore, #tpu.memory_space<semaphore_mem>>)
    %dma_start3A_30 = arith.constant 4 : i32
    %dma_start3A_31 = arith.constant 0 : i32
    %dma_start3A_32 = tpu.memref_slice %arg5[%dma_start3A_30, %dma_start3A_31] : memref<128x50xi32, #tpu.memory_space<vmem>> -> memref<1x50xi32, #tpu.memory_space<vmem>>
    %dma_start3A_33 = tpu.memref_squeeze %dma_start3A_32 : memref<1x50xi32, #tpu.memory_space<vmem>> -> memref<50xi32, #tpu.memory_space<vmem>>
    %dma_start3A_34 = arith.constant 0 : i32
    %dma_start3A_35 = arith.constant 0 : i32
    %dma_start3A_36 = tpu.memref_slice %arg3[%dma_start3A_34, %dma_start3A_35] : memref<100000x128xf32, #tpu.memory_space<hbm>> -> memref<100000x128xf32, #tpu.memory_space<hbm>>
    tpu.enqueue_indirect_dma source(%dma_start3A_36 : memref<100000x128xf32, #tpu.memory_space<hbm>>) target(%arg10 : memref<50x128xf32, #tpu.memory_space<vmem>>) offsets(%dma_start3A_33 : memref<50xi32, #tpu.memory_space<vmem>>) semaphore(%arg26 : memref<!tpu.dma_semaphore, #tpu.memory_space<semaphore_mem>>)
    %dma_start3A_37 = arith.constant 5 : i32
    %dma_start3A_38 = arith.constant 0 : i32
    %dma_start3A_39 = tpu.memref_slice %arg5[%dma_start3A_37, %dma_start3A_38] : memref<128x50xi32, #tpu.memory_space<vmem>> -> memref<1x50xi32, #tpu.memory_space<vmem>>
    %dma_start3A_40 = tpu.memref_squeeze %dma_start3A_39 : memref<1x50xi32, #tpu.memory_space<vmem>> -> memref<50xi32, #tpu.memory_space<vmem>>
    %dma_start3A_41 = arith.constant 0 : i32
    %dma_start3A_42 = arith.constant 0 : i32
    %dma_start3A_43 = tpu.memref_slice %arg3[%dma_start3A_41, %dma_start3A_42] : memref<100000x128xf32, #tpu.memory_space<hbm>> -> memref<100000x128xf32, #tpu.memory_space<hbm>>
    tpu.enqueue_indirect_dma source(%dma_start3A_43 : memref<100000x128xf32, #tpu.memory_space<hbm>>) target(%arg11 : memref<50x128xf32, #tpu.memory_space<vmem>>) offsets(%dma_start3A_40 : memref<50xi32, #tpu.memory_space<vmem>>) semaphore(%arg27 : memref<!tpu.dma_semaphore, #tpu.memory_space<semaphore_mem>>)
    %dma_start3A_44 = arith.constant 6 : i32
    %dma_start3A_45 = arith.constant 0 : i32
    %dma_start3A_46 = tpu.memref_slice %arg5[%dma_start3A_44, %dma_start3A_45] : memref<128x50xi32, #tpu.memory_space<vmem>> -> memref<1x50xi32, #tpu.memory_space<vmem>>
    %dma_start3A_47 = tpu.memref_squeeze %dma_start3A_46 : memref<1x50xi32, #tpu.memory_space<vmem>> -> memref<50xi32, #tpu.memory_space<vmem>>
    %dma_start3A_48 = arith.constant 0 : i32
    %dma_start3A_49 = arith.constant 0 : i32
    %dma_start3A_50 = tpu.memref_slice %arg3[%dma_start3A_48, %dma_start3A_49] : memref<100000x128xf32, #tpu.memory_space<hbm>> -> memref<100000x128xf32, #tpu.memory_space<hbm>>
    tpu.enqueue_indirect_dma source(%dma_start3A_50 : memref<100000x128xf32, #tpu.memory_space<hbm>>) target(%arg12 : memref<50x128xf32, #tpu.memory_space<vmem>>) offsets(%dma_start3A_47 : memref<50xi32, #tpu.memory_space<vmem>>) semaphore(%arg28 : memref<!tpu.dma_semaphore, #tpu.memory_space<semaphore_mem>>)
    %dma_start3A_51 = arith.constant 7 : i32
    %dma_start3A_52 = arith.constant 0 : i32
    %dma_start3A_53 = tpu.memref_slice %arg5[%dma_start3A_51, %dma_start3A_52] : memref<128x50xi32, #tpu.memory_space<vmem>> -> memref<1x50xi32, #tpu.memory_space<vmem>>
    %dma_start3A_54 = tpu.memref_squeeze %dma_start3A_53 : memref<1x50xi32, #tpu.memory_space<vmem>> -> memref<50xi32, #tpu.memory_space<vmem>>
    %dma_start3A_55 = arith.constant 0 : i32
    %dma_start3A_56 = arith.constant 0 : i32
    %dma_start3A_57 = tpu.memref_slice %arg3[%dma_start3A_55, %dma_start3A_56] : memref<100000x128xf32, #tpu.memory_space<hbm>> -> memref<100000x128xf32, #tpu.memory_space<hbm>>
    tpu.enqueue_indirect_dma source(%dma_start3A_57 : memref<100000x128xf32, #tpu.memory_space<hbm>>) target(%arg13 : memref<50x128xf32, #tpu.memory_space<vmem>>) offsets(%dma_start3A_54 : memref<50xi32, #tpu.memory_space<vmem>>) semaphore(%arg29 : memref<!tpu.dma_semaphore, #tpu.memory_space<semaphore_mem>>)
    %scan3A = arith.constant 0 : i32
    %scan3A_58 = arith.constant 0 : i32
    %scan3A_59 = arith.constant 16 : i32
    %scan3A_60 = arith.addi %scan3A_58, %scan3A_59 : i32
    %scan3A_61 = arith.constant 1 : i32
    scf.for %scan3A_142 = %scan3A_58 to %scan3A_60 step %scan3A_61  : i32 {
      %mul3A_143 = arith.constant 8 : i32
      %mul3A_144 = arith.muli %scan3A_142, %mul3A_143 : i32
      %add3A_145 = arith.constant 0 : i32
      %add3A_146 = arith.addi %mul3A_144, %add3A_145 : i32
      %dma_wait3A_147 = arith.constant 0 : i32
      %dma_wait3A_148 = tpu.memref_slice %arg5[%add3A_146, %dma_wait3A_147] : memref<128x50xi32, #tpu.memory_space<vmem>> -> memref<1x50xi32, #tpu.memory_space<vmem>>
      %dma_wait3A_149 = tpu.memref_squeeze %dma_wait3A_148 : memref<1x50xi32, #tpu.memory_space<vmem>> -> memref<50xi32, #tpu.memory_space<vmem>>
      %dma_wait3A_150 = arith.constant 0 : i32
      %dma_wait3A_151 = arith.constant 0 : i32
      %dma_wait3A_152 = tpu.memref_slice %arg3[%dma_wait3A_150, %dma_wait3A_151] : memref<100000x128xf32, #tpu.memory_space<hbm>> -> memref<100000x128xf32, #tpu.memory_space<hbm>>
      tpu.wait_indirect_dma semaphore(%arg22 : memref<!tpu.dma_semaphore, #tpu.memory_space<semaphore_mem>>) src(%dma_wait3A_152 : memref<100000x128xf32, #tpu.memory_space<hbm>>) dst(%arg6 : memref<50x128xf32, #tpu.memory_space<vmem>>)
      %gt3A = arith.constant 0 : i32
      %gt3A_153 = arith.cmpi sgt, %scan3A_142, %gt3A : i32
      %convert_element_type3A = arith.extui %gt3A_153 : i1 to i32
      %cond3A = arith.constant 0 : i32
      %cond3A_154 = arith.cmpi ne, %convert_element_type3A, %cond3A : i32
      scf.if %cond3A_154 {
        %sub3A = arith.constant 8 : i32
        %sub3A_801 = arith.subi %add3A_146, %sub3A : i32
        %add3A_802 = arith.addi %mul3A_2, %sub3A_801 : i32
        %dma_wait3A_803 = arith.constant 0 : i32
        %dma_wait3A_804 = arith.constant 0 : i32
        %dma_wait3A_805 = tpu.memref_slice %arg4[%add3A_802, %dma_wait3A_803, %dma_wait3A_804] : memref<4096x50x128xf32, #tpu.memory_space<hbm>> -> memref<1x50x128xf32, #tpu.memory_space<hbm>>
        %dma_wait3A_806 = tpu.memref_squeeze %dma_wait3A_805 : memref<1x50x128xf32, #tpu.memory_space<hbm>> -> memref<50x128xf32, #tpu.memory_space<hbm>>
        %dma_wait3A_807 = arith.constant 0 : i32
        %dma_wait3A_808 = arith.constant 0 : i32
        %dma_wait3A_809 = tpu.memref_slice %arg4[%add3A_802, %dma_wait3A_807, %dma_wait3A_808] : memref<4096x50x128xf32, #tpu.memory_space<hbm>> -> memref<1x50x128xf32, #tpu.memory_space<hbm>>
        %dma_wait3A_810 = tpu.memref_squeeze %dma_wait3A_809 : memref<1x50x128xf32, #tpu.memory_space<hbm>> -> memref<50x128xf32, #tpu.memory_space<hbm>>
        tpu.wait_dma2 semaphore(%arg30 : memref<!tpu.dma_semaphore, #tpu.memory_space<semaphore_mem>>) src(%arg14 : memref<50x128xf32, #tpu.memory_space<vmem>>) dst(%dma_wait3A_810 : memref<50x128xf32, #tpu.memory_space<hbm>>)
      } else {
      }
      %broadcast_in_dim3A = arith.constant 0.000000e+00 : f32
      %broadcast_in_dim3A_155 = vector.broadcast %broadcast_in_dim3A : f32 to vector<16xf32>
      %broadcast_in_dim3A_156 = arith.constant 0.000000e+00 : f32
      %broadcast_in_dim3A_157 = vector.broadcast %broadcast_in_dim3A_156 : f32 to vector<16xf32>
      %broadcast_in_dim3A_158 = arith.constant 0.000000e+00 : f32
      %broadcast_in_dim3A_159 = vector.broadcast %broadcast_in_dim3A_158 : f32 to vector<16xf32>
      %broadcast_in_dim3A_160 = arith.constant 0.000000e+00 : f32
      %broadcast_in_dim3A_161 = vector.broadcast %broadcast_in_dim3A_160 : f32 to vector<16xf32>
      %broadcast_in_dim3A_162 = arith.constant 0.000000e+00 : f32
      %broadcast_in_dim3A_163 = vector.broadcast %broadcast_in_dim3A_162 : f32 to vector<16xf32>
      %broadcast_in_dim3A_164 = arith.constant 0.000000e+00 : f32
      %broadcast_in_dim3A_165 = vector.broadcast %broadcast_in_dim3A_164 : f32 to vector<16xf32>
      %broadcast_in_dim3A_166 = arith.constant 0.000000e+00 : f32
      %broadcast_in_dim3A_167 = vector.broadcast %broadcast_in_dim3A_166 : f32 to vector<16xf32>
      %broadcast_in_dim3A_168 = arith.constant 0.000000e+00 : f32
      %broadcast_in_dim3A_169 = vector.broadcast %broadcast_in_dim3A_168 : f32 to vector<16xf32>
      %scan3A_170 = arith.constant 0 : i32
      %scan3A_171 = arith.constant 50 : i32
      %scan3A_172 = arith.addi %scan3A_170, %scan3A_171 : i32
      %scan3A_173 = arith.constant 1 : i32
      %scan3A_174:8 = scf.for %scan3A_801 = %scan3A_170 to %scan3A_172 step %scan3A_173 iter_args(%scan3A_802 = %broadcast_in_dim3A_155, %scan3A_803 = %broadcast_in_dim3A_157, %scan3A_804 = %broadcast_in_dim3A_159, %scan3A_805 = %broadcast_in_dim3A_161, %scan3A_806 = %broadcast_in_dim3A_163, %scan3A_807 = %broadcast_in_dim3A_165, %scan3A_808 = %broadcast_in_dim3A_167, %scan3A_809 = %broadcast_in_dim3A_169) -> (vector<16xf32>, vector<16xf32>, vector<16xf32>, vector<16xf32>, vector<16xf32>, vector<16xf32>, vector<16xf32>, vector<16xf32>)  : i32 {
        %get3A = arith.index_cast %scan3A_801 : i32 to index
        %get3A_810 = arith.constant 0 : index
        %get3A_811 = tpu.vector_load %arg6[%get3A, %get3A_810] {strides = array<i32>} : memref<50x128xf32, #tpu.memory_space<vmem>>, vector<1x16xf32>,
        %get3A_812 = vector.shape_cast %get3A_811 : vector<1x16xf32> to vector<16xf32>
        %add3A_813 = arith.addf %scan3A_802, %get3A_812 : vector<16xf32>
        %get3A_814 = arith.index_cast %scan3A_801 : i32 to index
        %get3A_815 = arith.constant 16 : index
        %get3A_816 = tpu.vector_load %arg6[%get3A_814, %get3A_815] {strides = array<i32>} : memref<50x128xf32, #tpu.memory_space<vmem>>, vector<1x16xf32>,
        %get3A_817 = vector.shape_cast %get3A_816 : vector<1x16xf32> to vector<16xf32>
        %add3A_818 = arith.addf %scan3A_803, %get3A_817 : vector<16xf32>
        %get3A_819 = arith.index_cast %scan3A_801 : i32 to index
        %get3A_820 = arith.constant 32 : index
        %get3A_821 = tpu.vector_load %arg6[%get3A_819, %get3A_820] {strides = array<i32>} : memref<50x128xf32, #tpu.memory_space<vmem>>, vector<1x16xf32>,
        %get3A_822 = vector.shape_cast %get3A_821 : vector<1x16xf32> to vector<16xf32>
        %add3A_823 = arith.addf %scan3A_804, %get3A_822 : vector<16xf32>
        %get3A_824 = arith.index_cast %scan3A_801 : i32 to index
        %get3A_825 = arith.constant 48 : index
        %get3A_826 = tpu.vector_load %arg6[%get3A_824, %get3A_825] {strides = array<i32>} : memref<50x128xf32, #tpu.memory_space<vmem>>, vector<1x16xf32>,
        %get3A_827 = vector.shape_cast %get3A_826 : vector<1x16xf32> to vector<16xf32>
        %add3A_828 = arith.addf %scan3A_805, %get3A_827 : vector<16xf32>
        %get3A_829 = arith.index_cast %scan3A_801 : i32 to index
        %get3A_830 = arith.constant 64 : index
        %get3A_831 = tpu.vector_load %arg6[%get3A_829, %get3A_830] {strides = array<i32>} : memref<50x128xf32, #tpu.memory_space<vmem>>, vector<1x16xf32>,
        %get3A_832 = vector.shape_cast %get3A_831 : vector<1x16xf32> to vector<16xf32>
        %add3A_833 = arith.addf %scan3A_806, %get3A_832 : vector<16xf32>
        %get3A_834 = arith.index_cast %scan3A_801 : i32 to index
        %get3A_835 = arith.constant 80 : index
        %get3A_836 = tpu.vector_load %arg6[%get3A_834, %get3A_835] {strides = array<i32>} : memref<50x128xf32, #tpu.memory_space<vmem>>, vector<1x16xf32>,
        %get3A_837 = vector.shape_cast %get3A_836 : vector<1x16xf32> to vector<16xf32>
        %add3A_838 = arith.addf %scan3A_807, %get3A_837 : vector<16xf32>
        %get3A_839 = arith.index_cast %scan3A_801 : i32 to index
        %get3A_840 = arith.constant 96 : index
        %get3A_841 = tpu.vector_load %arg6[%get3A_839, %get3A_840] {strides = array<i32>} : memref<50x128xf32, #tpu.memory_space<vmem>>, vector<1x16xf32>,
        %get3A_842 = vector.shape_cast %get3A_841 : vector<1x16xf32> to vector<16xf32>
        %add3A_843 = arith.addf %scan3A_808, %get3A_842 : vector<16xf32>
        %get3A_844 = arith.index_cast %scan3A_801 : i32 to index
        %get3A_845 = arith.constant 112 : index
        %get3A_846 = tpu.vector_load %arg6[%get3A_844, %get3A_845] {strides = array<i32>} : memref<50x128xf32, #tpu.memory_space<vmem>>, vector<1x16xf32>,
        %get3A_847 = vector.shape_cast %get3A_846 : vector<1x16xf32> to vector<16xf32>
        %add3A_848 = arith.addf %scan3A_809, %get3A_847 : vector<16xf32>
        scf.yield %add3A_813, %add3A_818, %add3A_823, %add3A_828, %add3A_833, %add3A_838, %add3A_843, %add3A_848 : vector<16xf32>, vector<16xf32>, vector<16xf32>, vector<16xf32>, vector<16xf32>, vector<16xf32>, vector<16xf32>, vector<16xf32>
      }
      %scan3A_175 = arith.constant 50 : i32
      %div3A = arith.constant 1.000000e+00 : f32
      %div3A_176 = vector.broadcast %div3A : f32 to vector<16xf32>
      %div3A_177 = arith.divf %div3A_176, %scan3A_174#0 : vector<16xf32>
      %div3A_178 = arith.constant 1.000000e+00 : f32
      %div3A_179 = vector.broadcast %div3A_178 : f32 to vector<16xf32>
      %div3A_180 = arith.divf %div3A_179, %scan3A_174#1 : vector<16xf32>
      %div3A_181 = arith.constant 1.000000e+00 : f32
      %div3A_182 = vector.broadcast %div3A_181 : f32 to vector<16xf32>
      %div3A_183 = arith.divf %div3A_182, %scan3A_174#2 : vector<16xf32>
      %div3A_184 = arith.constant 1.000000e+00 : f32
      %div3A_185 = vector.broadcast %div3A_184 : f32 to vector<16xf32>
      %div3A_186 = arith.divf %div3A_185, %scan3A_174#3 : vector<16xf32>
      %div3A_187 = arith.constant 1.000000e+00 : f32
      %div3A_188 = vector.broadcast %div3A_187 : f32 to vector<16xf32>
      %div3A_189 = arith.divf %div3A_188, %scan3A_174#4 : vector<16xf32>
      %div3A_190 = arith.constant 1.000000e+00 : f32
      %div3A_191 = vector.broadcast %div3A_190 : f32 to vector<16xf32>
      %div3A_192 = arith.divf %div3A_191, %scan3A_174#5 : vector<16xf32>
      %div3A_193 = arith.constant 1.000000e+00 : f32
      %div3A_194 = vector.broadcast %div3A_193 : f32 to vector<16xf32>
      %div3A_195 = arith.divf %div3A_194, %scan3A_174#6 : vector<16xf32>
      %div3A_196 = arith.constant 1.000000e+00 : f32
      %div3A_197 = vector.broadcast %div3A_196 : f32 to vector<16xf32>
      %div3A_198 = arith.divf %div3A_197, %scan3A_174#7 : vector<16xf32>
      %scan3A_199 = arith.constant 0 : i32
      %scan3A_200 = arith.constant 0 : i32
      %scan3A_201 = arith.constant 50 : i32
      %scan3A_202 = arith.addi %scan3A_200, %scan3A_201 : i32
      %scan3A_203 = arith.constant 1 : i32
      scf.for %scan3A_801 = %scan3A_200 to %scan3A_202 step %scan3A_203  : i32 {
        %get3A = arith.index_cast %scan3A_801 : i32 to index
        %get3A_802 = arith.constant 0 : index
        %get3A_803 = tpu.vector_load %arg6[%get3A, %get3A_802] {strides = array<i32>} : memref<50x128xf32, #tpu.memory_space<vmem>>, vector<1x16xf32>,
        %get3A_804 = vector.shape_cast %get3A_803 : vector<1x16xf32> to vector<16xf32>
        %mul3A_805 = arith.mulf %get3A_804, %div3A_177 : vector<16xf32>
        %swap3A = arith.index_cast %scan3A_801 : i32 to index
        %swap3A_806 = arith.constant 0 : index
        %swap3A_807 = tpu.vector_load %arg14[%swap3A, %swap3A_806] {strides = array<i32>} : memref<50x128xf32, #tpu.memory_space<vmem>>, vector<1x16xf32>,
        %swap3A_808 = vector.shape_cast %swap3A_807 : vector<1x16xf32> to vector<16xf32>
        %swap3A_809 = vector.shape_cast %mul3A_805 : vector<16xf32> to vector<1x16xf32>
        tpu.vector_store %arg14[%swap3A, %swap3A_806], %swap3A_809 {strides = array<i32>} : memref<50x128xf32, #tpu.memory_space<vmem>>, vector<1x16xf32>,
        %get3A_810 = arith.index_cast %scan3A_801 : i32 to index
        %get3A_811 = arith.constant 16 : index
        %get3A_812 = tpu.vector_load %arg6[%get3A_810, %get3A_811] {strides = array<i32>} : memref<50x128xf32, #tpu.memory_space<vmem>>, vector<1x16xf32>,
        %get3A_813 = vector.shape_cast %get3A_812 : vector<1x16xf32> to vector<16xf32>
        %mul3A_814 = arith.mulf %get3A_813, %div3A_180 : vector<16xf32>
        %swap3A_815 = arith.index_cast %scan3A_801 : i32 to index
        %swap3A_816 = arith.constant 16 : index
        %swap3A_817 = tpu.vector_load %arg14[%swap3A_815, %swap3A_816] {strides = array<i32>} : memref<50x128xf32, #tpu.memory_space<vmem>>, vector<1x16xf32>,
        %swap3A_818 = vector.shape_cast %swap3A_817 : vector<1x16xf32> to vector<16xf32>
        %swap3A_819 = vector.shape_cast %mul3A_814 : vector<16xf32> to vector<1x16xf32>
        tpu.vector_store %arg14[%swap3A_815, %swap3A_816], %swap3A_819 {strides = array<i32>} : memref<50x128xf32, #tpu.memory_space<vmem>>, vector<1x16xf32>,
        %get3A_820 = arith.index_cast %scan3A_801 : i32 to index
        %get3A_821 = arith.constant 32 : index
        %get3A_822 = tpu.vector_load %arg6[%get3A_820, %get3A_821] {strides = array<i32>} : memref<50x128xf32, #tpu.memory_space<vmem>>, vector<1x16xf32>,
        %get3A_823 = vector.shape_cast %get3A_822 : vector<1x16xf32> to vector<16xf32>
        %mul3A_824 = arith.mulf %get3A_823, %div3A_183 : vector<16xf32>
        %swap3A_825 = arith.index_cast %scan3A_801 : i32 to index
        %swap3A_826 = arith.constant 32 : index
        %swap3A_827 = tpu.vector_load %arg14[%swap3A_825, %swap3A_826] {strides = array<i32>} : memref<50x128xf32, #tpu.memory_space<vmem>>, vector<1x16xf32>,
        %swap3A_828 = vector.shape_cast %swap3A_827 : vector<1x16xf32> to vector<16xf32>
        %swap3A_829 = vector.shape_cast %mul3A_824 : vector<16xf32> to vector<1x16xf32>
        tpu.vector_store %arg14[%swap3A_825, %swap3A_826], %swap3A_829 {strides = array<i32>} : memref<50x128xf32, #tpu.memory_space<vmem>>, vector<1x16xf32>,
        %get3A_830 = arith.index_cast %scan3A_801 : i32 to index
        %get3A_831 = arith.constant 48 : index
        %get3A_832 = tpu.vector_load %arg6[%get3A_830, %get3A_831] {strides = array<i32>} : memref<50x128xf32, #tpu.memory_space<vmem>>, vector<1x16xf32>,
        %get3A_833 = vector.shape_cast %get3A_832 : vector<1x16xf32> to vector<16xf32>
        %mul3A_834 = arith.mulf %get3A_833, %div3A_186 : vector<16xf32>
        %swap3A_835 = arith.index_cast %scan3A_801 : i32 to index
        %swap3A_836 = arith.constant 48 : index
        %swap3A_837 = tpu.vector_load %arg14[%swap3A_835, %swap3A_836] {strides = array<i32>} : memref<50x128xf32, #tpu.memory_space<vmem>>, vector<1x16xf32>,
        %swap3A_838 = vector.shape_cast %swap3A_837 : vector<1x16xf32> to vector<16xf32>
        %swap3A_839 = vector.shape_cast %mul3A_834 : vector<16xf32> to vector<1x16xf32>
        tpu.vector_store %arg14[%swap3A_835, %swap3A_836], %swap3A_839 {strides = array<i32>} : memref<50x128xf32, #tpu.memory_space<vmem>>, vector<1x16xf32>,
        %get3A_840 = arith.index_cast %scan3A_801 : i32 to index
        %get3A_841 = arith.constant 64 : index
        %get3A_842 = tpu.vector_load %arg6[%get3A_840, %get3A_841] {strides = array<i32>} : memref<50x128xf32, #tpu.memory_space<vmem>>, vector<1x16xf32>,
        %get3A_843 = vector.shape_cast %get3A_842 : vector<1x16xf32> to vector<16xf32>
        %mul3A_844 = arith.mulf %get3A_843, %div3A_189 : vector<16xf32>
        %swap3A_845 = arith.index_cast %scan3A_801 : i32 to index
        %swap3A_846 = arith.constant 64 : index
        %swap3A_847 = tpu.vector_load %arg14[%swap3A_845, %swap3A_846] {strides = array<i32>} : memref<50x128xf32, #tpu.memory_space<vmem>>, vector<1x16xf32>,
        %swap3A_848 = vector.shape_cast %swap3A_847 : vector<1x16xf32> to vector<16xf32>
        %swap3A_849 = vector.shape_cast %mul3A_844 : vector<16xf32> to vector<1x16xf32>
        tpu.vector_store %arg14[%swap3A_845, %swap3A_846], %swap3A_849 {strides = array<i32>} : memref<50x128xf32, #tpu.memory_space<vmem>>, vector<1x16xf32>,
        %get3A_850 = arith.index_cast %scan3A_801 : i32 to index
        %get3A_851 = arith.constant 80 : index
        %get3A_852 = tpu.vector_load %arg6[%get3A_850, %get3A_851] {strides = array<i32>} : memref<50x128xf32, #tpu.memory_space<vmem>>, vector<1x16xf32>,
        %get3A_853 = vector.shape_cast %get3A_852 : vector<1x16xf32> to vector<16xf32>
        %mul3A_854 = arith.mulf %get3A_853, %div3A_192 : vector<16xf32>
        %swap3A_855 = arith.index_cast %scan3A_801 : i32 to index
        %swap3A_856 = arith.constant 80 : index
        %swap3A_857 = tpu.vector_load %arg14[%swap3A_855, %swap3A_856] {strides = array<i32>} : memref<50x128xf32, #tpu.memory_space<vmem>>, vector<1x16xf32>,
        %swap3A_858 = vector.shape_cast %swap3A_857 : vector<1x16xf32> to vector<16xf32>
        %swap3A_859 = vector.shape_cast %mul3A_854 : vector<16xf32> to vector<1x16xf32>
        tpu.vector_store %arg14[%swap3A_855, %swap3A_856], %swap3A_859 {strides = array<i32>} : memref<50x128xf32, #tpu.memory_space<vmem>>, vector<1x16xf32>,
        %get3A_860 = arith.index_cast %scan3A_801 : i32 to index
        %get3A_861 = arith.constant 96 : index
        %get3A_862 = tpu.vector_load %arg6[%get3A_860, %get3A_861] {strides = array<i32>} : memref<50x128xf32, #tpu.memory_space<vmem>>, vector<1x16xf32>,
        %get3A_863 = vector.shape_cast %get3A_862 : vector<1x16xf32> to vector<16xf32>
        %mul3A_864 = arith.mulf %get3A_863, %div3A_195 : vector<16xf32>
        %swap3A_865 = arith.index_cast %scan3A_801 : i32 to index
        %swap3A_866 = arith.constant 96 : index
        %swap3A_867 = tpu.vector_load %arg14[%swap3A_865, %swap3A_866] {strides = array<i32>} : memref<50x128xf32, #tpu.memory_space<vmem>>, vector<1x16xf32>,
        %swap3A_868 = vector.shape_cast %swap3A_867 : vector<1x16xf32> to vector<16xf32>
        %swap3A_869 = vector.shape_cast %mul3A_864 : vector<16xf32> to vector<1x16xf32>
        tpu.vector_store %arg14[%swap3A_865, %swap3A_866], %swap3A_869 {strides = array<i32>} : memref<50x128xf32, #tpu.memory_space<vmem>>, vector<1x16xf32>,
        %get3A_870 = arith.index_cast %scan3A_801 : i32 to index
        %get3A_871 = arith.constant 112 : index
        %get3A_872 = tpu.vector_load %arg6[%get3A_870, %get3A_871] {strides = array<i32>} : memref<50x128xf32, #tpu.memory_space<vmem>>, vector<1x16xf32>,
        %get3A_873 = vector.shape_cast %get3A_872 : vector<1x16xf32> to vector<16xf32>
        %mul3A_874 = arith.mulf %get3A_873, %div3A_198 : vector<16xf32>
        %swap3A_875 = arith.index_cast %scan3A_801 : i32 to index
        %swap3A_876 = arith.constant 112 : index
        %swap3A_877 = tpu.vector_load %arg14[%swap3A_875, %swap3A_876] {strides = array<i32>} : memref<50x128xf32, #tpu.memory_space<vmem>>, vector<1x16xf32>,
        %swap3A_878 = vector.shape_cast %swap3A_877 : vector<1x16xf32> to vector<16xf32>
        %swap3A_879 = vector.shape_cast %mul3A_874 : vector<16xf32> to vector<1x16xf32>
        tpu.vector_store %arg14[%swap3A_875, %swap3A_876], %swap3A_879 {strides = array<i32>} : memref<50x128xf32, #tpu.memory_space<vmem>>, vector<1x16xf32>,
      }
      %scan3A_204 = arith.constant 50 : i32
      %add3A_205 = arith.addi %mul3A_2, %add3A_146 : i32
      %dma_start3A_206 = arith.constant 0 : i32
      %dma_start3A_207 = arith.constant 0 : i32
      %dma_start3A_208 = tpu.memref_slice %arg4[%add3A_205, %dma_start3A_206, %dma_start3A_207] : memref<4096x50x128xf32, #tpu.memory_space<hbm>> -> memref<1x50x128xf32, #tpu.memory_space<hbm>>
      %dma_start3A_209 = tpu.memref_squeeze %dma_start3A_208 : memref<1x50x128xf32, #tpu.memory_space<hbm>> -> memref<50x128xf32, #tpu.memory_space<hbm>>
      %dma_start3A_210 = arith.constant 0 : i32
      %dma_start3A_211 = arith.constant 0 : i32
      %dma_start3A_212 = tpu.memref_slice %arg4[%add3A_205, %dma_start3A_210, %dma_start3A_211] : memref<4096x50x128xf32, #tpu.memory_space<hbm>> -> memref<1x50x128xf32, #tpu.memory_space<hbm>>
      %dma_start3A_213 = tpu.memref_squeeze %dma_start3A_212 : memref<1x50x128xf32, #tpu.memory_space<hbm>> -> memref<50x128xf32, #tpu.memory_space<hbm>>
      tpu.enqueue_dma source(%arg14 : memref<50x128xf32, #tpu.memory_space<vmem>>) target(%dma_start3A_213 : memref<50x128xf32, #tpu.memory_space<hbm>>) target_semaphore(%arg30 : memref<!tpu.dma_semaphore, #tpu.memory_space<semaphore_mem>>)
      %add3A_214 = arith.constant 1 : i32
      %add3A_215 = arith.addi %scan3A_142, %add3A_214 : i32
      %lt3A = arith.constant 16 : i32
      %lt3A_216 = arith.cmpi slt, %add3A_215, %lt3A : i32
      %convert_element_type3A_217 = arith.extui %lt3A_216 : i1 to i32
      %cond3A_218 = arith.constant 0 : i32
      %cond3A_219 = arith.cmpi ne, %convert_element_type3A_217, %cond3A_218 : i32
      scf.if %cond3A_219 {
        %add3A_801 = arith.constant 8 : i32
        %add3A_802 = arith.addi %add3A_146, %add3A_801 : i32
        %dma_start3A_803 = arith.constant 0 : i32
        %dma_start3A_804 = tpu.memref_slice %arg5[%add3A_802, %dma_start3A_803] : memref<128x50xi32, #tpu.memory_space<vmem>> -> memref<1x50xi32, #tpu.memory_space<vmem>>
        %dma_start3A_805 = tpu.memref_squeeze %dma_start3A_804 : memref<1x50xi32, #tpu.memory_space<vmem>> -> memref<50xi32, #tpu.memory_space<vmem>>
        %dma_start3A_806 = arith.constant 0 : i32
        %dma_start3A_807 = arith.constant 0 : i32
        %dma_start3A_808 = tpu.memref_slice %arg3[%dma_start3A_806, %dma_start3A_807] : memref<100000x128xf32, #tpu.memory_space<hbm>> -> memref<100000x128xf32, #tpu.memory_space<hbm>>
        tpu.enqueue_indirect_dma source(%dma_start3A_808 : memref<100000x128xf32, #tpu.memory_space<hbm>>) target(%arg6 : memref<50x128xf32, #tpu.memory_space<vmem>>) offsets(%dma_start3A_805 : memref<50xi32, #tpu.memory_space<vmem>>) semaphore(%arg22 : memref<!tpu.dma_semaphore, #tpu.memory_space<semaphore_mem>>)
      } else {
      }
      %mul3A_220 = arith.constant 8 : i32
      %mul3A_221 = arith.muli %scan3A_142, %mul3A_220 : i32
      %add3A_222 = arith.constant 1 : i32
      %add3A_223 = arith.addi %mul3A_221, %add3A_222 : i32
      %dma_wait3A_224 = arith.constant 0 : i32
      %dma_wait3A_225 = tpu.memref_slice %arg5[%add3A_223, %dma_wait3A_224] : memref<128x50xi32, #tpu.memory_space<vmem>> -> memref<1x50xi32, #tpu.memory_space<vmem>>
      %dma_wait3A_226 = tpu.memref_squeeze %dma_wait3A_225 : memref<1x50xi32, #tpu.memory_space<vmem>> -> memref<50xi32, #tpu.memory_space<vmem>>
      %dma_wait3A_227 = arith.constant 0 : i32
      %dma_wait3A_228 = arith.constant 0 : i32
      %dma_wait3A_229 = tpu.memref_slice %arg3[%dma_wait3A_227, %dma_wait3A_228] : memref<100000x128xf32, #tpu.memory_space<hbm>> -> memref<100000x128xf32, #tpu.memory_space<hbm>>
      tpu.wait_indirect_dma semaphore(%arg23 : memref<!tpu.dma_semaphore, #tpu.memory_space<semaphore_mem>>) src(%dma_wait3A_229 : memref<100000x128xf32, #tpu.memory_space<hbm>>) dst(%arg7 : memref<50x128xf32, #tpu.memory_space<vmem>>)
      %gt3A_230 = arith.constant 0 : i32
      %gt3A_231 = arith.cmpi sgt, %scan3A_142, %gt3A_230 : i32
      %convert_element_type3A_232 = arith.extui %gt3A_231 : i1 to i32
      %cond3A_233 = arith.constant 0 : i32
      %cond3A_234 = arith.cmpi ne, %convert_element_type3A_232, %cond3A_233 : i32
      scf.if %cond3A_234 {
        %sub3A = arith.constant 8 : i32
        %sub3A_801 = arith.subi %add3A_223, %sub3A : i32
        %add3A_802 = arith.addi %mul3A_2, %sub3A_801 : i32
        %dma_wait3A_803 = arith.constant 0 : i32
        %dma_wait3A_804 = arith.constant 0 : i32
        %dma_wait3A_805 = tpu.memref_slice %arg4[%add3A_802, %dma_wait3A_803, %dma_wait3A_804] : memref<4096x50x128xf32, #tpu.memory_space<hbm>> -> memref<1x50x128xf32, #tpu.memory_space<hbm>>
        %dma_wait3A_806 = tpu.memref_squeeze %dma_wait3A_805 : memref<1x50x128xf32, #tpu.memory_space<hbm>> -> memref<50x128xf32, #tpu.memory_space<hbm>>
        %dma_wait3A_807 = arith.constant 0 : i32
        %dma_wait3A_808 = arith.constant 0 : i32
        %dma_wait3A_809 = tpu.memref_slice %arg4[%add3A_802, %dma_wait3A_807, %dma_wait3A_808] : memref<4096x50x128xf32, #tpu.memory_space<hbm>> -> memref<1x50x128xf32, #tpu.memory_space<hbm>>
        %dma_wait3A_810 = tpu.memref_squeeze %dma_wait3A_809 : memref<1x50x128xf32, #tpu.memory_space<hbm>> -> memref<50x128xf32, #tpu.memory_space<hbm>>
        tpu.wait_dma2 semaphore(%arg31 : memref<!tpu.dma_semaphore, #tpu.memory_space<semaphore_mem>>) src(%arg15 : memref<50x128xf32, #tpu.memory_space<vmem>>) dst(%dma_wait3A_810 : memref<50x128xf32, #tpu.memory_space<hbm>>)
      } else {
      }
      %broadcast_in_dim3A_235 = arith.constant 0.000000e+00 : f32
      %broadcast_in_dim3A_236 = vector.broadcast %broadcast_in_dim3A_235 : f32 to vector<16xf32>
      %broadcast_in_dim3A_237 = arith.constant 0.000000e+00 : f32
      %broadcast_in_dim3A_238 = vector.broadcast %broadcast_in_dim3A_237 : f32 to vector<16xf32>
      %broadcast_in_dim3A_239 = arith.constant 0.000000e+00 : f32
      %broadcast_in_dim3A_240 = vector.broadcast %broadcast_in_dim3A_239 : f32 to vector<16xf32>
      %broadcast_in_dim3A_241 = arith.constant 0.000000e+00 : f32
      %broadcast_in_dim3A_242 = vector.broadcast %broadcast_in_dim3A_241 : f32 to vector<16xf32>
      %broadcast_in_dim3A_243 = arith.constant 0.000000e+00 : f32
      %broadcast_in_dim3A_244 = vector.broadcast %broadcast_in_dim3A_243 : f32 to vector<16xf32>
      %broadcast_in_dim3A_245 = arith.constant 0.000000e+00 : f32
      %broadcast_in_dim3A_246 = vector.broadcast %broadcast_in_dim3A_245 : f32 to vector<16xf32>
      %broadcast_in_dim3A_247 = arith.constant 0.000000e+00 : f32
      %broadcast_in_dim3A_248 = vector.broadcast %broadcast_in_dim3A_247 : f32 to vector<16xf32>
      %broadcast_in_dim3A_249 = arith.constant 0.000000e+00 : f32
      %broadcast_in_dim3A_250 = vector.broadcast %broadcast_in_dim3A_249 : f32 to vector<16xf32>
      %scan3A_251 = arith.constant 0 : i32
      %scan3A_252 = arith.constant 50 : i32
      %scan3A_253 = arith.addi %scan3A_251, %scan3A_252 : i32
      %scan3A_254 = arith.constant 1 : i32
      %scan3A_255:8 = scf.for %scan3A_801 = %scan3A_251 to %scan3A_253 step %scan3A_254 iter_args(%scan3A_802 = %broadcast_in_dim3A_236, %scan3A_803 = %broadcast_in_dim3A_238, %scan3A_804 = %broadcast_in_dim3A_240, %scan3A_805 = %broadcast_in_dim3A_242, %scan3A_806 = %broadcast_in_dim3A_244, %scan3A_807 = %broadcast_in_dim3A_246, %scan3A_808 = %broadcast_in_dim3A_248, %scan3A_809 = %broadcast_in_dim3A_250) -> (vector<16xf32>, vector<16xf32>, vector<16xf32>, vector<16xf32>, vector<16xf32>, vector<16xf32>, vector<16xf32>, vector<16xf32>)  : i32 {
        %get3A = arith.index_cast %scan3A_801 : i32 to index
        %get3A_810 = arith.constant 0 : index
        %get3A_811 = tpu.vector_load %arg7[%get3A, %get3A_810] {strides = array<i32>} : memref<50x128xf32, #tpu.memory_space<vmem>>, vector<1x16xf32>,
        %get3A_812 = vector.shape_cast %get3A_811 : vector<1x16xf32> to vector<16xf32>
        %add3A_813 = arith.addf %scan3A_802, %get3A_812 : vector<16xf32>
        %get3A_814 = arith.index_cast %scan3A_801 : i32 to index
        %get3A_815 = arith.constant 16 : index
        %get3A_816 = tpu.vector_load %arg7[%get3A_814, %get3A_815] {strides = array<i32>} : memref<50x128xf32, #tpu.memory_space<vmem>>, vector<1x16xf32>,
        %get3A_817 = vector.shape_cast %get3A_816 : vector<1x16xf32> to vector<16xf32>
        %add3A_818 = arith.addf %scan3A_803, %get3A_817 : vector<16xf32>
        %get3A_819 = arith.index_cast %scan3A_801 : i32 to index
        %get3A_820 = arith.constant 32 : index
        %get3A_821 = tpu.vector_load %arg7[%get3A_819, %get3A_820] {strides = array<i32>} : memref<50x128xf32, #tpu.memory_space<vmem>>, vector<1x16xf32>,
        %get3A_822 = vector.shape_cast %get3A_821 : vector<1x16xf32> to vector<16xf32>
        %add3A_823 = arith.addf %scan3A_804, %get3A_822 : vector<16xf32>
        %get3A_824 = arith.index_cast %scan3A_801 : i32 to index
        %get3A_825 = arith.constant 48 : index
        %get3A_826 = tpu.vector_load %arg7[%get3A_824, %get3A_825] {strides = array<i32>} : memref<50x128xf32, #tpu.memory_space<vmem>>, vector<1x16xf32>,
        %get3A_827 = vector.shape_cast %get3A_826 : vector<1x16xf32> to vector<16xf32>
        %add3A_828 = arith.addf %scan3A_805, %get3A_827 : vector<16xf32>
        %get3A_829 = arith.index_cast %scan3A_801 : i32 to index
        %get3A_830 = arith.constant 64 : index
        %get3A_831 = tpu.vector_load %arg7[%get3A_829, %get3A_830] {strides = array<i32>} : memref<50x128xf32, #tpu.memory_space<vmem>>, vector<1x16xf32>,
        %get3A_832 = vector.shape_cast %get3A_831 : vector<1x16xf32> to vector<16xf32>
        %add3A_833 = arith.addf %scan3A_806, %get3A_832 : vector<16xf32>
        %get3A_834 = arith.index_cast %scan3A_801 : i32 to index
        %get3A_835 = arith.constant 80 : index
        %get3A_836 = tpu.vector_load %arg7[%get3A_834, %get3A_835] {strides = array<i32>} : memref<50x128xf32, #tpu.memory_space<vmem>>, vector<1x16xf32>,
        %get3A_837 = vector.shape_cast %get3A_836 : vector<1x16xf32> to vector<16xf32>
        %add3A_838 = arith.addf %scan3A_807, %get3A_837 : vector<16xf32>
        %get3A_839 = arith.index_cast %scan3A_801 : i32 to index
        %get3A_840 = arith.constant 96 : index
        %get3A_841 = tpu.vector_load %arg7[%get3A_839, %get3A_840] {strides = array<i32>} : memref<50x128xf32, #tpu.memory_space<vmem>>, vector<1x16xf32>,
        %get3A_842 = vector.shape_cast %get3A_841 : vector<1x16xf32> to vector<16xf32>
        %add3A_843 = arith.addf %scan3A_808, %get3A_842 : vector<16xf32>
        %get3A_844 = arith.index_cast %scan3A_801 : i32 to index
        %get3A_845 = arith.constant 112 : index
        %get3A_846 = tpu.vector_load %arg7[%get3A_844, %get3A_845] {strides = array<i32>} : memref<50x128xf32, #tpu.memory_space<vmem>>, vector<1x16xf32>,
        %get3A_847 = vector.shape_cast %get3A_846 : vector<1x16xf32> to vector<16xf32>
        %add3A_848 = arith.addf %scan3A_809, %get3A_847 : vector<16xf32>
        scf.yield %add3A_813, %add3A_818, %add3A_823, %add3A_828, %add3A_833, %add3A_838, %add3A_843, %add3A_848 : vector<16xf32>, vector<16xf32>, vector<16xf32>, vector<16xf32>, vector<16xf32>, vector<16xf32>, vector<16xf32>, vector<16xf32>
      }
      %scan3A_256 = arith.constant 50 : i32
      %div3A_257 = arith.constant 1.000000e+00 : f32
      %div3A_258 = vector.broadcast %div3A_257 : f32 to vector<16xf32>
      %div3A_259 = arith.divf %div3A_258, %scan3A_255#0 : vector<16xf32>
      %div3A_260 = arith.constant 1.000000e+00 : f32
      %div3A_261 = vector.broadcast %div3A_260 : f32 to vector<16xf32>
      %div3A_262 = arith.divf %div3A_261, %scan3A_255#1 : vector<16xf32>
      %div3A_263 = arith.constant 1.000000e+00 : f32
      %div3A_264 = vector.broadcast %div3A_263 : f32 to vector<16xf32>
      %div3A_265 = arith.divf %div3A_264, %scan3A_255#2 : vector<16xf32>
      %div3A_266 = arith.constant 1.000000e+00 : f32
      %div3A_267 = vector.broadcast %div3A_266 : f32 to vector<16xf32>
      %div3A_268 = arith.divf %div3A_267, %scan3A_255#3 : vector<16xf32>
      %div3A_269 = arith.constant 1.000000e+00 : f32
      %div3A_270 = vector.broadcast %div3A_269 : f32 to vector<16xf32>
      %div3A_271 = arith.divf %div3A_270, %scan3A_255#4 : vector<16xf32>
      %div3A_272 = arith.constant 1.000000e+00 : f32
      %div3A_273 = vector.broadcast %div3A_272 : f32 to vector<16xf32>
      %div3A_274 = arith.divf %div3A_273, %scan3A_255#5 : vector<16xf32>
      %div3A_275 = arith.constant 1.000000e+00 : f32
      %div3A_276 = vector.broadcast %div3A_275 : f32 to vector<16xf32>
      %div3A_277 = arith.divf %div3A_276, %scan3A_255#6 : vector<16xf32>
      %div3A_278 = arith.constant 1.000000e+00 : f32
      %div3A_279 = vector.broadcast %div3A_278 : f32 to vector<16xf32>
      %div3A_280 = arith.divf %div3A_279, %scan3A_255#7 : vector<16xf32>
      %scan3A_281 = arith.constant 0 : i32
      %scan3A_282 = arith.constant 0 : i32
      %scan3A_283 = arith.constant 50 : i32
      %scan3A_284 = arith.addi %scan3A_282, %scan3A_283 : i32
      %scan3A_285 = arith.constant 1 : i32
      scf.for %scan3A_801 = %scan3A_282 to %scan3A_284 step %scan3A_285  : i32 {
        %get3A = arith.index_cast %scan3A_801 : i32 to index
        %get3A_802 = arith.constant 0 : index
        %get3A_803 = tpu.vector_load %arg7[%get3A, %get3A_802] {strides = array<i32>} : memref<50x128xf32, #tpu.memory_space<vmem>>, vector<1x16xf32>,
        %get3A_804 = vector.shape_cast %get3A_803 : vector<1x16xf32> to vector<16xf32>
        %mul3A_805 = arith.mulf %get3A_804, %div3A_259 : vector<16xf32>
        %swap3A = arith.index_cast %scan3A_801 : i32 to index
        %swap3A_806 = arith.constant 0 : index
        %swap3A_807 = tpu.vector_load %arg15[%swap3A, %swap3A_806] {strides = array<i32>} : memref<50x128xf32, #tpu.memory_space<vmem>>, vector<1x16xf32>,
        %swap3A_808 = vector.shape_cast %swap3A_807 : vector<1x16xf32> to vector<16xf32>
        %swap3A_809 = vector.shape_cast %mul3A_805 : vector<16xf32> to vector<1x16xf32>
        tpu.vector_store %arg15[%swap3A, %swap3A_806], %swap3A_809 {strides = array<i32>} : memref<50x128xf32, #tpu.memory_space<vmem>>, vector<1x16xf32>,
        %get3A_810 = arith.index_cast %scan3A_801 : i32 to index
        %get3A_811 = arith.constant 16 : index
        %get3A_812 = tpu.vector_load %arg7[%get3A_810, %get3A_811] {strides = array<i32>} : memref<50x128xf32, #tpu.memory_space<vmem>>, vector<1x16xf32>,
        %get3A_813 = vector.shape_cast %get3A_812 : vector<1x16xf32> to vector<16xf32>
        %mul3A_814 = arith.mulf %get3A_813, %div3A_262 : vector<16xf32>
        %swap3A_815 = arith.index_cast %scan3A_801 : i32 to index
        %swap3A_816 = arith.constant 16 : index
        %swap3A_817 = tpu.vector_load %arg15[%swap3A_815, %swap3A_816] {strides = array<i32>} : memref<50x128xf32, #tpu.memory_space<vmem>>, vector<1x16xf32>,
        %swap3A_818 = vector.shape_cast %swap3A_817 : vector<1x16xf32> to vector<16xf32>
        %swap3A_819 = vector.shape_cast %mul3A_814 : vector<16xf32> to vector<1x16xf32>
        tpu.vector_store %arg15[%swap3A_815, %swap3A_816], %swap3A_819 {strides = array<i32>} : memref<50x128xf32, #tpu.memory_space<vmem>>, vector<1x16xf32>,
        %get3A_820 = arith.index_cast %scan3A_801 : i32 to index
        %get3A_821 = arith.constant 32 : index
        %get3A_822 = tpu.vector_load %arg7[%get3A_820, %get3A_821] {strides = array<i32>} : memref<50x128xf32, #tpu.memory_space<vmem>>, vector<1x16xf32>,
        %get3A_823 = vector.shape_cast %get3A_822 : vector<1x16xf32> to vector<16xf32>
        %mul3A_824 = arith.mulf %get3A_823, %div3A_265 : vector<16xf32>
        %swap3A_825 = arith.index_cast %scan3A_801 : i32 to index
        %swap3A_826 = arith.constant 32 : index
        %swap3A_827 = tpu.vector_load %arg15[%swap3A_825, %swap3A_826] {strides = array<i32>} : memref<50x128xf32, #tpu.memory_space<vmem>>, vector<1x16xf32>,
        %swap3A_828 = vector.shape_cast %swap3A_827 : vector<1x16xf32> to vector<16xf32>
        %swap3A_829 = vector.shape_cast %mul3A_824 : vector<16xf32> to vector<1x16xf32>
        tpu.vector_store %arg15[%swap3A_825, %swap3A_826], %swap3A_829 {strides = array<i32>} : memref<50x128xf32, #tpu.memory_space<vmem>>, vector<1x16xf32>,
        %get3A_830 = arith.index_cast %scan3A_801 : i32 to index
        %get3A_831 = arith.constant 48 : index
        %get3A_832 = tpu.vector_load %arg7[%get3A_830, %get3A_831] {strides = array<i32>} : memref<50x128xf32, #tpu.memory_space<vmem>>, vector<1x16xf32>,
        %get3A_833 = vector.shape_cast %get3A_832 : vector<1x16xf32> to vector<16xf32>
        %mul3A_834 = arith.mulf %get3A_833, %div3A_268 : vector<16xf32>
        %swap3A_835 = arith.index_cast %scan3A_801 : i32 to index
        %swap3A_836 = arith.constant 48 : index
        %swap3A_837 = tpu.vector_load %arg15[%swap3A_835, %swap3A_836] {strides = array<i32>} : memref<50x128xf32, #tpu.memory_space<vmem>>, vector<1x16xf32>,
        %swap3A_838 = vector.shape_cast %swap3A_837 : vector<1x16xf32> to vector<16xf32>
        %swap3A_839 = vector.shape_cast %mul3A_834 : vector<16xf32> to vector<1x16xf32>
        tpu.vector_store %arg15[%swap3A_835, %swap3A_836], %swap3A_839 {strides = array<i32>} : memref<50x128xf32, #tpu.memory_space<vmem>>, vector<1x16xf32>,
        %get3A_840 = arith.index_cast %scan3A_801 : i32 to index
        %get3A_841 = arith.constant 64 : index
        %get3A_842 = tpu.vector_load %arg7[%get3A_840, %get3A_841] {strides = array<i32>} : memref<50x128xf32, #tpu.memory_space<vmem>>, vector<1x16xf32>,
        %get3A_843 = vector.shape_cast %get3A_842 : vector<1x16xf32> to vector<16xf32>
        %mul3A_844 = arith.mulf %get3A_843, %div3A_271 : vector<16xf32>
        %swap3A_845 = arith.index_cast %scan3A_801 : i32 to index
        %swap3A_846 = arith.constant 64 : index
        %swap3A_847 = tpu.vector_load %arg15[%swap3A_845, %swap3A_846] {strides = array<i32>} : memref<50x128xf32, #tpu.memory_space<vmem>>, vector<1x16xf32>,
        %swap3A_848 = vector.shape_cast %swap3A_847 : vector<1x16xf32> to vector<16xf32>
        %swap3A_849 = vector.shape_cast %mul3A_844 : vector<16xf32> to vector<1x16xf32>
        tpu.vector_store %arg15[%swap3A_845, %swap3A_846], %swap3A_849 {strides = array<i32>} : memref<50x128xf32, #tpu.memory_space<vmem>>, vector<1x16xf32>,
        %get3A_850 = arith.index_cast %scan3A_801 : i32 to index
        %get3A_851 = arith.constant 80 : index
        %get3A_852 = tpu.vector_load %arg7[%get3A_850, %get3A_851] {strides = array<i32>} : memref<50x128xf32, #tpu.memory_space<vmem>>, vector<1x16xf32>,
        %get3A_853 = vector.shape_cast %get3A_852 : vector<1x16xf32> to vector<16xf32>
        %mul3A_854 = arith.mulf %get3A_853, %div3A_274 : vector<16xf32>
        %swap3A_855 = arith.index_cast %scan3A_801 : i32 to index
        %swap3A_856 = arith.constant 80 : index
        %swap3A_857 = tpu.vector_load %arg15[%swap3A_855, %swap3A_856] {strides = array<i32>} : memref<50x128xf32, #tpu.memory_space<vmem>>, vector<1x16xf32>,
        %swap3A_858 = vector.shape_cast %swap3A_857 : vector<1x16xf32> to vector<16xf32>
        %swap3A_859 = vector.shape_cast %mul3A_854 : vector<16xf32> to vector<1x16xf32>
        tpu.vector_store %arg15[%swap3A_855, %swap3A_856], %swap3A_859 {strides = array<i32>} : memref<50x128xf32, #tpu.memory_space<vmem>>, vector<1x16xf32>,
        %get3A_860 = arith.index_cast %scan3A_801 : i32 to index
        %get3A_861 = arith.constant 96 : index
        %get3A_862 = tpu.vector_load %arg7[%get3A_860, %get3A_861] {strides = array<i32>} : memref<50x128xf32, #tpu.memory_space<vmem>>, vector<1x16xf32>,
        %get3A_863 = vector.shape_cast %get3A_862 : vector<1x16xf32> to vector<16xf32>
        %mul3A_864 = arith.mulf %get3A_863, %div3A_277 : vector<16xf32>
        %swap3A_865 = arith.index_cast %scan3A_801 : i32 to index
        %swap3A_866 = arith.constant 96 : index
        %swap3A_867 = tpu.vector_load %arg15[%swap3A_865, %swap3A_866] {strides = array<i32>} : memref<50x128xf32, #tpu.memory_space<vmem>>, vector<1x16xf32>,
        %swap3A_868 = vector.shape_cast %swap3A_867 : vector<1x16xf32> to vector<16xf32>
        %swap3A_869 = vector.shape_cast %mul3A_864 : vector<16xf32> to vector<1x16xf32>
        tpu.vector_store %arg15[%swap3A_865, %swap3A_866], %swap3A_869 {strides = array<i32>} : memref<50x128xf32, #tpu.memory_space<vmem>>, vector<1x16xf32>,
        %get3A_870 = arith.index_cast %scan3A_801 : i32 to index
        %get3A_871 = arith.constant 112 : index
        %get3A_872 = tpu.vector_load %arg7[%get3A_870, %get3A_871] {strides = array<i32>} : memref<50x128xf32, #tpu.memory_space<vmem>>, vector<1x16xf32>,
        %get3A_873 = vector.shape_cast %get3A_872 : vector<1x16xf32> to vector<16xf32>
        %mul3A_874 = arith.mulf %get3A_873, %div3A_280 : vector<16xf32>
        %swap3A_875 = arith.index_cast %scan3A_801 : i32 to index
        %swap3A_876 = arith.constant 112 : index
        %swap3A_877 = tpu.vector_load %arg15[%swap3A_875, %swap3A_876] {strides = array<i32>} : memref<50x128xf32, #tpu.memory_space<vmem>>, vector<1x16xf32>,
        %swap3A_878 = vector.shape_cast %swap3A_877 : vector<1x16xf32> to vector<16xf32>
        %swap3A_879 = vector.shape_cast %mul3A_874 : vector<16xf32> to vector<1x16xf32>
        tpu.vector_store %arg15[%swap3A_875, %swap3A_876], %swap3A_879 {strides = array<i32>} : memref<50x128xf32, #tpu.memory_space<vmem>>, vector<1x16xf32>,
      }
      %scan3A_286 = arith.constant 50 : i32
      %add3A_287 = arith.addi %mul3A_2, %add3A_223 : i32
      %dma_start3A_288 = arith.constant 0 : i32
      %dma_start3A_289 = arith.constant 0 : i32
      %dma_start3A_290 = tpu.memref_slice %arg4[%add3A_287, %dma_start3A_288, %dma_start3A_289] : memref<4096x50x128xf32, #tpu.memory_space<hbm>> -> memref<1x50x128xf32, #tpu.memory_space<hbm>>
      %dma_start3A_291 = tpu.memref_squeeze %dma_start3A_290 : memref<1x50x128xf32, #tpu.memory_space<hbm>> -> memref<50x128xf32, #tpu.memory_space<hbm>>
      %dma_start3A_292 = arith.constant 0 : i32
      %dma_start3A_293 = arith.constant 0 : i32
      %dma_start3A_294 = tpu.memref_slice %arg4[%add3A_287, %dma_start3A_292, %dma_start3A_293] : memref<4096x50x128xf32, #tpu.memory_space<hbm>> -> memref<1x50x128xf32, #tpu.memory_space<hbm>>
      %dma_start3A_295 = tpu.memref_squeeze %dma_start3A_294 : memref<1x50x128xf32, #tpu.memory_space<hbm>> -> memref<50x128xf32, #tpu.memory_space<hbm>>
      tpu.enqueue_dma source(%arg15 : memref<50x128xf32, #tpu.memory_space<vmem>>) target(%dma_start3A_295 : memref<50x128xf32, #tpu.memory_space<hbm>>) target_semaphore(%arg31 : memref<!tpu.dma_semaphore, #tpu.memory_space<semaphore_mem>>)
      %add3A_296 = arith.constant 1 : i32
      %add3A_297 = arith.addi %scan3A_142, %add3A_296 : i32
      %lt3A_298 = arith.constant 16 : i32
      %lt3A_299 = arith.cmpi slt, %add3A_297, %lt3A_298 : i32
      %convert_element_type3A_300 = arith.extui %lt3A_299 : i1 to i32
      %cond3A_301 = arith.constant 0 : i32
      %cond3A_302 = arith.cmpi ne, %convert_element_type3A_300, %cond3A_301 : i32
      scf.if %cond3A_302 {
        %add3A_801 = arith.constant 8 : i32
        %add3A_802 = arith.addi %add3A_223, %add3A_801 : i32
        %dma_start3A_803 = arith.constant 0 : i32
        %dma_start3A_804 = tpu.memref_slice %arg5[%add3A_802, %dma_start3A_803] : memref<128x50xi32, #tpu.memory_space<vmem>> -> memref<1x50xi32, #tpu.memory_space<vmem>>
        %dma_start3A_805 = tpu.memref_squeeze %dma_start3A_804 : memref<1x50xi32, #tpu.memory_space<vmem>> -> memref<50xi32, #tpu.memory_space<vmem>>
        %dma_start3A_806 = arith.constant 0 : i32
        %dma_start3A_807 = arith.constant 0 : i32
        %dma_start3A_808 = tpu.memref_slice %arg3[%dma_start3A_806, %dma_start3A_807] : memref<100000x128xf32, #tpu.memory_space<hbm>> -> memref<100000x128xf32, #tpu.memory_space<hbm>>
        tpu.enqueue_indirect_dma source(%dma_start3A_808 : memref<100000x128xf32, #tpu.memory_space<hbm>>) target(%arg7 : memref<50x128xf32, #tpu.memory_space<vmem>>) offsets(%dma_start3A_805 : memref<50xi32, #tpu.memory_space<vmem>>) semaphore(%arg23 : memref<!tpu.dma_semaphore, #tpu.memory_space<semaphore_mem>>)
      } else {
      }
      %mul3A_303 = arith.constant 8 : i32
      %mul3A_304 = arith.muli %scan3A_142, %mul3A_303 : i32
      %add3A_305 = arith.constant 2 : i32
      %add3A_306 = arith.addi %mul3A_304, %add3A_305 : i32
      %dma_wait3A_307 = arith.constant 0 : i32
      %dma_wait3A_308 = tpu.memref_slice %arg5[%add3A_306, %dma_wait3A_307] : memref<128x50xi32, #tpu.memory_space<vmem>> -> memref<1x50xi32, #tpu.memory_space<vmem>>
      %dma_wait3A_309 = tpu.memref_squeeze %dma_wait3A_308 : memref<1x50xi32, #tpu.memory_space<vmem>> -> memref<50xi32, #tpu.memory_space<vmem>>
      %dma_wait3A_310 = arith.constant 0 : i32
      %dma_wait3A_311 = arith.constant 0 : i32
      %dma_wait3A_312 = tpu.memref_slice %arg3[%dma_wait3A_310, %dma_wait3A_311] : memref<100000x128xf32, #tpu.memory_space<hbm>> -> memref<100000x128xf32, #tpu.memory_space<hbm>>
      tpu.wait_indirect_dma semaphore(%arg24 : memref<!tpu.dma_semaphore, #tpu.memory_space<semaphore_mem>>) src(%dma_wait3A_312 : memref<100000x128xf32, #tpu.memory_space<hbm>>) dst(%arg8 : memref<50x128xf32, #tpu.memory_space<vmem>>)
      %gt3A_313 = arith.constant 0 : i32
      %gt3A_314 = arith.cmpi sgt, %scan3A_142, %gt3A_313 : i32
      %convert_element_type3A_315 = arith.extui %gt3A_314 : i1 to i32
      %cond3A_316 = arith.constant 0 : i32
      %cond3A_317 = arith.cmpi ne, %convert_element_type3A_315, %cond3A_316 : i32
      scf.if %cond3A_317 {
        %sub3A = arith.constant 8 : i32
        %sub3A_801 = arith.subi %add3A_306, %sub3A : i32
        %add3A_802 = arith.addi %mul3A_2, %sub3A_801 : i32
        %dma_wait3A_803 = arith.constant 0 : i32
        %dma_wait3A_804 = arith.constant 0 : i32
        %dma_wait3A_805 = tpu.memref_slice %arg4[%add3A_802, %dma_wait3A_803, %dma_wait3A_804] : memref<4096x50x128xf32, #tpu.memory_space<hbm>> -> memref<1x50x128xf32, #tpu.memory_space<hbm>>
        %dma_wait3A_806 = tpu.memref_squeeze %dma_wait3A_805 : memref<1x50x128xf32, #tpu.memory_space<hbm>> -> memref<50x128xf32, #tpu.memory_space<hbm>>
        %dma_wait3A_807 = arith.constant 0 : i32
        %dma_wait3A_808 = arith.constant 0 : i32
        %dma_wait3A_809 = tpu.memref_slice %arg4[%add3A_802, %dma_wait3A_807, %dma_wait3A_808] : memref<4096x50x128xf32, #tpu.memory_space<hbm>> -> memref<1x50x128xf32, #tpu.memory_space<hbm>>
        %dma_wait3A_810 = tpu.memref_squeeze %dma_wait3A_809 : memref<1x50x128xf32, #tpu.memory_space<hbm>> -> memref<50x128xf32, #tpu.memory_space<hbm>>
        tpu.wait_dma2 semaphore(%arg32 : memref<!tpu.dma_semaphore, #tpu.memory_space<semaphore_mem>>) src(%arg16 : memref<50x128xf32, #tpu.memory_space<vmem>>) dst(%dma_wait3A_810 : memref<50x128xf32, #tpu.memory_space<hbm>>)
      } else {
      }
      %broadcast_in_dim3A_318 = arith.constant 0.000000e+00 : f32
      %broadcast_in_dim3A_319 = vector.broadcast %broadcast_in_dim3A_318 : f32 to vector<16xf32>
      %broadcast_in_dim3A_320 = arith.constant 0.000000e+00 : f32
      %broadcast_in_dim3A_321 = vector.broadcast %broadcast_in_dim3A_320 : f32 to vector<16xf32>
      %broadcast_in_dim3A_322 = arith.constant 0.000000e+00 : f32
      %broadcast_in_dim3A_323 = vector.broadcast %broadcast_in_dim3A_322 : f32 to vector<16xf32>
      %broadcast_in_dim3A_324 = arith.constant 0.000000e+00 : f32
      %broadcast_in_dim3A_325 = vector.broadcast %broadcast_in_dim3A_324 : f32 to vector<16xf32>
      %broadcast_in_dim3A_326 = arith.constant 0.000000e+00 : f32
      %broadcast_in_dim3A_327 = vector.broadcast %broadcast_in_dim3A_326 : f32 to vector<16xf32>
      %broadcast_in_dim3A_328 = arith.constant 0.000000e+00 : f32
      %broadcast_in_dim3A_329 = vector.broadcast %broadcast_in_dim3A_328 : f32 to vector<16xf32>
      %broadcast_in_dim3A_330 = arith.constant 0.000000e+00 : f32
      %broadcast_in_dim3A_331 = vector.broadcast %broadcast_in_dim3A_330 : f32 to vector<16xf32>
      %broadcast_in_dim3A_332 = arith.constant 0.000000e+00 : f32
      %broadcast_in_dim3A_333 = vector.broadcast %broadcast_in_dim3A_332 : f32 to vector<16xf32>
      %scan3A_334 = arith.constant 0 : i32
      %scan3A_335 = arith.constant 50 : i32
      %scan3A_336 = arith.addi %scan3A_334, %scan3A_335 : i32
      %scan3A_337 = arith.constant 1 : i32
      %scan3A_338:8 = scf.for %scan3A_801 = %scan3A_334 to %scan3A_336 step %scan3A_337 iter_args(%scan3A_802 = %broadcast_in_dim3A_319, %scan3A_803 = %broadcast_in_dim3A_321, %scan3A_804 = %broadcast_in_dim3A_323, %scan3A_805 = %broadcast_in_dim3A_325, %scan3A_806 = %broadcast_in_dim3A_327, %scan3A_807 = %broadcast_in_dim3A_329, %scan3A_808 = %broadcast_in_dim3A_331, %scan3A_809 = %broadcast_in_dim3A_333) -> (vector<16xf32>, vector<16xf32>, vector<16xf32>, vector<16xf32>, vector<16xf32>, vector<16xf32>, vector<16xf32>, vector<16xf32>)  : i32 {
        %get3A = arith.index_cast %scan3A_801 : i32 to index
        %get3A_810 = arith.constant 0 : index
        %get3A_811 = tpu.vector_load %arg8[%get3A, %get3A_810] {strides = array<i32>} : memref<50x128xf32, #tpu.memory_space<vmem>>, vector<1x16xf32>,
        %get3A_812 = vector.shape_cast %get3A_811 : vector<1x16xf32> to vector<16xf32>
        %add3A_813 = arith.addf %scan3A_802, %get3A_812 : vector<16xf32>
        %get3A_814 = arith.index_cast %scan3A_801 : i32 to index
        %get3A_815 = arith.constant 16 : index
        %get3A_816 = tpu.vector_load %arg8[%get3A_814, %get3A_815] {strides = array<i32>} : memref<50x128xf32, #tpu.memory_space<vmem>>, vector<1x16xf32>,
        %get3A_817 = vector.shape_cast %get3A_816 : vector<1x16xf32> to vector<16xf32>
        %add3A_818 = arith.addf %scan3A_803, %get3A_817 : vector<16xf32>
        %get3A_819 = arith.index_cast %scan3A_801 : i32 to index
        %get3A_820 = arith.constant 32 : index
        %get3A_821 = tpu.vector_load %arg8[%get3A_819, %get3A_820] {strides = array<i32>} : memref<50x128xf32, #tpu.memory_space<vmem>>, vector<1x16xf32>,
        %get3A_822 = vector.shape_cast %get3A_821 : vector<1x16xf32> to vector<16xf32>
        %add3A_823 = arith.addf %scan3A_804, %get3A_822 : vector<16xf32>
        %get3A_824 = arith.index_cast %scan3A_801 : i32 to index
        %get3A_825 = arith.constant 48 : index
        %get3A_826 = tpu.vector_load %arg8[%get3A_824, %get3A_825] {strides = array<i32>} : memref<50x128xf32, #tpu.memory_space<vmem>>, vector<1x16xf32>,
        %get3A_827 = vector.shape_cast %get3A_826 : vector<1x16xf32> to vector<16xf32>
        %add3A_828 = arith.addf %scan3A_805, %get3A_827 : vector<16xf32>
        %get3A_829 = arith.index_cast %scan3A_801 : i32 to index
        %get3A_830 = arith.constant 64 : index
        %get3A_831 = tpu.vector_load %arg8[%get3A_829, %get3A_830] {strides = array<i32>} : memref<50x128xf32, #tpu.memory_space<vmem>>, vector<1x16xf32>,
        %get3A_832 = vector.shape_cast %get3A_831 : vector<1x16xf32> to vector<16xf32>
        %add3A_833 = arith.addf %scan3A_806, %get3A_832 : vector<16xf32>
        %get3A_834 = arith.index_cast %scan3A_801 : i32 to index
        %get3A_835 = arith.constant 80 : index
        %get3A_836 = tpu.vector_load %arg8[%get3A_834, %get3A_835] {strides = array<i32>} : memref<50x128xf32, #tpu.memory_space<vmem>>, vector<1x16xf32>,
        %get3A_837 = vector.shape_cast %get3A_836 : vector<1x16xf32> to vector<16xf32>
        %add3A_838 = arith.addf %scan3A_807, %get3A_837 : vector<16xf32>
        %get3A_839 = arith.index_cast %scan3A_801 : i32 to index
        %get3A_840 = arith.constant 96 : index
        %get3A_841 = tpu.vector_load %arg8[%get3A_839, %get3A_840] {strides = array<i32>} : memref<50x128xf32, #tpu.memory_space<vmem>>, vector<1x16xf32>,
        %get3A_842 = vector.shape_cast %get3A_841 : vector<1x16xf32> to vector<16xf32>
        %add3A_843 = arith.addf %scan3A_808, %get3A_842 : vector<16xf32>
        %get3A_844 = arith.index_cast %scan3A_801 : i32 to index
        %get3A_845 = arith.constant 112 : index
        %get3A_846 = tpu.vector_load %arg8[%get3A_844, %get3A_845] {strides = array<i32>} : memref<50x128xf32, #tpu.memory_space<vmem>>, vector<1x16xf32>,
        %get3A_847 = vector.shape_cast %get3A_846 : vector<1x16xf32> to vector<16xf32>
        %add3A_848 = arith.addf %scan3A_809, %get3A_847 : vector<16xf32>
        scf.yield %add3A_813, %add3A_818, %add3A_823, %add3A_828, %add3A_833, %add3A_838, %add3A_843, %add3A_848 : vector<16xf32>, vector<16xf32>, vector<16xf32>, vector<16xf32>, vector<16xf32>, vector<16xf32>, vector<16xf32>, vector<16xf32>
      }
      %scan3A_339 = arith.constant 50 : i32
      %div3A_340 = arith.constant 1.000000e+00 : f32
      %div3A_341 = vector.broadcast %div3A_340 : f32 to vector<16xf32>
      %div3A_342 = arith.divf %div3A_341, %scan3A_338#0 : vector<16xf32>
      %div3A_343 = arith.constant 1.000000e+00 : f32
      %div3A_344 = vector.broadcast %div3A_343 : f32 to vector<16xf32>
      %div3A_345 = arith.divf %div3A_344, %scan3A_338#1 : vector<16xf32>
      %div3A_346 = arith.constant 1.000000e+00 : f32
      %div3A_347 = vector.broadcast %div3A_346 : f32 to vector<16xf32>
      %div3A_348 = arith.divf %div3A_347, %scan3A_338#2 : vector<16xf32>
      %div3A_349 = arith.constant 1.000000e+00 : f32
      %div3A_350 = vector.broadcast %div3A_349 : f32 to vector<16xf32>
      %div3A_351 = arith.divf %div3A_350, %scan3A_338#3 : vector<16xf32>
      %div3A_352 = arith.constant 1.000000e+00 : f32
      %div3A_353 = vector.broadcast %div3A_352 : f32 to vector<16xf32>
      %div3A_354 = arith.divf %div3A_353, %scan3A_338#4 : vector<16xf32>
      %div3A_355 = arith.constant 1.000000e+00 : f32
      %div3A_356 = vector.broadcast %div3A_355 : f32 to vector<16xf32>
      %div3A_357 = arith.divf %div3A_356, %scan3A_338#5 : vector<16xf32>
      %div3A_358 = arith.constant 1.000000e+00 : f32
      %div3A_359 = vector.broadcast %div3A_358 : f32 to vector<16xf32>
      %div3A_360 = arith.divf %div3A_359, %scan3A_338#6 : vector<16xf32>
      %div3A_361 = arith.constant 1.000000e+00 : f32
      %div3A_362 = vector.broadcast %div3A_361 : f32 to vector<16xf32>
      %div3A_363 = arith.divf %div3A_362, %scan3A_338#7 : vector<16xf32>
      %scan3A_364 = arith.constant 0 : i32
      %scan3A_365 = arith.constant 0 : i32
      %scan3A_366 = arith.constant 50 : i32
      %scan3A_367 = arith.addi %scan3A_365, %scan3A_366 : i32
      %scan3A_368 = arith.constant 1 : i32
      scf.for %scan3A_801 = %scan3A_365 to %scan3A_367 step %scan3A_368  : i32 {
        %get3A = arith.index_cast %scan3A_801 : i32 to index
        %get3A_802 = arith.constant 0 : index
        %get3A_803 = tpu.vector_load %arg8[%get3A, %get3A_802] {strides = array<i32>} : memref<50x128xf32, #tpu.memory_space<vmem>>, vector<1x16xf32>,
        %get3A_804 = vector.shape_cast %get3A_803 : vector<1x16xf32> to vector<16xf32>
        %mul3A_805 = arith.mulf %get3A_804, %div3A_342 : vector<16xf32>
        %swap3A = arith.index_cast %scan3A_801 : i32 to index
        %swap3A_806 = arith.constant 0 : index
        %swap3A_807 = tpu.vector_load %arg16[%swap3A, %swap3A_806] {strides = array<i32>} : memref<50x128xf32, #tpu.memory_space<vmem>>, vector<1x16xf32>,
        %swap3A_808 = vector.shape_cast %swap3A_807 : vector<1x16xf32> to vector<16xf32>
        %swap3A_809 = vector.shape_cast %mul3A_805 : vector<16xf32> to vector<1x16xf32>
        tpu.vector_store %arg16[%swap3A, %swap3A_806], %swap3A_809 {strides = array<i32>} : memref<50x128xf32, #tpu.memory_space<vmem>>, vector<1x16xf32>,
        %get3A_810 = arith.index_cast %scan3A_801 : i32 to index
        %get3A_811 = arith.constant 16 : index
        %get3A_812 = tpu.vector_load %arg8[%get3A_810, %get3A_811] {strides = array<i32>} : memref<50x128xf32, #tpu.memory_space<vmem>>, vector<1x16xf32>,
        %get3A_813 = vector.shape_cast %get3A_812 : vector<1x16xf32> to vector<16xf32>
        %mul3A_814 = arith.mulf %get3A_813, %div3A_345 : vector<16xf32>
        %swap3A_815 = arith.index_cast %scan3A_801 : i32 to index
        %swap3A_816 = arith.constant 16 : index
        %swap3A_817 = tpu.vector_load %arg16[%swap3A_815, %swap3A_816] {strides = array<i32>} : memref<50x128xf32, #tpu.memory_space<vmem>>, vector<1x16xf32>,
        %swap3A_818 = vector.shape_cast %swap3A_817 : vector<1x16xf32> to vector<16xf32>
        %swap3A_819 = vector.shape_cast %mul3A_814 : vector<16xf32> to vector<1x16xf32>
        tpu.vector_store %arg16[%swap3A_815, %swap3A_816], %swap3A_819 {strides = array<i32>} : memref<50x128xf32, #tpu.memory_space<vmem>>, vector<1x16xf32>,
        %get3A_820 = arith.index_cast %scan3A_801 : i32 to index
        %get3A_821 = arith.constant 32 : index
        %get3A_822 = tpu.vector_load %arg8[%get3A_820, %get3A_821] {strides = array<i32>} : memref<50x128xf32, #tpu.memory_space<vmem>>, vector<1x16xf32>,
        %get3A_823 = vector.shape_cast %get3A_822 : vector<1x16xf32> to vector<16xf32>
        %mul3A_824 = arith.mulf %get3A_823, %div3A_348 : vector<16xf32>
        %swap3A_825 = arith.index_cast %scan3A_801 : i32 to index
        %swap3A_826 = arith.constant 32 : index
        %swap3A_827 = tpu.vector_load %arg16[%swap3A_825, %swap3A_826] {strides = array<i32>} : memref<50x128xf32, #tpu.memory_space<vmem>>, vector<1x16xf32>,
        %swap3A_828 = vector.shape_cast %swap3A_827 : vector<1x16xf32> to vector<16xf32>
        %swap3A_829 = vector.shape_cast %mul3A_824 : vector<16xf32> to vector<1x16xf32>
        tpu.vector_store %arg16[%swap3A_825, %swap3A_826], %swap3A_829 {strides = array<i32>} : memref<50x128xf32, #tpu.memory_space<vmem>>, vector<1x16xf32>,
        %get3A_830 = arith.index_cast %scan3A_801 : i32 to index
        %get3A_831 = arith.constant 48 : index
        %get3A_832 = tpu.vector_load %arg8[%get3A_830, %get3A_831] {strides = array<i32>} : memref<50x128xf32, #tpu.memory_space<vmem>>, vector<1x16xf32>,
        %get3A_833 = vector.shape_cast %get3A_832 : vector<1x16xf32> to vector<16xf32>
        %mul3A_834 = arith.mulf %get3A_833, %div3A_351 : vector<16xf32>
        %swap3A_835 = arith.index_cast %scan3A_801 : i32 to index
        %swap3A_836 = arith.constant 48 : index
        %swap3A_837 = tpu.vector_load %arg16[%swap3A_835, %swap3A_836] {strides = array<i32>} : memref<50x128xf32, #tpu.memory_space<vmem>>, vector<1x16xf32>,
        %swap3A_838 = vector.shape_cast %swap3A_837 : vector<1x16xf32> to vector<16xf32>
        %swap3A_839 = vector.shape_cast %mul3A_834 : vector<16xf32> to vector<1x16xf32>
        tpu.vector_store %arg16[%swap3A_835, %swap3A_836], %swap3A_839 {strides = array<i32>} : memref<50x128xf32, #tpu.memory_space<vmem>>, vector<1x16xf32>,
        %get3A_840 = arith.index_cast %scan3A_801 : i32 to index
        %get3A_841 = arith.constant 64 : index
        %get3A_842 = tpu.vector_load %arg8[%get3A_840, %get3A_841] {strides = array<i32>} : memref<50x128xf32, #tpu.memory_space<vmem>>, vector<1x16xf32>,
        %get3A_843 = vector.shape_cast %get3A_842 : vector<1x16xf32> to vector<16xf32>
        %mul3A_844 = arith.mulf %get3A_843, %div3A_354 : vector<16xf32>
        %swap3A_845 = arith.index_cast %scan3A_801 : i32 to index
        %swap3A_846 = arith.constant 64 : index
        %swap3A_847 = tpu.vector_load %arg16[%swap3A_845, %swap3A_846] {strides = array<i32>} : memref<50x128xf32, #tpu.memory_space<vmem>>, vector<1x16xf32>,
        %swap3A_848 = vector.shape_cast %swap3A_847 : vector<1x16xf32> to vector<16xf32>
        %swap3A_849 = vector.shape_cast %mul3A_844 : vector<16xf32> to vector<1x16xf32>
        tpu.vector_store %arg16[%swap3A_845, %swap3A_846], %swap3A_849 {strides = array<i32>} : memref<50x128xf32, #tpu.memory_space<vmem>>, vector<1x16xf32>,
        %get3A_850 = arith.index_cast %scan3A_801 : i32 to index
        %get3A_851 = arith.constant 80 : index
        %get3A_852 = tpu.vector_load %arg8[%get3A_850, %get3A_851] {strides = array<i32>} : memref<50x128xf32, #tpu.memory_space<vmem>>, vector<1x16xf32>,
        %get3A_853 = vector.shape_cast %get3A_852 : vector<1x16xf32> to vector<16xf32>
        %mul3A_854 = arith.mulf %get3A_853, %div3A_357 : vector<16xf32>
        %swap3A_855 = arith.index_cast %scan3A_801 : i32 to index
        %swap3A_856 = arith.constant 80 : index
        %swap3A_857 = tpu.vector_load %arg16[%swap3A_855, %swap3A_856] {strides = array<i32>} : memref<50x128xf32, #tpu.memory_space<vmem>>, vector<1x16xf32>,
        %swap3A_858 = vector.shape_cast %swap3A_857 : vector<1x16xf32> to vector<16xf32>
        %swap3A_859 = vector.shape_cast %mul3A_854 : vector<16xf32> to vector<1x16xf32>
        tpu.vector_store %arg16[%swap3A_855, %swap3A_856], %swap3A_859 {strides = array<i32>} : memref<50x128xf32, #tpu.memory_space<vmem>>, vector<1x16xf32>,
        %get3A_860 = arith.index_cast %scan3A_801 : i32 to index
        %get3A_861 = arith.constant 96 : index
        %get3A_862 = tpu.vector_load %arg8[%get3A_860, %get3A_861] {strides = array<i32>} : memref<50x128xf32, #tpu.memory_space<vmem>>, vector<1x16xf32>,
        %get3A_863 = vector.shape_cast %get3A_862 : vector<1x16xf32> to vector<16xf32>
        %mul3A_864 = arith.mulf %get3A_863, %div3A_360 : vector<16xf32>
        %swap3A_865 = arith.index_cast %scan3A_801 : i32 to index
        %swap3A_866 = arith.constant 96 : index
        %swap3A_867 = tpu.vector_load %arg16[%swap3A_865, %swap3A_866] {strides = array<i32>} : memref<50x128xf32, #tpu.memory_space<vmem>>, vector<1x16xf32>,
        %swap3A_868 = vector.shape_cast %swap3A_867 : vector<1x16xf32> to vector<16xf32>
        %swap3A_869 = vector.shape_cast %mul3A_864 : vector<16xf32> to vector<1x16xf32>
        tpu.vector_store %arg16[%swap3A_865, %swap3A_866], %swap3A_869 {strides = array<i32>} : memref<50x128xf32, #tpu.memory_space<vmem>>, vector<1x16xf32>,
        %get3A_870 = arith.index_cast %scan3A_801 : i32 to index
        %get3A_871 = arith.constant 112 : index
        %get3A_872 = tpu.vector_load %arg8[%get3A_870, %get3A_871] {strides = array<i32>} : memref<50x128xf32, #tpu.memory_space<vmem>>, vector<1x16xf32>,
        %get3A_873 = vector.shape_cast %get3A_872 : vector<1x16xf32> to vector<16xf32>
        %mul3A_874 = arith.mulf %get3A_873, %div3A_363 : vector<16xf32>
        %swap3A_875 = arith.index_cast %scan3A_801 : i32 to index
        %swap3A_876 = arith.constant 112 : index
        %swap3A_877 = tpu.vector_load %arg16[%swap3A_875, %swap3A_876] {strides = array<i32>} : memref<50x128xf32, #tpu.memory_space<vmem>>, vector<1x16xf32>,
        %swap3A_878 = vector.shape_cast %swap3A_877 : vector<1x16xf32> to vector<16xf32>
        %swap3A_879 = vector.shape_cast %mul3A_874 : vector<16xf32> to vector<1x16xf32>
        tpu.vector_store %arg16[%swap3A_875, %swap3A_876], %swap3A_879 {strides = array<i32>} : memref<50x128xf32, #tpu.memory_space<vmem>>, vector<1x16xf32>,
      }
      %scan3A_369 = arith.constant 50 : i32
      %add3A_370 = arith.addi %mul3A_2, %add3A_306 : i32
      %dma_start3A_371 = arith.constant 0 : i32
      %dma_start3A_372 = arith.constant 0 : i32
      %dma_start3A_373 = tpu.memref_slice %arg4[%add3A_370, %dma_start3A_371, %dma_start3A_372] : memref<4096x50x128xf32, #tpu.memory_space<hbm>> -> memref<1x50x128xf32, #tpu.memory_space<hbm>>
      %dma_start3A_374 = tpu.memref_squeeze %dma_start3A_373 : memref<1x50x128xf32, #tpu.memory_space<hbm>> -> memref<50x128xf32, #tpu.memory_space<hbm>>
      %dma_start3A_375 = arith.constant 0 : i32
      %dma_start3A_376 = arith.constant 0 : i32
      %dma_start3A_377 = tpu.memref_slice %arg4[%add3A_370, %dma_start3A_375, %dma_start3A_376] : memref<4096x50x128xf32, #tpu.memory_space<hbm>> -> memref<1x50x128xf32, #tpu.memory_space<hbm>>
      %dma_start3A_378 = tpu.memref_squeeze %dma_start3A_377 : memref<1x50x128xf32, #tpu.memory_space<hbm>> -> memref<50x128xf32, #tpu.memory_space<hbm>>
      tpu.enqueue_dma source(%arg16 : memref<50x128xf32, #tpu.memory_space<vmem>>) target(%dma_start3A_378 : memref<50x128xf32, #tpu.memory_space<hbm>>) target_semaphore(%arg32 : memref<!tpu.dma_semaphore, #tpu.memory_space<semaphore_mem>>)
      %add3A_379 = arith.constant 1 : i32
      %add3A_380 = arith.addi %scan3A_142, %add3A_379 : i32
      %lt3A_381 = arith.constant 16 : i32
      %lt3A_382 = arith.cmpi slt, %add3A_380, %lt3A_381 : i32
      %convert_element_type3A_383 = arith.extui %lt3A_382 : i1 to i32
      %cond3A_384 = arith.constant 0 : i32
      %cond3A_385 = arith.cmpi ne, %convert_element_type3A_383, %cond3A_384 : i32
      scf.if %cond3A_385 {
        %add3A_801 = arith.constant 8 : i32
        %add3A_802 = arith.addi %add3A_306, %add3A_801 : i32
        %dma_start3A_803 = arith.constant 0 : i32
        %dma_start3A_804 = tpu.memref_slice %arg5[%add3A_802, %dma_start3A_803] : memref<128x50xi32, #tpu.memory_space<vmem>> -> memref<1x50xi32, #tpu.memory_space<vmem>>
        %dma_start3A_805 = tpu.memref_squeeze %dma_start3A_804 : memref<1x50xi32, #tpu.memory_space<vmem>> -> memref<50xi32, #tpu.memory_space<vmem>>
        %dma_start3A_806 = arith.constant 0 : i32
        %dma_start3A_807 = arith.constant 0 : i32
        %dma_start3A_808 = tpu.memref_slice %arg3[%dma_start3A_806, %dma_start3A_807] : memref<100000x128xf32, #tpu.memory_space<hbm>> -> memref<100000x128xf32, #tpu.memory_space<hbm>>
        tpu.enqueue_indirect_dma source(%dma_start3A_808 : memref<100000x128xf32, #tpu.memory_space<hbm>>) target(%arg8 : memref<50x128xf32, #tpu.memory_space<vmem>>) offsets(%dma_start3A_805 : memref<50xi32, #tpu.memory_space<vmem>>) semaphore(%arg24 : memref<!tpu.dma_semaphore, #tpu.memory_space<semaphore_mem>>)
      } else {
      }
      %mul3A_386 = arith.constant 8 : i32
      %mul3A_387 = arith.muli %scan3A_142, %mul3A_386 : i32
      %add3A_388 = arith.constant 3 : i32
      %add3A_389 = arith.addi %mul3A_387, %add3A_388 : i32
      %dma_wait3A_390 = arith.constant 0 : i32
      %dma_wait3A_391 = tpu.memref_slice %arg5[%add3A_389, %dma_wait3A_390] : memref<128x50xi32, #tpu.memory_space<vmem>> -> memref<1x50xi32, #tpu.memory_space<vmem>>
      %dma_wait3A_392 = tpu.memref_squeeze %dma_wait3A_391 : memref<1x50xi32, #tpu.memory_space<vmem>> -> memref<50xi32, #tpu.memory_space<vmem>>
      %dma_wait3A_393 = arith.constant 0 : i32
      %dma_wait3A_394 = arith.constant 0 : i32
      %dma_wait3A_395 = tpu.memref_slice %arg3[%dma_wait3A_393, %dma_wait3A_394] : memref<100000x128xf32, #tpu.memory_space<hbm>> -> memref<100000x128xf32, #tpu.memory_space<hbm>>
      tpu.wait_indirect_dma semaphore(%arg25 : memref<!tpu.dma_semaphore, #tpu.memory_space<semaphore_mem>>) src(%dma_wait3A_395 : memref<100000x128xf32, #tpu.memory_space<hbm>>) dst(%arg9 : memref<50x128xf32, #tpu.memory_space<vmem>>)
      %gt3A_396 = arith.constant 0 : i32
      %gt3A_397 = arith.cmpi sgt, %scan3A_142, %gt3A_396 : i32
      %convert_element_type3A_398 = arith.extui %gt3A_397 : i1 to i32
      %cond3A_399 = arith.constant 0 : i32
      %cond3A_400 = arith.cmpi ne, %convert_element_type3A_398, %cond3A_399 : i32
      scf.if %cond3A_400 {
        %sub3A = arith.constant 8 : i32
        %sub3A_801 = arith.subi %add3A_389, %sub3A : i32
        %add3A_802 = arith.addi %mul3A_2, %sub3A_801 : i32
        %dma_wait3A_803 = arith.constant 0 : i32
        %dma_wait3A_804 = arith.constant 0 : i32
        %dma_wait3A_805 = tpu.memref_slice %arg4[%add3A_802, %dma_wait3A_803, %dma_wait3A_804] : memref<4096x50x128xf32, #tpu.memory_space<hbm>> -> memref<1x50x128xf32, #tpu.memory_space<hbm>>
        %dma_wait3A_806 = tpu.memref_squeeze %dma_wait3A_805 : memref<1x50x128xf32, #tpu.memory_space<hbm>> -> memref<50x128xf32, #tpu.memory_space<hbm>>
        %dma_wait3A_807 = arith.constant 0 : i32
        %dma_wait3A_808 = arith.constant 0 : i32
        %dma_wait3A_809 = tpu.memref_slice %arg4[%add3A_802, %dma_wait3A_807, %dma_wait3A_808] : memref<4096x50x128xf32, #tpu.memory_space<hbm>> -> memref<1x50x128xf32, #tpu.memory_space<hbm>>
        %dma_wait3A_810 = tpu.memref_squeeze %dma_wait3A_809 : memref<1x50x128xf32, #tpu.memory_space<hbm>> -> memref<50x128xf32, #tpu.memory_space<hbm>>
        tpu.wait_dma2 semaphore(%arg33 : memref<!tpu.dma_semaphore, #tpu.memory_space<semaphore_mem>>) src(%arg17 : memref<50x128xf32, #tpu.memory_space<vmem>>) dst(%dma_wait3A_810 : memref<50x128xf32, #tpu.memory_space<hbm>>)
      } else {
      }
      %broadcast_in_dim3A_401 = arith.constant 0.000000e+00 : f32
      %broadcast_in_dim3A_402 = vector.broadcast %broadcast_in_dim3A_401 : f32 to vector<16xf32>
      %broadcast_in_dim3A_403 = arith.constant 0.000000e+00 : f32
      %broadcast_in_dim3A_404 = vector.broadcast %broadcast_in_dim3A_403 : f32 to vector<16xf32>
      %broadcast_in_dim3A_405 = arith.constant 0.000000e+00 : f32
      %broadcast_in_dim3A_406 = vector.broadcast %broadcast_in_dim3A_405 : f32 to vector<16xf32>
      %broadcast_in_dim3A_407 = arith.constant 0.000000e+00 : f32
      %broadcast_in_dim3A_408 = vector.broadcast %broadcast_in_dim3A_407 : f32 to vector<16xf32>
      %broadcast_in_dim3A_409 = arith.constant 0.000000e+00 : f32
      %broadcast_in_dim3A_410 = vector.broadcast %broadcast_in_dim3A_409 : f32 to vector<16xf32>
      %broadcast_in_dim3A_411 = arith.constant 0.000000e+00 : f32
      %broadcast_in_dim3A_412 = vector.broadcast %broadcast_in_dim3A_411 : f32 to vector<16xf32>
      %broadcast_in_dim3A_413 = arith.constant 0.000000e+00 : f32
      %broadcast_in_dim3A_414 = vector.broadcast %broadcast_in_dim3A_413 : f32 to vector<16xf32>
      %broadcast_in_dim3A_415 = arith.constant 0.000000e+00 : f32
      %broadcast_in_dim3A_416 = vector.broadcast %broadcast_in_dim3A_415 : f32 to vector<16xf32>
      %scan3A_417 = arith.constant 0 : i32
      %scan3A_418 = arith.constant 50 : i32
      %scan3A_419 = arith.addi %scan3A_417, %scan3A_418 : i32
      %scan3A_420 = arith.constant 1 : i32
      %scan3A_421:8 = scf.for %scan3A_801 = %scan3A_417 to %scan3A_419 step %scan3A_420 iter_args(%scan3A_802 = %broadcast_in_dim3A_402, %scan3A_803 = %broadcast_in_dim3A_404, %scan3A_804 = %broadcast_in_dim3A_406, %scan3A_805 = %broadcast_in_dim3A_408, %scan3A_806 = %broadcast_in_dim3A_410, %scan3A_807 = %broadcast_in_dim3A_412, %scan3A_808 = %broadcast_in_dim3A_414, %scan3A_809 = %broadcast_in_dim3A_416) -> (vector<16xf32>, vector<16xf32>, vector<16xf32>, vector<16xf32>, vector<16xf32>, vector<16xf32>, vector<16xf32>, vector<16xf32>)  : i32 {
        %get3A = arith.index_cast %scan3A_801 : i32 to index
        %get3A_810 = arith.constant 0 : index
        %get3A_811 = tpu.vector_load %arg9[%get3A, %get3A_810] {strides = array<i32>} : memref<50x128xf32, #tpu.memory_space<vmem>>, vector<1x16xf32>,
        %get3A_812 = vector.shape_cast %get3A_811 : vector<1x16xf32> to vector<16xf32>
        %add3A_813 = arith.addf %scan3A_802, %get3A_812 : vector<16xf32>
        %get3A_814 = arith.index_cast %scan3A_801 : i32 to index
        %get3A_815 = arith.constant 16 : index
        %get3A_816 = tpu.vector_load %arg9[%get3A_814, %get3A_815] {strides = array<i32>} : memref<50x128xf32, #tpu.memory_space<vmem>>, vector<1x16xf32>,
        %get3A_817 = vector.shape_cast %get3A_816 : vector<1x16xf32> to vector<16xf32>
        %add3A_818 = arith.addf %scan3A_803, %get3A_817 : vector<16xf32>
        %get3A_819 = arith.index_cast %scan3A_801 : i32 to index
        %get3A_820 = arith.constant 32 : index
        %get3A_821 = tpu.vector_load %arg9[%get3A_819, %get3A_820] {strides = array<i32>} : memref<50x128xf32, #tpu.memory_space<vmem>>, vector<1x16xf32>,
        %get3A_822 = vector.shape_cast %get3A_821 : vector<1x16xf32> to vector<16xf32>
        %add3A_823 = arith.addf %scan3A_804, %get3A_822 : vector<16xf32>
        %get3A_824 = arith.index_cast %scan3A_801 : i32 to index
        %get3A_825 = arith.constant 48 : index
        %get3A_826 = tpu.vector_load %arg9[%get3A_824, %get3A_825] {strides = array<i32>} : memref<50x128xf32, #tpu.memory_space<vmem>>, vector<1x16xf32>,
        %get3A_827 = vector.shape_cast %get3A_826 : vector<1x16xf32> to vector<16xf32>
        %add3A_828 = arith.addf %scan3A_805, %get3A_827 : vector<16xf32>
        %get3A_829 = arith.index_cast %scan3A_801 : i32 to index
        %get3A_830 = arith.constant 64 : index
        %get3A_831 = tpu.vector_load %arg9[%get3A_829, %get3A_830] {strides = array<i32>} : memref<50x128xf32, #tpu.memory_space<vmem>>, vector<1x16xf32>,
        %get3A_832 = vector.shape_cast %get3A_831 : vector<1x16xf32> to vector<16xf32>
        %add3A_833 = arith.addf %scan3A_806, %get3A_832 : vector<16xf32>
        %get3A_834 = arith.index_cast %scan3A_801 : i32 to index
        %get3A_835 = arith.constant 80 : index
        %get3A_836 = tpu.vector_load %arg9[%get3A_834, %get3A_835] {strides = array<i32>} : memref<50x128xf32, #tpu.memory_space<vmem>>, vector<1x16xf32>,
        %get3A_837 = vector.shape_cast %get3A_836 : vector<1x16xf32> to vector<16xf32>
        %add3A_838 = arith.addf %scan3A_807, %get3A_837 : vector<16xf32>
        %get3A_839 = arith.index_cast %scan3A_801 : i32 to index
        %get3A_840 = arith.constant 96 : index
        %get3A_841 = tpu.vector_load %arg9[%get3A_839, %get3A_840] {strides = array<i32>} : memref<50x128xf32, #tpu.memory_space<vmem>>, vector<1x16xf32>,
        %get3A_842 = vector.shape_cast %get3A_841 : vector<1x16xf32> to vector<16xf32>
        %add3A_843 = arith.addf %scan3A_808, %get3A_842 : vector<16xf32>
        %get3A_844 = arith.index_cast %scan3A_801 : i32 to index
        %get3A_845 = arith.constant 112 : index
        %get3A_846 = tpu.vector_load %arg9[%get3A_844, %get3A_845] {strides = array<i32>} : memref<50x128xf32, #tpu.memory_space<vmem>>, vector<1x16xf32>,
        %get3A_847 = vector.shape_cast %get3A_846 : vector<1x16xf32> to vector<16xf32>
        %add3A_848 = arith.addf %scan3A_809, %get3A_847 : vector<16xf32>
        scf.yield %add3A_813, %add3A_818, %add3A_823, %add3A_828, %add3A_833, %add3A_838, %add3A_843, %add3A_848 : vector<16xf32>, vector<16xf32>, vector<16xf32>, vector<16xf32>, vector<16xf32>, vector<16xf32>, vector<16xf32>, vector<16xf32>
      }
      %scan3A_422 = arith.constant 50 : i32
      %div3A_423 = arith.constant 1.000000e+00 : f32
      %div3A_424 = vector.broadcast %div3A_423 : f32 to vector<16xf32>
      %div3A_425 = arith.divf %div3A_424, %scan3A_421#0 : vector<16xf32>
      %div3A_426 = arith.constant 1.000000e+00 : f32
      %div3A_427 = vector.broadcast %div3A_426 : f32 to vector<16xf32>
      %div3A_428 = arith.divf %div3A_427, %scan3A_421#1 : vector<16xf32>
      %div3A_429 = arith.constant 1.000000e+00 : f32
      %div3A_430 = vector.broadcast %div3A_429 : f32 to vector<16xf32>
      %div3A_431 = arith.divf %div3A_430, %scan3A_421#2 : vector<16xf32>
      %div3A_432 = arith.constant 1.000000e+00 : f32
      %div3A_433 = vector.broadcast %div3A_432 : f32 to vector<16xf32>
      %div3A_434 = arith.divf %div3A_433, %scan3A_421#3 : vector<16xf32>
      %div3A_435 = arith.constant 1.000000e+00 : f32
      %div3A_436 = vector.broadcast %div3A_435 : f32 to vector<16xf32>
      %div3A_437 = arith.divf %div3A_436, %scan3A_421#4 : vector<16xf32>
      %div3A_438 = arith.constant 1.000000e+00 : f32
      %div3A_439 = vector.broadcast %div3A_438 : f32 to vector<16xf32>
      %div3A_440 = arith.divf %div3A_439, %scan3A_421#5 : vector<16xf32>
      %div3A_441 = arith.constant 1.000000e+00 : f32
      %div3A_442 = vector.broadcast %div3A_441 : f32 to vector<16xf32>
      %div3A_443 = arith.divf %div3A_442, %scan3A_421#6 : vector<16xf32>
      %div3A_444 = arith.constant 1.000000e+00 : f32
      %div3A_445 = vector.broadcast %div3A_444 : f32 to vector<16xf32>
      %div3A_446 = arith.divf %div3A_445, %scan3A_421#7 : vector<16xf32>
      %scan3A_447 = arith.constant 0 : i32
      %scan3A_448 = arith.constant 0 : i32
      %scan3A_449 = arith.constant 50 : i32
      %scan3A_450 = arith.addi %scan3A_448, %scan3A_449 : i32
      %scan3A_451 = arith.constant 1 : i32
      scf.for %scan3A_801 = %scan3A_448 to %scan3A_450 step %scan3A_451  : i32 {
        %get3A = arith.index_cast %scan3A_801 : i32 to index
        %get3A_802 = arith.constant 0 : index
        %get3A_803 = tpu.vector_load %arg9[%get3A, %get3A_802] {strides = array<i32>} : memref<50x128xf32, #tpu.memory_space<vmem>>, vector<1x16xf32>,
        %get3A_804 = vector.shape_cast %get3A_803 : vector<1x16xf32> to vector<16xf32>
        %mul3A_805 = arith.mulf %get3A_804, %div3A_425 : vector<16xf32>
        %swap3A = arith.index_cast %scan3A_801 : i32 to index
        %swap3A_806 = arith.constant 0 : index
        %swap3A_807 = tpu.vector_load %arg17[%swap3A, %swap3A_806] {strides = array<i32>} : memref<50x128xf32, #tpu.memory_space<vmem>>, vector<1x16xf32>,
        %swap3A_808 = vector.shape_cast %swap3A_807 : vector<1x16xf32> to vector<16xf32>
        %swap3A_809 = vector.shape_cast %mul3A_805 : vector<16xf32> to vector<1x16xf32>
        tpu.vector_store %arg17[%swap3A, %swap3A_806], %swap3A_809 {strides = array<i32>} : memref<50x128xf32, #tpu.memory_space<vmem>>, vector<1x16xf32>,
        %get3A_810 = arith.index_cast %scan3A_801 : i32 to index
        %get3A_811 = arith.constant 16 : index
        %get3A_812 = tpu.vector_load %arg9[%get3A_810, %get3A_811] {strides = array<i32>} : memref<50x128xf32, #tpu.memory_space<vmem>>, vector<1x16xf32>,
        %get3A_813 = vector.shape_cast %get3A_812 : vector<1x16xf32> to vector<16xf32>
        %mul3A_814 = arith.mulf %get3A_813, %div3A_428 : vector<16xf32>
        %swap3A_815 = arith.index_cast %scan3A_801 : i32 to index
        %swap3A_816 = arith.constant 16 : index
        %swap3A_817 = tpu.vector_load %arg17[%swap3A_815, %swap3A_816] {strides = array<i32>} : memref<50x128xf32, #tpu.memory_space<vmem>>, vector<1x16xf32>,
        %swap3A_818 = vector.shape_cast %swap3A_817 : vector<1x16xf32> to vector<16xf32>
        %swap3A_819 = vector.shape_cast %mul3A_814 : vector<16xf32> to vector<1x16xf32>
        tpu.vector_store %arg17[%swap3A_815, %swap3A_816], %swap3A_819 {strides = array<i32>} : memref<50x128xf32, #tpu.memory_space<vmem>>, vector<1x16xf32>,
        %get3A_820 = arith.index_cast %scan3A_801 : i32 to index
        %get3A_821 = arith.constant 32 : index
        %get3A_822 = tpu.vector_load %arg9[%get3A_820, %get3A_821] {strides = array<i32>} : memref<50x128xf32, #tpu.memory_space<vmem>>, vector<1x16xf32>,
        %get3A_823 = vector.shape_cast %get3A_822 : vector<1x16xf32> to vector<16xf32>
        %mul3A_824 = arith.mulf %get3A_823, %div3A_431 : vector<16xf32>
        %swap3A_825 = arith.index_cast %scan3A_801 : i32 to index
        %swap3A_826 = arith.constant 32 : index
        %swap3A_827 = tpu.vector_load %arg17[%swap3A_825, %swap3A_826] {strides = array<i32>} : memref<50x128xf32, #tpu.memory_space<vmem>>, vector<1x16xf32>,
        %swap3A_828 = vector.shape_cast %swap3A_827 : vector<1x16xf32> to vector<16xf32>
        %swap3A_829 = vector.shape_cast %mul3A_824 : vector<16xf32> to vector<1x16xf32>
        tpu.vector_store %arg17[%swap3A_825, %swap3A_826], %swap3A_829 {strides = array<i32>} : memref<50x128xf32, #tpu.memory_space<vmem>>, vector<1x16xf32>,
        %get3A_830 = arith.index_cast %scan3A_801 : i32 to index
        %get3A_831 = arith.constant 48 : index
        %get3A_832 = tpu.vector_load %arg9[%get3A_830, %get3A_831] {strides = array<i32>} : memref<50x128xf32, #tpu.memory_space<vmem>>, vector<1x16xf32>,
        %get3A_833 = vector.shape_cast %get3A_832 : vector<1x16xf32> to vector<16xf32>
        %mul3A_834 = arith.mulf %get3A_833, %div3A_434 : vector<16xf32>
        %swap3A_835 = arith.index_cast %scan3A_801 : i32 to index
        %swap3A_836 = arith.constant 48 : index
        %swap3A_837 = tpu.vector_load %arg17[%swap3A_835, %swap3A_836] {strides = array<i32>} : memref<50x128xf32, #tpu.memory_space<vmem>>, vector<1x16xf32>,
        %swap3A_838 = vector.shape_cast %swap3A_837 : vector<1x16xf32> to vector<16xf32>
        %swap3A_839 = vector.shape_cast %mul3A_834 : vector<16xf32> to vector<1x16xf32>
        tpu.vector_store %arg17[%swap3A_835, %swap3A_836], %swap3A_839 {strides = array<i32>} : memref<50x128xf32, #tpu.memory_space<vmem>>, vector<1x16xf32>,
        %get3A_840 = arith.index_cast %scan3A_801 : i32 to index
        %get3A_841 = arith.constant 64 : index
        %get3A_842 = tpu.vector_load %arg9[%get3A_840, %get3A_841] {strides = array<i32>} : memref<50x128xf32, #tpu.memory_space<vmem>>, vector<1x16xf32>,
        %get3A_843 = vector.shape_cast %get3A_842 : vector<1x16xf32> to vector<16xf32>
        %mul3A_844 = arith.mulf %get3A_843, %div3A_437 : vector<16xf32>
        %swap3A_845 = arith.index_cast %scan3A_801 : i32 to index
        %swap3A_846 = arith.constant 64 : index
        %swap3A_847 = tpu.vector_load %arg17[%swap3A_845, %swap3A_846] {strides = array<i32>} : memref<50x128xf32, #tpu.memory_space<vmem>>, vector<1x16xf32>,
        %swap3A_848 = vector.shape_cast %swap3A_847 : vector<1x16xf32> to vector<16xf32>
        %swap3A_849 = vector.shape_cast %mul3A_844 : vector<16xf32> to vector<1x16xf32>
        tpu.vector_store %arg17[%swap3A_845, %swap3A_846], %swap3A_849 {strides = array<i32>} : memref<50x128xf32, #tpu.memory_space<vmem>>, vector<1x16xf32>,
        %get3A_850 = arith.index_cast %scan3A_801 : i32 to index
        %get3A_851 = arith.constant 80 : index
        %get3A_852 = tpu.vector_load %arg9[%get3A_850, %get3A_851] {strides = array<i32>} : memref<50x128xf32, #tpu.memory_space<vmem>>, vector<1x16xf32>,
        %get3A_853 = vector.shape_cast %get3A_852 : vector<1x16xf32> to vector<16xf32>
        %mul3A_854 = arith.mulf %get3A_853, %div3A_440 : vector<16xf32>
        %swap3A_855 = arith.index_cast %scan3A_801 : i32 to index
        %swap3A_856 = arith.constant 80 : index
        %swap3A_857 = tpu.vector_load %arg17[%swap3A_855, %swap3A_856] {strides = array<i32>} : memref<50x128xf32, #tpu.memory_space<vmem>>, vector<1x16xf32>,
        %swap3A_858 = vector.shape_cast %swap3A_857 : vector<1x16xf32> to vector<16xf32>
        %swap3A_859 = vector.shape_cast %mul3A_854 : vector<16xf32> to vector<1x16xf32>
        tpu.vector_store %arg17[%swap3A_855, %swap3A_856], %swap3A_859 {strides = array<i32>} : memref<50x128xf32, #tpu.memory_space<vmem>>, vector<1x16xf32>,
        %get3A_860 = arith.index_cast %scan3A_801 : i32 to index
        %get3A_861 = arith.constant 96 : index
        %get3A_862 = tpu.vector_load %arg9[%get3A_860, %get3A_861] {strides = array<i32>} : memref<50x128xf32, #tpu.memory_space<vmem>>, vector<1x16xf32>,
        %get3A_863 = vector.shape_cast %get3A_862 : vector<1x16xf32> to vector<16xf32>
        %mul3A_864 = arith.mulf %get3A_863, %div3A_443 : vector<16xf32>
        %swap3A_865 = arith.index_cast %scan3A_801 : i32 to index
        %swap3A_866 = arith.constant 96 : index
        %swap3A_867 = tpu.vector_load %arg17[%swap3A_865, %swap3A_866] {strides = array<i32>} : memref<50x128xf32, #tpu.memory_space<vmem>>, vector<1x16xf32>,
        %swap3A_868 = vector.shape_cast %swap3A_867 : vector<1x16xf32> to vector<16xf32>
        %swap3A_869 = vector.shape_cast %mul3A_864 : vector<16xf32> to vector<1x16xf32>
        tpu.vector_store %arg17[%swap3A_865, %swap3A_866], %swap3A_869 {strides = array<i32>} : memref<50x128xf32, #tpu.memory_space<vmem>>, vector<1x16xf32>,
        %get3A_870 = arith.index_cast %scan3A_801 : i32 to index
        %get3A_871 = arith.constant 112 : index
        %get3A_872 = tpu.vector_load %arg9[%get3A_870, %get3A_871] {strides = array<i32>} : memref<50x128xf32, #tpu.memory_space<vmem>>, vector<1x16xf32>,
        %get3A_873 = vector.shape_cast %get3A_872 : vector<1x16xf32> to vector<16xf32>
        %mul3A_874 = arith.mulf %get3A_873, %div3A_446 : vector<16xf32>
        %swap3A_875 = arith.index_cast %scan3A_801 : i32 to index
        %swap3A_876 = arith.constant 112 : index
        %swap3A_877 = tpu.vector_load %arg17[%swap3A_875, %swap3A_876] {strides = array<i32>} : memref<50x128xf32, #tpu.memory_space<vmem>>, vector<1x16xf32>,
        %swap3A_878 = vector.shape_cast %swap3A_877 : vector<1x16xf32> to vector<16xf32>
        %swap3A_879 = vector.shape_cast %mul3A_874 : vector<16xf32> to vector<1x16xf32>
        tpu.vector_store %arg17[%swap3A_875, %swap3A_876], %swap3A_879 {strides = array<i32>} : memref<50x128xf32, #tpu.memory_space<vmem>>, vector<1x16xf32>,
      }
      %scan3A_452 = arith.constant 50 : i32
      %add3A_453 = arith.addi %mul3A_2, %add3A_389 : i32
      %dma_start3A_454 = arith.constant 0 : i32
      %dma_start3A_455 = arith.constant 0 : i32
      %dma_start3A_456 = tpu.memref_slice %arg4[%add3A_453, %dma_start3A_454, %dma_start3A_455] : memref<4096x50x128xf32, #tpu.memory_space<hbm>> -> memref<1x50x128xf32, #tpu.memory_space<hbm>>
      %dma_start3A_457 = tpu.memref_squeeze %dma_start3A_456 : memref<1x50x128xf32, #tpu.memory_space<hbm>> -> memref<50x128xf32, #tpu.memory_space<hbm>>
      %dma_start3A_458 = arith.constant 0 : i32
      %dma_start3A_459 = arith.constant 0 : i32
      %dma_start3A_460 = tpu.memref_slice %arg4[%add3A_453, %dma_start3A_458, %dma_start3A_459] : memref<4096x50x128xf32, #tpu.memory_space<hbm>> -> memref<1x50x128xf32, #tpu.memory_space<hbm>>
      %dma_start3A_461 = tpu.memref_squeeze %dma_start3A_460 : memref<1x50x128xf32, #tpu.memory_space<hbm>> -> memref<50x128xf32, #tpu.memory_space<hbm>>
      tpu.enqueue_dma source(%arg17 : memref<50x128xf32, #tpu.memory_space<vmem>>) target(%dma_start3A_461 : memref<50x128xf32, #tpu.memory_space<hbm>>) target_semaphore(%arg33 : memref<!tpu.dma_semaphore, #tpu.memory_space<semaphore_mem>>)
      %add3A_462 = arith.constant 1 : i32
      %add3A_463 = arith.addi %scan3A_142, %add3A_462 : i32
      %lt3A_464 = arith.constant 16 : i32
      %lt3A_465 = arith.cmpi slt, %add3A_463, %lt3A_464 : i32
      %convert_element_type3A_466 = arith.extui %lt3A_465 : i1 to i32
      %cond3A_467 = arith.constant 0 : i32
      %cond3A_468 = arith.cmpi ne, %convert_element_type3A_466, %cond3A_467 : i32
      scf.if %cond3A_468 {
        %add3A_801 = arith.constant 8 : i32
        %add3A_802 = arith.addi %add3A_389, %add3A_801 : i32
        %dma_start3A_803 = arith.constant 0 : i32
        %dma_start3A_804 = tpu.memref_slice %arg5[%add3A_802, %dma_start3A_803] : memref<128x50xi32, #tpu.memory_space<vmem>> -> memref<1x50xi32, #tpu.memory_space<vmem>>
        %dma_start3A_805 = tpu.memref_squeeze %dma_start3A_804 : memref<1x50xi32, #tpu.memory_space<vmem>> -> memref<50xi32, #tpu.memory_space<vmem>>
        %dma_start3A_806 = arith.constant 0 : i32
        %dma_start3A_807 = arith.constant 0 : i32
        %dma_start3A_808 = tpu.memref_slice %arg3[%dma_start3A_806, %dma_start3A_807] : memref<100000x128xf32, #tpu.memory_space<hbm>> -> memref<100000x128xf32, #tpu.memory_space<hbm>>
        tpu.enqueue_indirect_dma source(%dma_start3A_808 : memref<100000x128xf32, #tpu.memory_space<hbm>>) target(%arg9 : memref<50x128xf32, #tpu.memory_space<vmem>>) offsets(%dma_start3A_805 : memref<50xi32, #tpu.memory_space<vmem>>) semaphore(%arg25 : memref<!tpu.dma_semaphore, #tpu.memory_space<semaphore_mem>>)
      } else {
      }
      %mul3A_469 = arith.constant 8 : i32
      %mul3A_470 = arith.muli %scan3A_142, %mul3A_469 : i32
      %add3A_471 = arith.constant 4 : i32
      %add3A_472 = arith.addi %mul3A_470, %add3A_471 : i32
      %dma_wait3A_473 = arith.constant 0 : i32
      %dma_wait3A_474 = tpu.memref_slice %arg5[%add3A_472, %dma_wait3A_473] : memref<128x50xi32, #tpu.memory_space<vmem>> -> memref<1x50xi32, #tpu.memory_space<vmem>>
      %dma_wait3A_475 = tpu.memref_squeeze %dma_wait3A_474 : memref<1x50xi32, #tpu.memory_space<vmem>> -> memref<50xi32, #tpu.memory_space<vmem>>
      %dma_wait3A_476 = arith.constant 0 : i32
      %dma_wait3A_477 = arith.constant 0 : i32
      %dma_wait3A_478 = tpu.memref_slice %arg3[%dma_wait3A_476, %dma_wait3A_477] : memref<100000x128xf32, #tpu.memory_space<hbm>> -> memref<100000x128xf32, #tpu.memory_space<hbm>>
      tpu.wait_indirect_dma semaphore(%arg26 : memref<!tpu.dma_semaphore, #tpu.memory_space<semaphore_mem>>) src(%dma_wait3A_478 : memref<100000x128xf32, #tpu.memory_space<hbm>>) dst(%arg10 : memref<50x128xf32, #tpu.memory_space<vmem>>)
      %gt3A_479 = arith.constant 0 : i32
      %gt3A_480 = arith.cmpi sgt, %scan3A_142, %gt3A_479 : i32
      %convert_element_type3A_481 = arith.extui %gt3A_480 : i1 to i32
      %cond3A_482 = arith.constant 0 : i32
      %cond3A_483 = arith.cmpi ne, %convert_element_type3A_481, %cond3A_482 : i32
      scf.if %cond3A_483 {
        %sub3A = arith.constant 8 : i32
        %sub3A_801 = arith.subi %add3A_472, %sub3A : i32
        %add3A_802 = arith.addi %mul3A_2, %sub3A_801 : i32
        %dma_wait3A_803 = arith.constant 0 : i32
        %dma_wait3A_804 = arith.constant 0 : i32
        %dma_wait3A_805 = tpu.memref_slice %arg4[%add3A_802, %dma_wait3A_803, %dma_wait3A_804] : memref<4096x50x128xf32, #tpu.memory_space<hbm>> -> memref<1x50x128xf32, #tpu.memory_space<hbm>>
        %dma_wait3A_806 = tpu.memref_squeeze %dma_wait3A_805 : memref<1x50x128xf32, #tpu.memory_space<hbm>> -> memref<50x128xf32, #tpu.memory_space<hbm>>
        %dma_wait3A_807 = arith.constant 0 : i32
        %dma_wait3A_808 = arith.constant 0 : i32
        %dma_wait3A_809 = tpu.memref_slice %arg4[%add3A_802, %dma_wait3A_807, %dma_wait3A_808] : memref<4096x50x128xf32, #tpu.memory_space<hbm>> -> memref<1x50x128xf32, #tpu.memory_space<hbm>>
        %dma_wait3A_810 = tpu.memref_squeeze %dma_wait3A_809 : memref<1x50x128xf32, #tpu.memory_space<hbm>> -> memref<50x128xf32, #tpu.memory_space<hbm>>
        tpu.wait_dma2 semaphore(%arg34 : memref<!tpu.dma_semaphore, #tpu.memory_space<semaphore_mem>>) src(%arg18 : memref<50x128xf32, #tpu.memory_space<vmem>>) dst(%dma_wait3A_810 : memref<50x128xf32, #tpu.memory_space<hbm>>)
      } else {
      }
      %broadcast_in_dim3A_484 = arith.constant 0.000000e+00 : f32
      %broadcast_in_dim3A_485 = vector.broadcast %broadcast_in_dim3A_484 : f32 to vector<16xf32>
      %broadcast_in_dim3A_486 = arith.constant 0.000000e+00 : f32
      %broadcast_in_dim3A_487 = vector.broadcast %broadcast_in_dim3A_486 : f32 to vector<16xf32>
      %broadcast_in_dim3A_488 = arith.constant 0.000000e+00 : f32
      %broadcast_in_dim3A_489 = vector.broadcast %broadcast_in_dim3A_488 : f32 to vector<16xf32>
      %broadcast_in_dim3A_490 = arith.constant 0.000000e+00 : f32
      %broadcast_in_dim3A_491 = vector.broadcast %broadcast_in_dim3A_490 : f32 to vector<16xf32>
      %broadcast_in_dim3A_492 = arith.constant 0.000000e+00 : f32
      %broadcast_in_dim3A_493 = vector.broadcast %broadcast_in_dim3A_492 : f32 to vector<16xf32>
      %broadcast_in_dim3A_494 = arith.constant 0.000000e+00 : f32
      %broadcast_in_dim3A_495 = vector.broadcast %broadcast_in_dim3A_494 : f32 to vector<16xf32>
      %broadcast_in_dim3A_496 = arith.constant 0.000000e+00 : f32
      %broadcast_in_dim3A_497 = vector.broadcast %broadcast_in_dim3A_496 : f32 to vector<16xf32>
      %broadcast_in_dim3A_498 = arith.constant 0.000000e+00 : f32
      %broadcast_in_dim3A_499 = vector.broadcast %broadcast_in_dim3A_498 : f32 to vector<16xf32>
      %scan3A_500 = arith.constant 0 : i32
      %scan3A_501 = arith.constant 50 : i32
      %scan3A_502 = arith.addi %scan3A_500, %scan3A_501 : i32
      %scan3A_503 = arith.constant 1 : i32
      %scan3A_504:8 = scf.for %scan3A_801 = %scan3A_500 to %scan3A_502 step %scan3A_503 iter_args(%scan3A_802 = %broadcast_in_dim3A_485, %scan3A_803 = %broadcast_in_dim3A_487, %scan3A_804 = %broadcast_in_dim3A_489, %scan3A_805 = %broadcast_in_dim3A_491, %scan3A_806 = %broadcast_in_dim3A_493, %scan3A_807 = %broadcast_in_dim3A_495, %scan3A_808 = %broadcast_in_dim3A_497, %scan3A_809 = %broadcast_in_dim3A_499) -> (vector<16xf32>, vector<16xf32>, vector<16xf32>, vector<16xf32>, vector<16xf32>, vector<16xf32>, vector<16xf32>, vector<16xf32>)  : i32 {
        %get3A = arith.index_cast %scan3A_801 : i32 to index
        %get3A_810 = arith.constant 0 : index
        %get3A_811 = tpu.vector_load %arg10[%get3A, %get3A_810] {strides = array<i32>} : memref<50x128xf32, #tpu.memory_space<vmem>>, vector<1x16xf32>,
        %get3A_812 = vector.shape_cast %get3A_811 : vector<1x16xf32> to vector<16xf32>
        %add3A_813 = arith.addf %scan3A_802, %get3A_812 : vector<16xf32>
        %get3A_814 = arith.index_cast %scan3A_801 : i32 to index
        %get3A_815 = arith.constant 16 : index
        %get3A_816 = tpu.vector_load %arg10[%get3A_814, %get3A_815] {strides = array<i32>} : memref<50x128xf32, #tpu.memory_space<vmem>>, vector<1x16xf32>,
        %get3A_817 = vector.shape_cast %get3A_816 : vector<1x16xf32> to vector<16xf32>
        %add3A_818 = arith.addf %scan3A_803, %get3A_817 : vector<16xf32>
        %get3A_819 = arith.index_cast %scan3A_801 : i32 to index
        %get3A_820 = arith.constant 32 : index
        %get3A_821 = tpu.vector_load %arg10[%get3A_819, %get3A_820] {strides = array<i32>} : memref<50x128xf32, #tpu.memory_space<vmem>>, vector<1x16xf32>,
        %get3A_822 = vector.shape_cast %get3A_821 : vector<1x16xf32> to vector<16xf32>
        %add3A_823 = arith.addf %scan3A_804, %get3A_822 : vector<16xf32>
        %get3A_824 = arith.index_cast %scan3A_801 : i32 to index
        %get3A_825 = arith.constant 48 : index
        %get3A_826 = tpu.vector_load %arg10[%get3A_824, %get3A_825] {strides = array<i32>} : memref<50x128xf32, #tpu.memory_space<vmem>>, vector<1x16xf32>,
        %get3A_827 = vector.shape_cast %get3A_826 : vector<1x16xf32> to vector<16xf32>
        %add3A_828 = arith.addf %scan3A_805, %get3A_827 : vector<16xf32>
        %get3A_829 = arith.index_cast %scan3A_801 : i32 to index
        %get3A_830 = arith.constant 64 : index
        %get3A_831 = tpu.vector_load %arg10[%get3A_829, %get3A_830] {strides = array<i32>} : memref<50x128xf32, #tpu.memory_space<vmem>>, vector<1x16xf32>,
        %get3A_832 = vector.shape_cast %get3A_831 : vector<1x16xf32> to vector<16xf32>
        %add3A_833 = arith.addf %scan3A_806, %get3A_832 : vector<16xf32>
        %get3A_834 = arith.index_cast %scan3A_801 : i32 to index
        %get3A_835 = arith.constant 80 : index
        %get3A_836 = tpu.vector_load %arg10[%get3A_834, %get3A_835] {strides = array<i32>} : memref<50x128xf32, #tpu.memory_space<vmem>>, vector<1x16xf32>,
        %get3A_837 = vector.shape_cast %get3A_836 : vector<1x16xf32> to vector<16xf32>
        %add3A_838 = arith.addf %scan3A_807, %get3A_837 : vector<16xf32>
        %get3A_839 = arith.index_cast %scan3A_801 : i32 to index
        %get3A_840 = arith.constant 96 : index
        %get3A_841 = tpu.vector_load %arg10[%get3A_839, %get3A_840] {strides = array<i32>} : memref<50x128xf32, #tpu.memory_space<vmem>>, vector<1x16xf32>,
        %get3A_842 = vector.shape_cast %get3A_841 : vector<1x16xf32> to vector<16xf32>
        %add3A_843 = arith.addf %scan3A_808, %get3A_842 : vector<16xf32>
        %get3A_844 = arith.index_cast %scan3A_801 : i32 to index
        %get3A_845 = arith.constant 112 : index
        %get3A_846 = tpu.vector_load %arg10[%get3A_844, %get3A_845] {strides = array<i32>} : memref<50x128xf32, #tpu.memory_space<vmem>>, vector<1x16xf32>,
        %get3A_847 = vector.shape_cast %get3A_846 : vector<1x16xf32> to vector<16xf32>
        %add3A_848 = arith.addf %scan3A_809, %get3A_847 : vector<16xf32>
        scf.yield %add3A_813, %add3A_818, %add3A_823, %add3A_828, %add3A_833, %add3A_838, %add3A_843, %add3A_848 : vector<16xf32>, vector<16xf32>, vector<16xf32>, vector<16xf32>, vector<16xf32>, vector<16xf32>, vector<16xf32>, vector<16xf32>
      }
      %scan3A_505 = arith.constant 50 : i32
      %div3A_506 = arith.constant 1.000000e+00 : f32
      %div3A_507 = vector.broadcast %div3A_506 : f32 to vector<16xf32>
      %div3A_508 = arith.divf %div3A_507, %scan3A_504#0 : vector<16xf32>
      %div3A_509 = arith.constant 1.000000e+00 : f32
      %div3A_510 = vector.broadcast %div3A_509 : f32 to vector<16xf32>
      %div3A_511 = arith.divf %div3A_510, %scan3A_504#1 : vector<16xf32>
      %div3A_512 = arith.constant 1.000000e+00 : f32
      %div3A_513 = vector.broadcast %div3A_512 : f32 to vector<16xf32>
      %div3A_514 = arith.divf %div3A_513, %scan3A_504#2 : vector<16xf32>
      %div3A_515 = arith.constant 1.000000e+00 : f32
      %div3A_516 = vector.broadcast %div3A_515 : f32 to vector<16xf32>
      %div3A_517 = arith.divf %div3A_516, %scan3A_504#3 : vector<16xf32>
      %div3A_518 = arith.constant 1.000000e+00 : f32
      %div3A_519 = vector.broadcast %div3A_518 : f32 to vector<16xf32>
      %div3A_520 = arith.divf %div3A_519, %scan3A_504#4 : vector<16xf32>
      %div3A_521 = arith.constant 1.000000e+00 : f32
      %div3A_522 = vector.broadcast %div3A_521 : f32 to vector<16xf32>
      %div3A_523 = arith.divf %div3A_522, %scan3A_504#5 : vector<16xf32>
      %div3A_524 = arith.constant 1.000000e+00 : f32
      %div3A_525 = vector.broadcast %div3A_524 : f32 to vector<16xf32>
      %div3A_526 = arith.divf %div3A_525, %scan3A_504#6 : vector<16xf32>
      %div3A_527 = arith.constant 1.000000e+00 : f32
      %div3A_528 = vector.broadcast %div3A_527 : f32 to vector<16xf32>
      %div3A_529 = arith.divf %div3A_528, %scan3A_504#7 : vector<16xf32>
      %scan3A_530 = arith.constant 0 : i32
      %scan3A_531 = arith.constant 0 : i32
      %scan3A_532 = arith.constant 50 : i32
      %scan3A_533 = arith.addi %scan3A_531, %scan3A_532 : i32
      %scan3A_534 = arith.constant 1 : i32
      scf.for %scan3A_801 = %scan3A_531 to %scan3A_533 step %scan3A_534  : i32 {
        %get3A = arith.index_cast %scan3A_801 : i32 to index
        %get3A_802 = arith.constant 0 : index
        %get3A_803 = tpu.vector_load %arg10[%get3A, %get3A_802] {strides = array<i32>} : memref<50x128xf32, #tpu.memory_space<vmem>>, vector<1x16xf32>,
        %get3A_804 = vector.shape_cast %get3A_803 : vector<1x16xf32> to vector<16xf32>
        %mul3A_805 = arith.mulf %get3A_804, %div3A_508 : vector<16xf32>
        %swap3A = arith.index_cast %scan3A_801 : i32 to index
        %swap3A_806 = arith.constant 0 : index
        %swap3A_807 = tpu.vector_load %arg18[%swap3A, %swap3A_806] {strides = array<i32>} : memref<50x128xf32, #tpu.memory_space<vmem>>, vector<1x16xf32>,
        %swap3A_808 = vector.shape_cast %swap3A_807 : vector<1x16xf32> to vector<16xf32>
        %swap3A_809 = vector.shape_cast %mul3A_805 : vector<16xf32> to vector<1x16xf32>
        tpu.vector_store %arg18[%swap3A, %swap3A_806], %swap3A_809 {strides = array<i32>} : memref<50x128xf32, #tpu.memory_space<vmem>>, vector<1x16xf32>,
        %get3A_810 = arith.index_cast %scan3A_801 : i32 to index
        %get3A_811 = arith.constant 16 : index
        %get3A_812 = tpu.vector_load %arg10[%get3A_810, %get3A_811] {strides = array<i32>} : memref<50x128xf32, #tpu.memory_space<vmem>>, vector<1x16xf32>,
        %get3A_813 = vector.shape_cast %get3A_812 : vector<1x16xf32> to vector<16xf32>
        %mul3A_814 = arith.mulf %get3A_813, %div3A_511 : vector<16xf32>
        %swap3A_815 = arith.index_cast %scan3A_801 : i32 to index
        %swap3A_816 = arith.constant 16 : index
        %swap3A_817 = tpu.vector_load %arg18[%swap3A_815, %swap3A_816] {strides = array<i32>} : memref<50x128xf32, #tpu.memory_space<vmem>>, vector<1x16xf32>,
        %swap3A_818 = vector.shape_cast %swap3A_817 : vector<1x16xf32> to vector<16xf32>
        %swap3A_819 = vector.shape_cast %mul3A_814 : vector<16xf32> to vector<1x16xf32>
        tpu.vector_store %arg18[%swap3A_815, %swap3A_816], %swap3A_819 {strides = array<i32>} : memref<50x128xf32, #tpu.memory_space<vmem>>, vector<1x16xf32>,
        %get3A_820 = arith.index_cast %scan3A_801 : i32 to index
        %get3A_821 = arith.constant 32 : index
        %get3A_822 = tpu.vector_load %arg10[%get3A_820, %get3A_821] {strides = array<i32>} : memref<50x128xf32, #tpu.memory_space<vmem>>, vector<1x16xf32>,
        %get3A_823 = vector.shape_cast %get3A_822 : vector<1x16xf32> to vector<16xf32>
        %mul3A_824 = arith.mulf %get3A_823, %div3A_514 : vector<16xf32>
        %swap3A_825 = arith.index_cast %scan3A_801 : i32 to index
        %swap3A_826 = arith.constant 32 : index
        %swap3A_827 = tpu.vector_load %arg18[%swap3A_825, %swap3A_826] {strides = array<i32>} : memref<50x128xf32, #tpu.memory_space<vmem>>, vector<1x16xf32>,
        %swap3A_828 = vector.shape_cast %swap3A_827 : vector<1x16xf32> to vector<16xf32>
        %swap3A_829 = vector.shape_cast %mul3A_824 : vector<16xf32> to vector<1x16xf32>
        tpu.vector_store %arg18[%swap3A_825, %swap3A_826], %swap3A_829 {strides = array<i32>} : memref<50x128xf32, #tpu.memory_space<vmem>>, vector<1x16xf32>,
        %get3A_830 = arith.index_cast %scan3A_801 : i32 to index
        %get3A_831 = arith.constant 48 : index
        %get3A_832 = tpu.vector_load %arg10[%get3A_830, %get3A_831] {strides = array<i32>} : memref<50x128xf32, #tpu.memory_space<vmem>>, vector<1x16xf32>,
        %get3A_833 = vector.shape_cast %get3A_832 : vector<1x16xf32> to vector<16xf32>
        %mul3A_834 = arith.mulf %get3A_833, %div3A_517 : vector<16xf32>
        %swap3A_835 = arith.index_cast %scan3A_801 : i32 to index
        %swap3A_836 = arith.constant 48 : index
        %swap3A_837 = tpu.vector_load %arg18[%swap3A_835, %swap3A_836] {strides = array<i32>} : memref<50x128xf32, #tpu.memory_space<vmem>>, vector<1x16xf32>,
        %swap3A_838 = vector.shape_cast %swap3A_837 : vector<1x16xf32> to vector<16xf32>
        %swap3A_839 = vector.shape_cast %mul3A_834 : vector<16xf32> to vector<1x16xf32>
        tpu.vector_store %arg18[%swap3A_835, %swap3A_836], %swap3A_839 {strides = array<i32>} : memref<50x128xf32, #tpu.memory_space<vmem>>, vector<1x16xf32>,
        %get3A_840 = arith.index_cast %scan3A_801 : i32 to index
        %get3A_841 = arith.constant 64 : index
        %get3A_842 = tpu.vector_load %arg10[%get3A_840, %get3A_841] {strides = array<i32>} : memref<50x128xf32, #tpu.memory_space<vmem>>, vector<1x16xf32>,
        %get3A_843 = vector.shape_cast %get3A_842 : vector<1x16xf32> to vector<16xf32>
        %mul3A_844 = arith.mulf %get3A_843, %div3A_520 : vector<16xf32>
        %swap3A_845 = arith.index_cast %scan3A_801 : i32 to index
        %swap3A_846 = arith.constant 64 : index
        %swap3A_847 = tpu.vector_load %arg18[%swap3A_845, %swap3A_846] {strides = array<i32>} : memref<50x128xf32, #tpu.memory_space<vmem>>, vector<1x16xf32>,
        %swap3A_848 = vector.shape_cast %swap3A_847 : vector<1x16xf32> to vector<16xf32>
        %swap3A_849 = vector.shape_cast %mul3A_844 : vector<16xf32> to vector<1x16xf32>
        tpu.vector_store %arg18[%swap3A_845, %swap3A_846], %swap3A_849 {strides = array<i32>} : memref<50x128xf32, #tpu.memory_space<vmem>>, vector<1x16xf32>,
        %get3A_850 = arith.index_cast %scan3A_801 : i32 to index
        %get3A_851 = arith.constant 80 : index
        %get3A_852 = tpu.vector_load %arg10[%get3A_850, %get3A_851] {strides = array<i32>} : memref<50x128xf32, #tpu.memory_space<vmem>>, vector<1x16xf32>,
        %get3A_853 = vector.shape_cast %get3A_852 : vector<1x16xf32> to vector<16xf32>
        %mul3A_854 = arith.mulf %get3A_853, %div3A_523 : vector<16xf32>
        %swap3A_855 = arith.index_cast %scan3A_801 : i32 to index
        %swap3A_856 = arith.constant 80 : index
        %swap3A_857 = tpu.vector_load %arg18[%swap3A_855, %swap3A_856] {strides = array<i32>} : memref<50x128xf32, #tpu.memory_space<vmem>>, vector<1x16xf32>,
        %swap3A_858 = vector.shape_cast %swap3A_857 : vector<1x16xf32> to vector<16xf32>
        %swap3A_859 = vector.shape_cast %mul3A_854 : vector<16xf32> to vector<1x16xf32>
        tpu.vector_store %arg18[%swap3A_855, %swap3A_856], %swap3A_859 {strides = array<i32>} : memref<50x128xf32, #tpu.memory_space<vmem>>, vector<1x16xf32>,
        %get3A_860 = arith.index_cast %scan3A_801 : i32 to index
        %get3A_861 = arith.constant 96 : index
        %get3A_862 = tpu.vector_load %arg10[%get3A_860, %get3A_861] {strides = array<i32>} : memref<50x128xf32, #tpu.memory_space<vmem>>, vector<1x16xf32>,
        %get3A_863 = vector.shape_cast %get3A_862 : vector<1x16xf32> to vector<16xf32>
        %mul3A_864 = arith.mulf %get3A_863, %div3A_526 : vector<16xf32>
        %swap3A_865 = arith.index_cast %scan3A_801 : i32 to index
        %swap3A_866 = arith.constant 96 : index
        %swap3A_867 = tpu.vector_load %arg18[%swap3A_865, %swap3A_866] {strides = array<i32>} : memref<50x128xf32, #tpu.memory_space<vmem>>, vector<1x16xf32>,
        %swap3A_868 = vector.shape_cast %swap3A_867 : vector<1x16xf32> to vector<16xf32>
        %swap3A_869 = vector.shape_cast %mul3A_864 : vector<16xf32> to vector<1x16xf32>
        tpu.vector_store %arg18[%swap3A_865, %swap3A_866], %swap3A_869 {strides = array<i32>} : memref<50x128xf32, #tpu.memory_space<vmem>>, vector<1x16xf32>,
        %get3A_870 = arith.index_cast %scan3A_801 : i32 to index
        %get3A_871 = arith.constant 112 : index
        %get3A_872 = tpu.vector_load %arg10[%get3A_870, %get3A_871] {strides = array<i32>} : memref<50x128xf32, #tpu.memory_space<vmem>>, vector<1x16xf32>,
        %get3A_873 = vector.shape_cast %get3A_872 : vector<1x16xf32> to vector<16xf32>
        %mul3A_874 = arith.mulf %get3A_873, %div3A_529 : vector<16xf32>
        %swap3A_875 = arith.index_cast %scan3A_801 : i32 to index
        %swap3A_876 = arith.constant 112 : index
        %swap3A_877 = tpu.vector_load %arg18[%swap3A_875, %swap3A_876] {strides = array<i32>} : memref<50x128xf32, #tpu.memory_space<vmem>>, vector<1x16xf32>,
        %swap3A_878 = vector.shape_cast %swap3A_877 : vector<1x16xf32> to vector<16xf32>
        %swap3A_879 = vector.shape_cast %mul3A_874 : vector<16xf32> to vector<1x16xf32>
        tpu.vector_store %arg18[%swap3A_875, %swap3A_876], %swap3A_879 {strides = array<i32>} : memref<50x128xf32, #tpu.memory_space<vmem>>, vector<1x16xf32>,
      }
      %scan3A_535 = arith.constant 50 : i32
      %add3A_536 = arith.addi %mul3A_2, %add3A_472 : i32
      %dma_start3A_537 = arith.constant 0 : i32
      %dma_start3A_538 = arith.constant 0 : i32
      %dma_start3A_539 = tpu.memref_slice %arg4[%add3A_536, %dma_start3A_537, %dma_start3A_538] : memref<4096x50x128xf32, #tpu.memory_space<hbm>> -> memref<1x50x128xf32, #tpu.memory_space<hbm>>
      %dma_start3A_540 = tpu.memref_squeeze %dma_start3A_539 : memref<1x50x128xf32, #tpu.memory_space<hbm>> -> memref<50x128xf32, #tpu.memory_space<hbm>>
      %dma_start3A_541 = arith.constant 0 : i32
      %dma_start3A_542 = arith.constant 0 : i32
      %dma_start3A_543 = tpu.memref_slice %arg4[%add3A_536, %dma_start3A_541, %dma_start3A_542] : memref<4096x50x128xf32, #tpu.memory_space<hbm>> -> memref<1x50x128xf32, #tpu.memory_space<hbm>>
      %dma_start3A_544 = tpu.memref_squeeze %dma_start3A_543 : memref<1x50x128xf32, #tpu.memory_space<hbm>> -> memref<50x128xf32, #tpu.memory_space<hbm>>
      tpu.enqueue_dma source(%arg18 : memref<50x128xf32, #tpu.memory_space<vmem>>) target(%dma_start3A_544 : memref<50x128xf32, #tpu.memory_space<hbm>>) target_semaphore(%arg34 : memref<!tpu.dma_semaphore, #tpu.memory_space<semaphore_mem>>)
      %add3A_545 = arith.constant 1 : i32
      %add3A_546 = arith.addi %scan3A_142, %add3A_545 : i32
      %lt3A_547 = arith.constant 16 : i32
      %lt3A_548 = arith.cmpi slt, %add3A_546, %lt3A_547 : i32
      %convert_element_type3A_549 = arith.extui %lt3A_548 : i1 to i32
      %cond3A_550 = arith.constant 0 : i32
      %cond3A_551 = arith.cmpi ne, %convert_element_type3A_549, %cond3A_550 : i32
      scf.if %cond3A_551 {
        %add3A_801 = arith.constant 8 : i32
        %add3A_802 = arith.addi %add3A_472, %add3A_801 : i32
        %dma_start3A_803 = arith.constant 0 : i32
        %dma_start3A_804 = tpu.memref_slice %arg5[%add3A_802, %dma_start3A_803] : memref<128x50xi32, #tpu.memory_space<vmem>> -> memref<1x50xi32, #tpu.memory_space<vmem>>
        %dma_start3A_805 = tpu.memref_squeeze %dma_start3A_804 : memref<1x50xi32, #tpu.memory_space<vmem>> -> memref<50xi32, #tpu.memory_space<vmem>>
        %dma_start3A_806 = arith.constant 0 : i32
        %dma_start3A_807 = arith.constant 0 : i32
        %dma_start3A_808 = tpu.memref_slice %arg3[%dma_start3A_806, %dma_start3A_807] : memref<100000x128xf32, #tpu.memory_space<hbm>> -> memref<100000x128xf32, #tpu.memory_space<hbm>>
        tpu.enqueue_indirect_dma source(%dma_start3A_808 : memref<100000x128xf32, #tpu.memory_space<hbm>>) target(%arg10 : memref<50x128xf32, #tpu.memory_space<vmem>>) offsets(%dma_start3A_805 : memref<50xi32, #tpu.memory_space<vmem>>) semaphore(%arg26 : memref<!tpu.dma_semaphore, #tpu.memory_space<semaphore_mem>>)
      } else {
      }
      %mul3A_552 = arith.constant 8 : i32
      %mul3A_553 = arith.muli %scan3A_142, %mul3A_552 : i32
      %add3A_554 = arith.constant 5 : i32
      %add3A_555 = arith.addi %mul3A_553, %add3A_554 : i32
      %dma_wait3A_556 = arith.constant 0 : i32
      %dma_wait3A_557 = tpu.memref_slice %arg5[%add3A_555, %dma_wait3A_556] : memref<128x50xi32, #tpu.memory_space<vmem>> -> memref<1x50xi32, #tpu.memory_space<vmem>>
      %dma_wait3A_558 = tpu.memref_squeeze %dma_wait3A_557 : memref<1x50xi32, #tpu.memory_space<vmem>> -> memref<50xi32, #tpu.memory_space<vmem>>
      %dma_wait3A_559 = arith.constant 0 : i32
      %dma_wait3A_560 = arith.constant 0 : i32
      %dma_wait3A_561 = tpu.memref_slice %arg3[%dma_wait3A_559, %dma_wait3A_560] : memref<100000x128xf32, #tpu.memory_space<hbm>> -> memref<100000x128xf32, #tpu.memory_space<hbm>>
      tpu.wait_indirect_dma semaphore(%arg27 : memref<!tpu.dma_semaphore, #tpu.memory_space<semaphore_mem>>) src(%dma_wait3A_561 : memref<100000x128xf32, #tpu.memory_space<hbm>>) dst(%arg11 : memref<50x128xf32, #tpu.memory_space<vmem>>)
      %gt3A_562 = arith.constant 0 : i32
      %gt3A_563 = arith.cmpi sgt, %scan3A_142, %gt3A_562 : i32
      %convert_element_type3A_564 = arith.extui %gt3A_563 : i1 to i32
      %cond3A_565 = arith.constant 0 : i32
      %cond3A_566 = arith.cmpi ne, %convert_element_type3A_564, %cond3A_565 : i32
      scf.if %cond3A_566 {
        %sub3A = arith.constant 8 : i32
        %sub3A_801 = arith.subi %add3A_555, %sub3A : i32
        %add3A_802 = arith.addi %mul3A_2, %sub3A_801 : i32
        %dma_wait3A_803 = arith.constant 0 : i32
        %dma_wait3A_804 = arith.constant 0 : i32
        %dma_wait3A_805 = tpu.memref_slice %arg4[%add3A_802, %dma_wait3A_803, %dma_wait3A_804] : memref<4096x50x128xf32, #tpu.memory_space<hbm>> -> memref<1x50x128xf32, #tpu.memory_space<hbm>>
        %dma_wait3A_806 = tpu.memref_squeeze %dma_wait3A_805 : memref<1x50x128xf32, #tpu.memory_space<hbm>> -> memref<50x128xf32, #tpu.memory_space<hbm>>
        %dma_wait3A_807 = arith.constant 0 : i32
        %dma_wait3A_808 = arith.constant 0 : i32
        %dma_wait3A_809 = tpu.memref_slice %arg4[%add3A_802, %dma_wait3A_807, %dma_wait3A_808] : memref<4096x50x128xf32, #tpu.memory_space<hbm>> -> memref<1x50x128xf32, #tpu.memory_space<hbm>>
        %dma_wait3A_810 = tpu.memref_squeeze %dma_wait3A_809 : memref<1x50x128xf32, #tpu.memory_space<hbm>> -> memref<50x128xf32, #tpu.memory_space<hbm>>
        tpu.wait_dma2 semaphore(%arg35 : memref<!tpu.dma_semaphore, #tpu.memory_space<semaphore_mem>>) src(%arg19 : memref<50x128xf32, #tpu.memory_space<vmem>>) dst(%dma_wait3A_810 : memref<50x128xf32, #tpu.memory_space<hbm>>)
      } else {
      }
      %broadcast_in_dim3A_567 = arith.constant 0.000000e+00 : f32
      %broadcast_in_dim3A_568 = vector.broadcast %broadcast_in_dim3A_567 : f32 to vector<16xf32>
      %broadcast_in_dim3A_569 = arith.constant 0.000000e+00 : f32
      %broadcast_in_dim3A_570 = vector.broadcast %broadcast_in_dim3A_569 : f32 to vector<16xf32>
      %broadcast_in_dim3A_571 = arith.constant 0.000000e+00 : f32
      %broadcast_in_dim3A_572 = vector.broadcast %broadcast_in_dim3A_571 : f32 to vector<16xf32>
      %broadcast_in_dim3A_573 = arith.constant 0.000000e+00 : f32
      %broadcast_in_dim3A_574 = vector.broadcast %broadcast_in_dim3A_573 : f32 to vector<16xf32>
      %broadcast_in_dim3A_575 = arith.constant 0.000000e+00 : f32
      %broadcast_in_dim3A_576 = vector.broadcast %broadcast_in_dim3A_575 : f32 to vector<16xf32>
      %broadcast_in_dim3A_577 = arith.constant 0.000000e+00 : f32
      %broadcast_in_dim3A_578 = vector.broadcast %broadcast_in_dim3A_577 : f32 to vector<16xf32>
      %broadcast_in_dim3A_579 = arith.constant 0.000000e+00 : f32
      %broadcast_in_dim3A_580 = vector.broadcast %broadcast_in_dim3A_579 : f32 to vector<16xf32>
      %broadcast_in_dim3A_581 = arith.constant 0.000000e+00 : f32
      %broadcast_in_dim3A_582 = vector.broadcast %broadcast_in_dim3A_581 : f32 to vector<16xf32>
      %scan3A_583 = arith.constant 0 : i32
      %scan3A_584 = arith.constant 50 : i32
      %scan3A_585 = arith.addi %scan3A_583, %scan3A_584 : i32
      %scan3A_586 = arith.constant 1 : i32
      %scan3A_587:8 = scf.for %scan3A_801 = %scan3A_583 to %scan3A_585 step %scan3A_586 iter_args(%scan3A_802 = %broadcast_in_dim3A_568, %scan3A_803 = %broadcast_in_dim3A_570, %scan3A_804 = %broadcast_in_dim3A_572, %scan3A_805 = %broadcast_in_dim3A_574, %scan3A_806 = %broadcast_in_dim3A_576, %scan3A_807 = %broadcast_in_dim3A_578, %scan3A_808 = %broadcast_in_dim3A_580, %scan3A_809 = %broadcast_in_dim3A_582) -> (vector<16xf32>, vector<16xf32>, vector<16xf32>, vector<16xf32>, vector<16xf32>, vector<16xf32>, vector<16xf32>, vector<16xf32>)  : i32 {
        %get3A = arith.index_cast %scan3A_801 : i32 to index
        %get3A_810 = arith.constant 0 : index
        %get3A_811 = tpu.vector_load %arg11[%get3A, %get3A_810] {strides = array<i32>} : memref<50x128xf32, #tpu.memory_space<vmem>>, vector<1x16xf32>,
        %get3A_812 = vector.shape_cast %get3A_811 : vector<1x16xf32> to vector<16xf32>
        %add3A_813 = arith.addf %scan3A_802, %get3A_812 : vector<16xf32>
        %get3A_814 = arith.index_cast %scan3A_801 : i32 to index
        %get3A_815 = arith.constant 16 : index
        %get3A_816 = tpu.vector_load %arg11[%get3A_814, %get3A_815] {strides = array<i32>} : memref<50x128xf32, #tpu.memory_space<vmem>>, vector<1x16xf32>,
        %get3A_817 = vector.shape_cast %get3A_816 : vector<1x16xf32> to vector<16xf32>
        %add3A_818 = arith.addf %scan3A_803, %get3A_817 : vector<16xf32>
        %get3A_819 = arith.index_cast %scan3A_801 : i32 to index
        %get3A_820 = arith.constant 32 : index
        %get3A_821 = tpu.vector_load %arg11[%get3A_819, %get3A_820] {strides = array<i32>} : memref<50x128xf32, #tpu.memory_space<vmem>>, vector<1x16xf32>,
        %get3A_822 = vector.shape_cast %get3A_821 : vector<1x16xf32> to vector<16xf32>
        %add3A_823 = arith.addf %scan3A_804, %get3A_822 : vector<16xf32>
        %get3A_824 = arith.index_cast %scan3A_801 : i32 to index
        %get3A_825 = arith.constant 48 : index
        %get3A_826 = tpu.vector_load %arg11[%get3A_824, %get3A_825] {strides = array<i32>} : memref<50x128xf32, #tpu.memory_space<vmem>>, vector<1x16xf32>,
        %get3A_827 = vector.shape_cast %get3A_826 : vector<1x16xf32> to vector<16xf32>
        %add3A_828 = arith.addf %scan3A_805, %get3A_827 : vector<16xf32>
        %get3A_829 = arith.index_cast %scan3A_801 : i32 to index
        %get3A_830 = arith.constant 64 : index
        %get3A_831 = tpu.vector_load %arg11[%get3A_829, %get3A_830] {strides = array<i32>} : memref<50x128xf32, #tpu.memory_space<vmem>>, vector<1x16xf32>,
        %get3A_832 = vector.shape_cast %get3A_831 : vector<1x16xf32> to vector<16xf32>
        %add3A_833 = arith.addf %scan3A_806, %get3A_832 : vector<16xf32>
        %get3A_834 = arith.index_cast %scan3A_801 : i32 to index
        %get3A_835 = arith.constant 80 : index
        %get3A_836 = tpu.vector_load %arg11[%get3A_834, %get3A_835] {strides = array<i32>} : memref<50x128xf32, #tpu.memory_space<vmem>>, vector<1x16xf32>,
        %get3A_837 = vector.shape_cast %get3A_836 : vector<1x16xf32> to vector<16xf32>
        %add3A_838 = arith.addf %scan3A_807, %get3A_837 : vector<16xf32>
        %get3A_839 = arith.index_cast %scan3A_801 : i32 to index
        %get3A_840 = arith.constant 96 : index
        %get3A_841 = tpu.vector_load %arg11[%get3A_839, %get3A_840] {strides = array<i32>} : memref<50x128xf32, #tpu.memory_space<vmem>>, vector<1x16xf32>,
        %get3A_842 = vector.shape_cast %get3A_841 : vector<1x16xf32> to vector<16xf32>
        %add3A_843 = arith.addf %scan3A_808, %get3A_842 : vector<16xf32>
        %get3A_844 = arith.index_cast %scan3A_801 : i32 to index
        %get3A_845 = arith.constant 112 : index
        %get3A_846 = tpu.vector_load %arg11[%get3A_844, %get3A_845] {strides = array<i32>} : memref<50x128xf32, #tpu.memory_space<vmem>>, vector<1x16xf32>,
        %get3A_847 = vector.shape_cast %get3A_846 : vector<1x16xf32> to vector<16xf32>
        %add3A_848 = arith.addf %scan3A_809, %get3A_847 : vector<16xf32>
        scf.yield %add3A_813, %add3A_818, %add3A_823, %add3A_828, %add3A_833, %add3A_838, %add3A_843, %add3A_848 : vector<16xf32>, vector<16xf32>, vector<16xf32>, vector<16xf32>, vector<16xf32>, vector<16xf32>, vector<16xf32>, vector<16xf32>
      }
      %scan3A_588 = arith.constant 50 : i32
      %div3A_589 = arith.constant 1.000000e+00 : f32
      %div3A_590 = vector.broadcast %div3A_589 : f32 to vector<16xf32>
      %div3A_591 = arith.divf %div3A_590, %scan3A_587#0 : vector<16xf32>
      %div3A_592 = arith.constant 1.000000e+00 : f32
      %div3A_593 = vector.broadcast %div3A_592 : f32 to vector<16xf32>
      %div3A_594 = arith.divf %div3A_593, %scan3A_587#1 : vector<16xf32>
      %div3A_595 = arith.constant 1.000000e+00 : f32
      %div3A_596 = vector.broadcast %div3A_595 : f32 to vector<16xf32>
      %div3A_597 = arith.divf %div3A_596, %scan3A_587#2 : vector<16xf32>
      %div3A_598 = arith.constant 1.000000e+00 : f32
      %div3A_599 = vector.broadcast %div3A_598 : f32 to vector<16xf32>
      %div3A_600 = arith.divf %div3A_599, %scan3A_587#3 : vector<16xf32>
      %div3A_601 = arith.constant 1.000000e+00 : f32
      %div3A_602 = vector.broadcast %div3A_601 : f32 to vector<16xf32>
      %div3A_603 = arith.divf %div3A_602, %scan3A_587#4 : vector<16xf32>
      %div3A_604 = arith.constant 1.000000e+00 : f32
      %div3A_605 = vector.broadcast %div3A_604 : f32 to vector<16xf32>
      %div3A_606 = arith.divf %div3A_605, %scan3A_587#5 : vector<16xf32>
      %div3A_607 = arith.constant 1.000000e+00 : f32
      %div3A_608 = vector.broadcast %div3A_607 : f32 to vector<16xf32>
      %div3A_609 = arith.divf %div3A_608, %scan3A_587#6 : vector<16xf32>
      %div3A_610 = arith.constant 1.000000e+00 : f32
      %div3A_611 = vector.broadcast %div3A_610 : f32 to vector<16xf32>
      %div3A_612 = arith.divf %div3A_611, %scan3A_587#7 : vector<16xf32>
      %scan3A_613 = arith.constant 0 : i32
      %scan3A_614 = arith.constant 0 : i32
      %scan3A_615 = arith.constant 50 : i32
      %scan3A_616 = arith.addi %scan3A_614, %scan3A_615 : i32
      %scan3A_617 = arith.constant 1 : i32
      scf.for %scan3A_801 = %scan3A_614 to %scan3A_616 step %scan3A_617  : i32 {
        %get3A = arith.index_cast %scan3A_801 : i32 to index
        %get3A_802 = arith.constant 0 : index
        %get3A_803 = tpu.vector_load %arg11[%get3A, %get3A_802] {strides = array<i32>} : memref<50x128xf32, #tpu.memory_space<vmem>>, vector<1x16xf32>,
        %get3A_804 = vector.shape_cast %get3A_803 : vector<1x16xf32> to vector<16xf32>
        %mul3A_805 = arith.mulf %get3A_804, %div3A_591 : vector<16xf32>
        %swap3A = arith.index_cast %scan3A_801 : i32 to index
        %swap3A_806 = arith.constant 0 : index
        %swap3A_807 = tpu.vector_load %arg19[%swap3A, %swap3A_806] {strides = array<i32>} : memref<50x128xf32, #tpu.memory_space<vmem>>, vector<1x16xf32>,
        %swap3A_808 = vector.shape_cast %swap3A_807 : vector<1x16xf32> to vector<16xf32>
        %swap3A_809 = vector.shape_cast %mul3A_805 : vector<16xf32> to vector<1x16xf32>
        tpu.vector_store %arg19[%swap3A, %swap3A_806], %swap3A_809 {strides = array<i32>} : memref<50x128xf32, #tpu.memory_space<vmem>>, vector<1x16xf32>,
        %get3A_810 = arith.index_cast %scan3A_801 : i32 to index
        %get3A_811 = arith.constant 16 : index
        %get3A_812 = tpu.vector_load %arg11[%get3A_810, %get3A_811] {strides = array<i32>} : memref<50x128xf32, #tpu.memory_space<vmem>>, vector<1x16xf32>,
        %get3A_813 = vector.shape_cast %get3A_812 : vector<1x16xf32> to vector<16xf32>
        %mul3A_814 = arith.mulf %get3A_813, %div3A_594 : vector<16xf32>
        %swap3A_815 = arith.index_cast %scan3A_801 : i32 to index
        %swap3A_816 = arith.constant 16 : index
        %swap3A_817 = tpu.vector_load %arg19[%swap3A_815, %swap3A_816] {strides = array<i32>} : memref<50x128xf32, #tpu.memory_space<vmem>>, vector<1x16xf32>,
        %swap3A_818 = vector.shape_cast %swap3A_817 : vector<1x16xf32> to vector<16xf32>
        %swap3A_819 = vector.shape_cast %mul3A_814 : vector<16xf32> to vector<1x16xf32>
        tpu.vector_store %arg19[%swap3A_815, %swap3A_816], %swap3A_819 {strides = array<i32>} : memref<50x128xf32, #tpu.memory_space<vmem>>, vector<1x16xf32>,
        %get3A_820 = arith.index_cast %scan3A_801 : i32 to index
        %get3A_821 = arith.constant 32 : index
        %get3A_822 = tpu.vector_load %arg11[%get3A_820, %get3A_821] {strides = array<i32>} : memref<50x128xf32, #tpu.memory_space<vmem>>, vector<1x16xf32>,
        %get3A_823 = vector.shape_cast %get3A_822 : vector<1x16xf32> to vector<16xf32>
        %mul3A_824 = arith.mulf %get3A_823, %div3A_597 : vector<16xf32>
        %swap3A_825 = arith.index_cast %scan3A_801 : i32 to index
        %swap3A_826 = arith.constant 32 : index
        %swap3A_827 = tpu.vector_load %arg19[%swap3A_825, %swap3A_826] {strides = array<i32>} : memref<50x128xf32, #tpu.memory_space<vmem>>, vector<1x16xf32>,
        %swap3A_828 = vector.shape_cast %swap3A_827 : vector<1x16xf32> to vector<16xf32>
        %swap3A_829 = vector.shape_cast %mul3A_824 : vector<16xf32> to vector<1x16xf32>
        tpu.vector_store %arg19[%swap3A_825, %swap3A_826], %swap3A_829 {strides = array<i32>} : memref<50x128xf32, #tpu.memory_space<vmem>>, vector<1x16xf32>,
        %get3A_830 = arith.index_cast %scan3A_801 : i32 to index
        %get3A_831 = arith.constant 48 : index
        %get3A_832 = tpu.vector_load %arg11[%get3A_830, %get3A_831] {strides = array<i32>} : memref<50x128xf32, #tpu.memory_space<vmem>>, vector<1x16xf32>,
        %get3A_833 = vector.shape_cast %get3A_832 : vector<1x16xf32> to vector<16xf32>
        %mul3A_834 = arith.mulf %get3A_833, %div3A_600 : vector<16xf32>
        %swap3A_835 = arith.index_cast %scan3A_801 : i32 to index
        %swap3A_836 = arith.constant 48 : index
        %swap3A_837 = tpu.vector_load %arg19[%swap3A_835, %swap3A_836] {strides = array<i32>} : memref<50x128xf32, #tpu.memory_space<vmem>>, vector<1x16xf32>,
        %swap3A_838 = vector.shape_cast %swap3A_837 : vector<1x16xf32> to vector<16xf32>
        %swap3A_839 = vector.shape_cast %mul3A_834 : vector<16xf32> to vector<1x16xf32>
        tpu.vector_store %arg19[%swap3A_835, %swap3A_836], %swap3A_839 {strides = array<i32>} : memref<50x128xf32, #tpu.memory_space<vmem>>, vector<1x16xf32>,
        %get3A_840 = arith.index_cast %scan3A_801 : i32 to index
        %get3A_841 = arith.constant 64 : index
        %get3A_842 = tpu.vector_load %arg11[%get3A_840, %get3A_841] {strides = array<i32>} : memref<50x128xf32, #tpu.memory_space<vmem>>, vector<1x16xf32>,
        %get3A_843 = vector.shape_cast %get3A_842 : vector<1x16xf32> to vector<16xf32>
        %mul3A_844 = arith.mulf %get3A_843, %div3A_603 : vector<16xf32>
        %swap3A_845 = arith.index_cast %scan3A_801 : i32 to index
        %swap3A_846 = arith.constant 64 : index
        %swap3A_847 = tpu.vector_load %arg19[%swap3A_845, %swap3A_846] {strides = array<i32>} : memref<50x128xf32, #tpu.memory_space<vmem>>, vector<1x16xf32>,
        %swap3A_848 = vector.shape_cast %swap3A_847 : vector<1x16xf32> to vector<16xf32>
        %swap3A_849 = vector.shape_cast %mul3A_844 : vector<16xf32> to vector<1x16xf32>
        tpu.vector_store %arg19[%swap3A_845, %swap3A_846], %swap3A_849 {strides = array<i32>} : memref<50x128xf32, #tpu.memory_space<vmem>>, vector<1x16xf32>,
        %get3A_850 = arith.index_cast %scan3A_801 : i32 to index
        %get3A_851 = arith.constant 80 : index
        %get3A_852 = tpu.vector_load %arg11[%get3A_850, %get3A_851] {strides = array<i32>} : memref<50x128xf32, #tpu.memory_space<vmem>>, vector<1x16xf32>,
        %get3A_853 = vector.shape_cast %get3A_852 : vector<1x16xf32> to vector<16xf32>
        %mul3A_854 = arith.mulf %get3A_853, %div3A_606 : vector<16xf32>
        %swap3A_855 = arith.index_cast %scan3A_801 : i32 to index
        %swap3A_856 = arith.constant 80 : index
        %swap3A_857 = tpu.vector_load %arg19[%swap3A_855, %swap3A_856] {strides = array<i32>} : memref<50x128xf32, #tpu.memory_space<vmem>>, vector<1x16xf32>,
        %swap3A_858 = vector.shape_cast %swap3A_857 : vector<1x16xf32> to vector<16xf32>
        %swap3A_859 = vector.shape_cast %mul3A_854 : vector<16xf32> to vector<1x16xf32>
        tpu.vector_store %arg19[%swap3A_855, %swap3A_856], %swap3A_859 {strides = array<i32>} : memref<50x128xf32, #tpu.memory_space<vmem>>, vector<1x16xf32>,
        %get3A_860 = arith.index_cast %scan3A_801 : i32 to index
        %get3A_861 = arith.constant 96 : index
        %get3A_862 = tpu.vector_load %arg11[%get3A_860, %get3A_861] {strides = array<i32>} : memref<50x128xf32, #tpu.memory_space<vmem>>, vector<1x16xf32>,
        %get3A_863 = vector.shape_cast %get3A_862 : vector<1x16xf32> to vector<16xf32>
        %mul3A_864 = arith.mulf %get3A_863, %div3A_609 : vector<16xf32>
        %swap3A_865 = arith.index_cast %scan3A_801 : i32 to index
        %swap3A_866 = arith.constant 96 : index
        %swap3A_867 = tpu.vector_load %arg19[%swap3A_865, %swap3A_866] {strides = array<i32>} : memref<50x128xf32, #tpu.memory_space<vmem>>, vector<1x16xf32>,
        %swap3A_868 = vector.shape_cast %swap3A_867 : vector<1x16xf32> to vector<16xf32>
        %swap3A_869 = vector.shape_cast %mul3A_864 : vector<16xf32> to vector<1x16xf32>
        tpu.vector_store %arg19[%swap3A_865, %swap3A_866], %swap3A_869 {strides = array<i32>} : memref<50x128xf32, #tpu.memory_space<vmem>>, vector<1x16xf32>,
        %get3A_870 = arith.index_cast %scan3A_801 : i32 to index
        %get3A_871 = arith.constant 112 : index
        %get3A_872 = tpu.vector_load %arg11[%get3A_870, %get3A_871] {strides = array<i32>} : memref<50x128xf32, #tpu.memory_space<vmem>>, vector<1x16xf32>,
        %get3A_873 = vector.shape_cast %get3A_872 : vector<1x16xf32> to vector<16xf32>
        %mul3A_874 = arith.mulf %get3A_873, %div3A_612 : vector<16xf32>
        %swap3A_875 = arith.index_cast %scan3A_801 : i32 to index
        %swap3A_876 = arith.constant 112 : index
        %swap3A_877 = tpu.vector_load %arg19[%swap3A_875, %swap3A_876] {strides = array<i32>} : memref<50x128xf32, #tpu.memory_space<vmem>>, vector<1x16xf32>,
        %swap3A_878 = vector.shape_cast %swap3A_877 : vector<1x16xf32> to vector<16xf32>
        %swap3A_879 = vector.shape_cast %mul3A_874 : vector<16xf32> to vector<1x16xf32>
        tpu.vector_store %arg19[%swap3A_875, %swap3A_876], %swap3A_879 {strides = array<i32>} : memref<50x128xf32, #tpu.memory_space<vmem>>, vector<1x16xf32>,
      }
      %scan3A_618 = arith.constant 50 : i32
      %add3A_619 = arith.addi %mul3A_2, %add3A_555 : i32
      %dma_start3A_620 = arith.constant 0 : i32
      %dma_start3A_621 = arith.constant 0 : i32
      %dma_start3A_622 = tpu.memref_slice %arg4[%add3A_619, %dma_start3A_620, %dma_start3A_621] : memref<4096x50x128xf32, #tpu.memory_space<hbm>> -> memref<1x50x128xf32, #tpu.memory_space<hbm>>
      %dma_start3A_623 = tpu.memref_squeeze %dma_start3A_622 : memref<1x50x128xf32, #tpu.memory_space<hbm>> -> memref<50x128xf32, #tpu.memory_space<hbm>>
      %dma_start3A_624 = arith.constant 0 : i32
      %dma_start3A_625 = arith.constant 0 : i32
      %dma_start3A_626 = tpu.memref_slice %arg4[%add3A_619, %dma_start3A_624, %dma_start3A_625] : memref<4096x50x128xf32, #tpu.memory_space<hbm>> -> memref<1x50x128xf32, #tpu.memory_space<hbm>>
      %dma_start3A_627 = tpu.memref_squeeze %dma_start3A_626 : memref<1x50x128xf32, #tpu.memory_space<hbm>> -> memref<50x128xf32, #tpu.memory_space<hbm>>
      tpu.enqueue_dma source(%arg19 : memref<50x128xf32, #tpu.memory_space<vmem>>) target(%dma_start3A_627 : memref<50x128xf32, #tpu.memory_space<hbm>>) target_semaphore(%arg35 : memref<!tpu.dma_semaphore, #tpu.memory_space<semaphore_mem>>)
      %add3A_628 = arith.constant 1 : i32
      %add3A_629 = arith.addi %scan3A_142, %add3A_628 : i32
      %lt3A_630 = arith.constant 16 : i32
      %lt3A_631 = arith.cmpi slt, %add3A_629, %lt3A_630 : i32
      %convert_element_type3A_632 = arith.extui %lt3A_631 : i1 to i32
      %cond3A_633 = arith.constant 0 : i32
      %cond3A_634 = arith.cmpi ne, %convert_element_type3A_632, %cond3A_633 : i32
      scf.if %cond3A_634 {
        %add3A_801 = arith.constant 8 : i32
        %add3A_802 = arith.addi %add3A_555, %add3A_801 : i32
        %dma_start3A_803 = arith.constant 0 : i32
        %dma_start3A_804 = tpu.memref_slice %arg5[%add3A_802, %dma_start3A_803] : memref<128x50xi32, #tpu.memory_space<vmem>> -> memref<1x50xi32, #tpu.memory_space<vmem>>
        %dma_start3A_805 = tpu.memref_squeeze %dma_start3A_804 : memref<1x50xi32, #tpu.memory_space<vmem>> -> memref<50xi32, #tpu.memory_space<vmem>>
        %dma_start3A_806 = arith.constant 0 : i32
        %dma_start3A_807 = arith.constant 0 : i32
        %dma_start3A_808 = tpu.memref_slice %arg3[%dma_start3A_806, %dma_start3A_807] : memref<100000x128xf32, #tpu.memory_space<hbm>> -> memref<100000x128xf32, #tpu.memory_space<hbm>>
        tpu.enqueue_indirect_dma source(%dma_start3A_808 : memref<100000x128xf32, #tpu.memory_space<hbm>>) target(%arg11 : memref<50x128xf32, #tpu.memory_space<vmem>>) offsets(%dma_start3A_805 : memref<50xi32, #tpu.memory_space<vmem>>) semaphore(%arg27 : memref<!tpu.dma_semaphore, #tpu.memory_space<semaphore_mem>>)
      } else {
      }
      %mul3A_635 = arith.constant 8 : i32
      %mul3A_636 = arith.muli %scan3A_142, %mul3A_635 : i32
      %add3A_637 = arith.constant 6 : i32
      %add3A_638 = arith.addi %mul3A_636, %add3A_637 : i32
      %dma_wait3A_639 = arith.constant 0 : i32
      %dma_wait3A_640 = tpu.memref_slice %arg5[%add3A_638, %dma_wait3A_639] : memref<128x50xi32, #tpu.memory_space<vmem>> -> memref<1x50xi32, #tpu.memory_space<vmem>>
      %dma_wait3A_641 = tpu.memref_squeeze %dma_wait3A_640 : memref<1x50xi32, #tpu.memory_space<vmem>> -> memref<50xi32, #tpu.memory_space<vmem>>
      %dma_wait3A_642 = arith.constant 0 : i32
      %dma_wait3A_643 = arith.constant 0 : i32
      %dma_wait3A_644 = tpu.memref_slice %arg3[%dma_wait3A_642, %dma_wait3A_643] : memref<100000x128xf32, #tpu.memory_space<hbm>> -> memref<100000x128xf32, #tpu.memory_space<hbm>>
      tpu.wait_indirect_dma semaphore(%arg28 : memref<!tpu.dma_semaphore, #tpu.memory_space<semaphore_mem>>) src(%dma_wait3A_644 : memref<100000x128xf32, #tpu.memory_space<hbm>>) dst(%arg12 : memref<50x128xf32, #tpu.memory_space<vmem>>)
      %gt3A_645 = arith.constant 0 : i32
      %gt3A_646 = arith.cmpi sgt, %scan3A_142, %gt3A_645 : i32
      %convert_element_type3A_647 = arith.extui %gt3A_646 : i1 to i32
      %cond3A_648 = arith.constant 0 : i32
      %cond3A_649 = arith.cmpi ne, %convert_element_type3A_647, %cond3A_648 : i32
      scf.if %cond3A_649 {
        %sub3A = arith.constant 8 : i32
        %sub3A_801 = arith.subi %add3A_638, %sub3A : i32
        %add3A_802 = arith.addi %mul3A_2, %sub3A_801 : i32
        %dma_wait3A_803 = arith.constant 0 : i32
        %dma_wait3A_804 = arith.constant 0 : i32
        %dma_wait3A_805 = tpu.memref_slice %arg4[%add3A_802, %dma_wait3A_803, %dma_wait3A_804] : memref<4096x50x128xf32, #tpu.memory_space<hbm>> -> memref<1x50x128xf32, #tpu.memory_space<hbm>>
        %dma_wait3A_806 = tpu.memref_squeeze %dma_wait3A_805 : memref<1x50x128xf32, #tpu.memory_space<hbm>> -> memref<50x128xf32, #tpu.memory_space<hbm>>
        %dma_wait3A_807 = arith.constant 0 : i32
        %dma_wait3A_808 = arith.constant 0 : i32
        %dma_wait3A_809 = tpu.memref_slice %arg4[%add3A_802, %dma_wait3A_807, %dma_wait3A_808] : memref<4096x50x128xf32, #tpu.memory_space<hbm>> -> memref<1x50x128xf32, #tpu.memory_space<hbm>>
        %dma_wait3A_810 = tpu.memref_squeeze %dma_wait3A_809 : memref<1x50x128xf32, #tpu.memory_space<hbm>> -> memref<50x128xf32, #tpu.memory_space<hbm>>
        tpu.wait_dma2 semaphore(%arg36 : memref<!tpu.dma_semaphore, #tpu.memory_space<semaphore_mem>>) src(%arg20 : memref<50x128xf32, #tpu.memory_space<vmem>>) dst(%dma_wait3A_810 : memref<50x128xf32, #tpu.memory_space<hbm>>)
      } else {
      }
      %broadcast_in_dim3A_650 = arith.constant 0.000000e+00 : f32
      %broadcast_in_dim3A_651 = vector.broadcast %broadcast_in_dim3A_650 : f32 to vector<16xf32>
      %broadcast_in_dim3A_652 = arith.constant 0.000000e+00 : f32
      %broadcast_in_dim3A_653 = vector.broadcast %broadcast_in_dim3A_652 : f32 to vector<16xf32>
      %broadcast_in_dim3A_654 = arith.constant 0.000000e+00 : f32
      %broadcast_in_dim3A_655 = vector.broadcast %broadcast_in_dim3A_654 : f32 to vector<16xf32>
      %broadcast_in_dim3A_656 = arith.constant 0.000000e+00 : f32
      %broadcast_in_dim3A_657 = vector.broadcast %broadcast_in_dim3A_656 : f32 to vector<16xf32>
      %broadcast_in_dim3A_658 = arith.constant 0.000000e+00 : f32
      %broadcast_in_dim3A_659 = vector.broadcast %broadcast_in_dim3A_658 : f32 to vector<16xf32>
      %broadcast_in_dim3A_660 = arith.constant 0.000000e+00 : f32
      %broadcast_in_dim3A_661 = vector.broadcast %broadcast_in_dim3A_660 : f32 to vector<16xf32>
      %broadcast_in_dim3A_662 = arith.constant 0.000000e+00 : f32
      %broadcast_in_dim3A_663 = vector.broadcast %broadcast_in_dim3A_662 : f32 to vector<16xf32>
      %broadcast_in_dim3A_664 = arith.constant 0.000000e+00 : f32
      %broadcast_in_dim3A_665 = vector.broadcast %broadcast_in_dim3A_664 : f32 to vector<16xf32>
      %scan3A_666 = arith.constant 0 : i32
      %scan3A_667 = arith.constant 50 : i32
      %scan3A_668 = arith.addi %scan3A_666, %scan3A_667 : i32
      %scan3A_669 = arith.constant 1 : i32
      %scan3A_670:8 = scf.for %scan3A_801 = %scan3A_666 to %scan3A_668 step %scan3A_669 iter_args(%scan3A_802 = %broadcast_in_dim3A_651, %scan3A_803 = %broadcast_in_dim3A_653, %scan3A_804 = %broadcast_in_dim3A_655, %scan3A_805 = %broadcast_in_dim3A_657, %scan3A_806 = %broadcast_in_dim3A_659, %scan3A_807 = %broadcast_in_dim3A_661, %scan3A_808 = %broadcast_in_dim3A_663, %scan3A_809 = %broadcast_in_dim3A_665) -> (vector<16xf32>, vector<16xf32>, vector<16xf32>, vector<16xf32>, vector<16xf32>, vector<16xf32>, vector<16xf32>, vector<16xf32>)  : i32 {
        %get3A = arith.index_cast %scan3A_801 : i32 to index
        %get3A_810 = arith.constant 0 : index
        %get3A_811 = tpu.vector_load %arg12[%get3A, %get3A_810] {strides = array<i32>} : memref<50x128xf32, #tpu.memory_space<vmem>>, vector<1x16xf32>,
        %get3A_812 = vector.shape_cast %get3A_811 : vector<1x16xf32> to vector<16xf32>
        %add3A_813 = arith.addf %scan3A_802, %get3A_812 : vector<16xf32>
        %get3A_814 = arith.index_cast %scan3A_801 : i32 to index
        %get3A_815 = arith.constant 16 : index
        %get3A_816 = tpu.vector_load %arg12[%get3A_814, %get3A_815] {strides = array<i32>} : memref<50x128xf32, #tpu.memory_space<vmem>>, vector<1x16xf32>,
        %get3A_817 = vector.shape_cast %get3A_816 : vector<1x16xf32> to vector<16xf32>
        %add3A_818 = arith.addf %scan3A_803, %get3A_817 : vector<16xf32>
        %get3A_819 = arith.index_cast %scan3A_801 : i32 to index
        %get3A_820 = arith.constant 32 : index
        %get3A_821 = tpu.vector_load %arg12[%get3A_819, %get3A_820] {strides = array<i32>} : memref<50x128xf32, #tpu.memory_space<vmem>>, vector<1x16xf32>,
        %get3A_822 = vector.shape_cast %get3A_821 : vector<1x16xf32> to vector<16xf32>
        %add3A_823 = arith.addf %scan3A_804, %get3A_822 : vector<16xf32>
        %get3A_824 = arith.index_cast %scan3A_801 : i32 to index
        %get3A_825 = arith.constant 48 : index
        %get3A_826 = tpu.vector_load %arg12[%get3A_824, %get3A_825] {strides = array<i32>} : memref<50x128xf32, #tpu.memory_space<vmem>>, vector<1x16xf32>,
        %get3A_827 = vector.shape_cast %get3A_826 : vector<1x16xf32> to vector<16xf32>
        %add3A_828 = arith.addf %scan3A_805, %get3A_827 : vector<16xf32>
        %get3A_829 = arith.index_cast %scan3A_801 : i32 to index
        %get3A_830 = arith.constant 64 : index
        %get3A_831 = tpu.vector_load %arg12[%get3A_829, %get3A_830] {strides = array<i32>} : memref<50x128xf32, #tpu.memory_space<vmem>>, vector<1x16xf32>,
        %get3A_832 = vector.shape_cast %get3A_831 : vector<1x16xf32> to vector<16xf32>
        %add3A_833 = arith.addf %scan3A_806, %get3A_832 : vector<16xf32>
        %get3A_834 = arith.index_cast %scan3A_801 : i32 to index
        %get3A_835 = arith.constant 80 : index
        %get3A_836 = tpu.vector_load %arg12[%get3A_834, %get3A_835] {strides = array<i32>} : memref<50x128xf32, #tpu.memory_space<vmem>>, vector<1x16xf32>,
        %get3A_837 = vector.shape_cast %get3A_836 : vector<1x16xf32> to vector<16xf32>
        %add3A_838 = arith.addf %scan3A_807, %get3A_837 : vector<16xf32>
        %get3A_839 = arith.index_cast %scan3A_801 : i32 to index
        %get3A_840 = arith.constant 96 : index
        %get3A_841 = tpu.vector_load %arg12[%get3A_839, %get3A_840] {strides = array<i32>} : memref<50x128xf32, #tpu.memory_space<vmem>>, vector<1x16xf32>,
        %get3A_842 = vector.shape_cast %get3A_841 : vector<1x16xf32> to vector<16xf32>
        %add3A_843 = arith.addf %scan3A_808, %get3A_842 : vector<16xf32>
        %get3A_844 = arith.index_cast %scan3A_801 : i32 to index
        %get3A_845 = arith.constant 112 : index
        %get3A_846 = tpu.vector_load %arg12[%get3A_844, %get3A_845] {strides = array<i32>} : memref<50x128xf32, #tpu.memory_space<vmem>>, vector<1x16xf32>,
        %get3A_847 = vector.shape_cast %get3A_846 : vector<1x16xf32> to vector<16xf32>
        %add3A_848 = arith.addf %scan3A_809, %get3A_847 : vector<16xf32>
        scf.yield %add3A_813, %add3A_818, %add3A_823, %add3A_828, %add3A_833, %add3A_838, %add3A_843, %add3A_848 : vector<16xf32>, vector<16xf32>, vector<16xf32>, vector<16xf32>, vector<16xf32>, vector<16xf32>, vector<16xf32>, vector<16xf32>
      }
      %scan3A_671 = arith.constant 50 : i32
      %div3A_672 = arith.constant 1.000000e+00 : f32
      %div3A_673 = vector.broadcast %div3A_672 : f32 to vector<16xf32>
      %div3A_674 = arith.divf %div3A_673, %scan3A_670#0 : vector<16xf32>
      %div3A_675 = arith.constant 1.000000e+00 : f32
      %div3A_676 = vector.broadcast %div3A_675 : f32 to vector<16xf32>
      %div3A_677 = arith.divf %div3A_676, %scan3A_670#1 : vector<16xf32>
      %div3A_678 = arith.constant 1.000000e+00 : f32
      %div3A_679 = vector.broadcast %div3A_678 : f32 to vector<16xf32>
      %div3A_680 = arith.divf %div3A_679, %scan3A_670#2 : vector<16xf32>
      %div3A_681 = arith.constant 1.000000e+00 : f32
      %div3A_682 = vector.broadcast %div3A_681 : f32 to vector<16xf32>
      %div3A_683 = arith.divf %div3A_682, %scan3A_670#3 : vector<16xf32>
      %div3A_684 = arith.constant 1.000000e+00 : f32
      %div3A_685 = vector.broadcast %div3A_684 : f32 to vector<16xf32>
      %div3A_686 = arith.divf %div3A_685, %scan3A_670#4 : vector<16xf32>
      %div3A_687 = arith.constant 1.000000e+00 : f32
      %div3A_688 = vector.broadcast %div3A_687 : f32 to vector<16xf32>
      %div3A_689 = arith.divf %div3A_688, %scan3A_670#5 : vector<16xf32>
      %div3A_690 = arith.constant 1.000000e+00 : f32
      %div3A_691 = vector.broadcast %div3A_690 : f32 to vector<16xf32>
      %div3A_692 = arith.divf %div3A_691, %scan3A_670#6 : vector<16xf32>
      %div3A_693 = arith.constant 1.000000e+00 : f32
      %div3A_694 = vector.broadcast %div3A_693 : f32 to vector<16xf32>
      %div3A_695 = arith.divf %div3A_694, %scan3A_670#7 : vector<16xf32>
      %scan3A_696 = arith.constant 0 : i32
      %scan3A_697 = arith.constant 0 : i32
      %scan3A_698 = arith.constant 50 : i32
      %scan3A_699 = arith.addi %scan3A_697, %scan3A_698 : i32
      %scan3A_700 = arith.constant 1 : i32
      scf.for %scan3A_801 = %scan3A_697 to %scan3A_699 step %scan3A_700  : i32 {
        %get3A = arith.index_cast %scan3A_801 : i32 to index
        %get3A_802 = arith.constant 0 : index
        %get3A_803 = tpu.vector_load %arg12[%get3A, %get3A_802] {strides = array<i32>} : memref<50x128xf32, #tpu.memory_space<vmem>>, vector<1x16xf32>,
        %get3A_804 = vector.shape_cast %get3A_803 : vector<1x16xf32> to vector<16xf32>
        %mul3A_805 = arith.mulf %get3A_804, %div3A_674 : vector<16xf32>
        %swap3A = arith.index_cast %scan3A_801 : i32 to index
        %swap3A_806 = arith.constant 0 : index
        %swap3A_807 = tpu.vector_load %arg20[%swap3A, %swap3A_806] {strides = array<i32>} : memref<50x128xf32, #tpu.memory_space<vmem>>, vector<1x16xf32>,
        %swap3A_808 = vector.shape_cast %swap3A_807 : vector<1x16xf32> to vector<16xf32>
        %swap3A_809 = vector.shape_cast %mul3A_805 : vector<16xf32> to vector<1x16xf32>
        tpu.vector_store %arg20[%swap3A, %swap3A_806], %swap3A_809 {strides = array<i32>} : memref<50x128xf32, #tpu.memory_space<vmem>>, vector<1x16xf32>,
        %get3A_810 = arith.index_cast %scan3A_801 : i32 to index
        %get3A_811 = arith.constant 16 : index
        %get3A_812 = tpu.vector_load %arg12[%get3A_810, %get3A_811] {strides = array<i32>} : memref<50x128xf32, #tpu.memory_space<vmem>>, vector<1x16xf32>,
        %get3A_813 = vector.shape_cast %get3A_812 : vector<1x16xf32> to vector<16xf32>
        %mul3A_814 = arith.mulf %get3A_813, %div3A_677 : vector<16xf32>
        %swap3A_815 = arith.index_cast %scan3A_801 : i32 to index
        %swap3A_816 = arith.constant 16 : index
        %swap3A_817 = tpu.vector_load %arg20[%swap3A_815, %swap3A_816] {strides = array<i32>} : memref<50x128xf32, #tpu.memory_space<vmem>>, vector<1x16xf32>,
        %swap3A_818 = vector.shape_cast %swap3A_817 : vector<1x16xf32> to vector<16xf32>
        %swap3A_819 = vector.shape_cast %mul3A_814 : vector<16xf32> to vector<1x16xf32>
        tpu.vector_store %arg20[%swap3A_815, %swap3A_816], %swap3A_819 {strides = array<i32>} : memref<50x128xf32, #tpu.memory_space<vmem>>, vector<1x16xf32>,
        %get3A_820 = arith.index_cast %scan3A_801 : i32 to index
        %get3A_821 = arith.constant 32 : index
        %get3A_822 = tpu.vector_load %arg12[%get3A_820, %get3A_821] {strides = array<i32>} : memref<50x128xf32, #tpu.memory_space<vmem>>, vector<1x16xf32>,
        %get3A_823 = vector.shape_cast %get3A_822 : vector<1x16xf32> to vector<16xf32>
        %mul3A_824 = arith.mulf %get3A_823, %div3A_680 : vector<16xf32>
        %swap3A_825 = arith.index_cast %scan3A_801 : i32 to index
        %swap3A_826 = arith.constant 32 : index
        %swap3A_827 = tpu.vector_load %arg20[%swap3A_825, %swap3A_826] {strides = array<i32>} : memref<50x128xf32, #tpu.memory_space<vmem>>, vector<1x16xf32>,
        %swap3A_828 = vector.shape_cast %swap3A_827 : vector<1x16xf32> to vector<16xf32>
        %swap3A_829 = vector.shape_cast %mul3A_824 : vector<16xf32> to vector<1x16xf32>
        tpu.vector_store %arg20[%swap3A_825, %swap3A_826], %swap3A_829 {strides = array<i32>} : memref<50x128xf32, #tpu.memory_space<vmem>>, vector<1x16xf32>,
        %get3A_830 = arith.index_cast %scan3A_801 : i32 to index
        %get3A_831 = arith.constant 48 : index
        %get3A_832 = tpu.vector_load %arg12[%get3A_830, %get3A_831] {strides = array<i32>} : memref<50x128xf32, #tpu.memory_space<vmem>>, vector<1x16xf32>,
        %get3A_833 = vector.shape_cast %get3A_832 : vector<1x16xf32> to vector<16xf32>
        %mul3A_834 = arith.mulf %get3A_833, %div3A_683 : vector<16xf32>
        %swap3A_835 = arith.index_cast %scan3A_801 : i32 to index
        %swap3A_836 = arith.constant 48 : index
        %swap3A_837 = tpu.vector_load %arg20[%swap3A_835, %swap3A_836] {strides = array<i32>} : memref<50x128xf32, #tpu.memory_space<vmem>>, vector<1x16xf32>,
        %swap3A_838 = vector.shape_cast %swap3A_837 : vector<1x16xf32> to vector<16xf32>
        %swap3A_839 = vector.shape_cast %mul3A_834 : vector<16xf32> to vector<1x16xf32>
        tpu.vector_store %arg20[%swap3A_835, %swap3A_836], %swap3A_839 {strides = array<i32>} : memref<50x128xf32, #tpu.memory_space<vmem>>, vector<1x16xf32>,
        %get3A_840 = arith.index_cast %scan3A_801 : i32 to index
        %get3A_841 = arith.constant 64 : index
        %get3A_842 = tpu.vector_load %arg12[%get3A_840, %get3A_841] {strides = array<i32>} : memref<50x128xf32, #tpu.memory_space<vmem>>, vector<1x16xf32>,
        %get3A_843 = vector.shape_cast %get3A_842 : vector<1x16xf32> to vector<16xf32>
        %mul3A_844 = arith.mulf %get3A_843, %div3A_686 : vector<16xf32>
        %swap3A_845 = arith.index_cast %scan3A_801 : i32 to index
        %swap3A_846 = arith.constant 64 : index
        %swap3A_847 = tpu.vector_load %arg20[%swap3A_845, %swap3A_846] {strides = array<i32>} : memref<50x128xf32, #tpu.memory_space<vmem>>, vector<1x16xf32>,
        %swap3A_848 = vector.shape_cast %swap3A_847 : vector<1x16xf32> to vector<16xf32>
        %swap3A_849 = vector.shape_cast %mul3A_844 : vector<16xf32> to vector<1x16xf32>
        tpu.vector_store %arg20[%swap3A_845, %swap3A_846], %swap3A_849 {strides = array<i32>} : memref<50x128xf32, #tpu.memory_space<vmem>>, vector<1x16xf32>,
        %get3A_850 = arith.index_cast %scan3A_801 : i32 to index
        %get3A_851 = arith.constant 80 : index
        %get3A_852 = tpu.vector_load %arg12[%get3A_850, %get3A_851] {strides = array<i32>} : memref<50x128xf32, #tpu.memory_space<vmem>>, vector<1x16xf32>,
        %get3A_853 = vector.shape_cast %get3A_852 : vector<1x16xf32> to vector<16xf32>
        %mul3A_854 = arith.mulf %get3A_853, %div3A_689 : vector<16xf32>
        %swap3A_855 = arith.index_cast %scan3A_801 : i32 to index
        %swap3A_856 = arith.constant 80 : index
        %swap3A_857 = tpu.vector_load %arg20[%swap3A_855, %swap3A_856] {strides = array<i32>} : memref<50x128xf32, #tpu.memory_space<vmem>>, vector<1x16xf32>,
        %swap3A_858 = vector.shape_cast %swap3A_857 : vector<1x16xf32> to vector<16xf32>
        %swap3A_859 = vector.shape_cast %mul3A_854 : vector<16xf32> to vector<1x16xf32>
        tpu.vector_store %arg20[%swap3A_855, %swap3A_856], %swap3A_859 {strides = array<i32>} : memref<50x128xf32, #tpu.memory_space<vmem>>, vector<1x16xf32>,
        %get3A_860 = arith.index_cast %scan3A_801 : i32 to index
        %get3A_861 = arith.constant 96 : index
        %get3A_862 = tpu.vector_load %arg12[%get3A_860, %get3A_861] {strides = array<i32>} : memref<50x128xf32, #tpu.memory_space<vmem>>, vector<1x16xf32>,
        %get3A_863 = vector.shape_cast %get3A_862 : vector<1x16xf32> to vector<16xf32>
        %mul3A_864 = arith.mulf %get3A_863, %div3A_692 : vector<16xf32>
        %swap3A_865 = arith.index_cast %scan3A_801 : i32 to index
        %swap3A_866 = arith.constant 96 : index
        %swap3A_867 = tpu.vector_load %arg20[%swap3A_865, %swap3A_866] {strides = array<i32>} : memref<50x128xf32, #tpu.memory_space<vmem>>, vector<1x16xf32>,
        %swap3A_868 = vector.shape_cast %swap3A_867 : vector<1x16xf32> to vector<16xf32>
        %swap3A_869 = vector.shape_cast %mul3A_864 : vector<16xf32> to vector<1x16xf32>
        tpu.vector_store %arg20[%swap3A_865, %swap3A_866], %swap3A_869 {strides = array<i32>} : memref<50x128xf32, #tpu.memory_space<vmem>>, vector<1x16xf32>,
        %get3A_870 = arith.index_cast %scan3A_801 : i32 to index
        %get3A_871 = arith.constant 112 : index
        %get3A_872 = tpu.vector_load %arg12[%get3A_870, %get3A_871] {strides = array<i32>} : memref<50x128xf32, #tpu.memory_space<vmem>>, vector<1x16xf32>,
        %get3A_873 = vector.shape_cast %get3A_872 : vector<1x16xf32> to vector<16xf32>
        %mul3A_874 = arith.mulf %get3A_873, %div3A_695 : vector<16xf32>
        %swap3A_875 = arith.index_cast %scan3A_801 : i32 to index
        %swap3A_876 = arith.constant 112 : index
        %swap3A_877 = tpu.vector_load %arg20[%swap3A_875, %swap3A_876] {strides = array<i32>} : memref<50x128xf32, #tpu.memory_space<vmem>>, vector<1x16xf32>,
        %swap3A_878 = vector.shape_cast %swap3A_877 : vector<1x16xf32> to vector<16xf32>
        %swap3A_879 = vector.shape_cast %mul3A_874 : vector<16xf32> to vector<1x16xf32>
        tpu.vector_store %arg20[%swap3A_875, %swap3A_876], %swap3A_879 {strides = array<i32>} : memref<50x128xf32, #tpu.memory_space<vmem>>, vector<1x16xf32>,
      }
      %scan3A_701 = arith.constant 50 : i32
      %add3A_702 = arith.addi %mul3A_2, %add3A_638 : i32
      %dma_start3A_703 = arith.constant 0 : i32
      %dma_start3A_704 = arith.constant 0 : i32
      %dma_start3A_705 = tpu.memref_slice %arg4[%add3A_702, %dma_start3A_703, %dma_start3A_704] : memref<4096x50x128xf32, #tpu.memory_space<hbm>> -> memref<1x50x128xf32, #tpu.memory_space<hbm>>
      %dma_start3A_706 = tpu.memref_squeeze %dma_start3A_705 : memref<1x50x128xf32, #tpu.memory_space<hbm>> -> memref<50x128xf32, #tpu.memory_space<hbm>>
      %dma_start3A_707 = arith.constant 0 : i32
      %dma_start3A_708 = arith.constant 0 : i32
      %dma_start3A_709 = tpu.memref_slice %arg4[%add3A_702, %dma_start3A_707, %dma_start3A_708] : memref<4096x50x128xf32, #tpu.memory_space<hbm>> -> memref<1x50x128xf32, #tpu.memory_space<hbm>>
      %dma_start3A_710 = tpu.memref_squeeze %dma_start3A_709 : memref<1x50x128xf32, #tpu.memory_space<hbm>> -> memref<50x128xf32, #tpu.memory_space<hbm>>
      tpu.enqueue_dma source(%arg20 : memref<50x128xf32, #tpu.memory_space<vmem>>) target(%dma_start3A_710 : memref<50x128xf32, #tpu.memory_space<hbm>>) target_semaphore(%arg36 : memref<!tpu.dma_semaphore, #tpu.memory_space<semaphore_mem>>)
      %add3A_711 = arith.constant 1 : i32
      %add3A_712 = arith.addi %scan3A_142, %add3A_711 : i32
      %lt3A_713 = arith.constant 16 : i32
      %lt3A_714 = arith.cmpi slt, %add3A_712, %lt3A_713 : i32
      %convert_element_type3A_715 = arith.extui %lt3A_714 : i1 to i32
      %cond3A_716 = arith.constant 0 : i32
      %cond3A_717 = arith.cmpi ne, %convert_element_type3A_715, %cond3A_716 : i32
      scf.if %cond3A_717 {
        %add3A_801 = arith.constant 8 : i32
        %add3A_802 = arith.addi %add3A_638, %add3A_801 : i32
        %dma_start3A_803 = arith.constant 0 : i32
        %dma_start3A_804 = tpu.memref_slice %arg5[%add3A_802, %dma_start3A_803] : memref<128x50xi32, #tpu.memory_space<vmem>> -> memref<1x50xi32, #tpu.memory_space<vmem>>
        %dma_start3A_805 = tpu.memref_squeeze %dma_start3A_804 : memref<1x50xi32, #tpu.memory_space<vmem>> -> memref<50xi32, #tpu.memory_space<vmem>>
        %dma_start3A_806 = arith.constant 0 : i32
        %dma_start3A_807 = arith.constant 0 : i32
        %dma_start3A_808 = tpu.memref_slice %arg3[%dma_start3A_806, %dma_start3A_807] : memref<100000x128xf32, #tpu.memory_space<hbm>> -> memref<100000x128xf32, #tpu.memory_space<hbm>>
        tpu.enqueue_indirect_dma source(%dma_start3A_808 : memref<100000x128xf32, #tpu.memory_space<hbm>>) target(%arg12 : memref<50x128xf32, #tpu.memory_space<vmem>>) offsets(%dma_start3A_805 : memref<50xi32, #tpu.memory_space<vmem>>) semaphore(%arg28 : memref<!tpu.dma_semaphore, #tpu.memory_space<semaphore_mem>>)
      } else {
      }
      %mul3A_718 = arith.constant 8 : i32
      %mul3A_719 = arith.muli %scan3A_142, %mul3A_718 : i32
      %add3A_720 = arith.constant 7 : i32
      %add3A_721 = arith.addi %mul3A_719, %add3A_720 : i32
      %dma_wait3A_722 = arith.constant 0 : i32
      %dma_wait3A_723 = tpu.memref_slice %arg5[%add3A_721, %dma_wait3A_722] : memref<128x50xi32, #tpu.memory_space<vmem>> -> memref<1x50xi32, #tpu.memory_space<vmem>>
      %dma_wait3A_724 = tpu.memref_squeeze %dma_wait3A_723 : memref<1x50xi32, #tpu.memory_space<vmem>> -> memref<50xi32, #tpu.memory_space<vmem>>
      %dma_wait3A_725 = arith.constant 0 : i32
      %dma_wait3A_726 = arith.constant 0 : i32
      %dma_wait3A_727 = tpu.memref_slice %arg3[%dma_wait3A_725, %dma_wait3A_726] : memref<100000x128xf32, #tpu.memory_space<hbm>> -> memref<100000x128xf32, #tpu.memory_space<hbm>>
      tpu.wait_indirect_dma semaphore(%arg29 : memref<!tpu.dma_semaphore, #tpu.memory_space<semaphore_mem>>) src(%dma_wait3A_727 : memref<100000x128xf32, #tpu.memory_space<hbm>>) dst(%arg13 : memref<50x128xf32, #tpu.memory_space<vmem>>)
      %gt3A_728 = arith.constant 0 : i32
      %gt3A_729 = arith.cmpi sgt, %scan3A_142, %gt3A_728 : i32
      %convert_element_type3A_730 = arith.extui %gt3A_729 : i1 to i32
      %cond3A_731 = arith.constant 0 : i32
      %cond3A_732 = arith.cmpi ne, %convert_element_type3A_730, %cond3A_731 : i32
      scf.if %cond3A_732 {
        %sub3A = arith.constant 8 : i32
        %sub3A_801 = arith.subi %add3A_721, %sub3A : i32
        %add3A_802 = arith.addi %mul3A_2, %sub3A_801 : i32
        %dma_wait3A_803 = arith.constant 0 : i32
        %dma_wait3A_804 = arith.constant 0 : i32
        %dma_wait3A_805 = tpu.memref_slice %arg4[%add3A_802, %dma_wait3A_803, %dma_wait3A_804] : memref<4096x50x128xf32, #tpu.memory_space<hbm>> -> memref<1x50x128xf32, #tpu.memory_space<hbm>>
        %dma_wait3A_806 = tpu.memref_squeeze %dma_wait3A_805 : memref<1x50x128xf32, #tpu.memory_space<hbm>> -> memref<50x128xf32, #tpu.memory_space<hbm>>
        %dma_wait3A_807 = arith.constant 0 : i32
        %dma_wait3A_808 = arith.constant 0 : i32
        %dma_wait3A_809 = tpu.memref_slice %arg4[%add3A_802, %dma_wait3A_807, %dma_wait3A_808] : memref<4096x50x128xf32, #tpu.memory_space<hbm>> -> memref<1x50x128xf32, #tpu.memory_space<hbm>>
        %dma_wait3A_810 = tpu.memref_squeeze %dma_wait3A_809 : memref<1x50x128xf32, #tpu.memory_space<hbm>> -> memref<50x128xf32, #tpu.memory_space<hbm>>
        tpu.wait_dma2 semaphore(%arg37 : memref<!tpu.dma_semaphore, #tpu.memory_space<semaphore_mem>>) src(%arg21 : memref<50x128xf32, #tpu.memory_space<vmem>>) dst(%dma_wait3A_810 : memref<50x128xf32, #tpu.memory_space<hbm>>)
      } else {
      }
      %broadcast_in_dim3A_733 = arith.constant 0.000000e+00 : f32
      %broadcast_in_dim3A_734 = vector.broadcast %broadcast_in_dim3A_733 : f32 to vector<16xf32>
      %broadcast_in_dim3A_735 = arith.constant 0.000000e+00 : f32
      %broadcast_in_dim3A_736 = vector.broadcast %broadcast_in_dim3A_735 : f32 to vector<16xf32>
      %broadcast_in_dim3A_737 = arith.constant 0.000000e+00 : f32
      %broadcast_in_dim3A_738 = vector.broadcast %broadcast_in_dim3A_737 : f32 to vector<16xf32>
      %broadcast_in_dim3A_739 = arith.constant 0.000000e+00 : f32
      %broadcast_in_dim3A_740 = vector.broadcast %broadcast_in_dim3A_739 : f32 to vector<16xf32>
      %broadcast_in_dim3A_741 = arith.constant 0.000000e+00 : f32
      %broadcast_in_dim3A_742 = vector.broadcast %broadcast_in_dim3A_741 : f32 to vector<16xf32>
      %broadcast_in_dim3A_743 = arith.constant 0.000000e+00 : f32
      %broadcast_in_dim3A_744 = vector.broadcast %broadcast_in_dim3A_743 : f32 to vector<16xf32>
      %broadcast_in_dim3A_745 = arith.constant 0.000000e+00 : f32
      %broadcast_in_dim3A_746 = vector.broadcast %broadcast_in_dim3A_745 : f32 to vector<16xf32>
      %broadcast_in_dim3A_747 = arith.constant 0.000000e+00 : f32
      %broadcast_in_dim3A_748 = vector.broadcast %broadcast_in_dim3A_747 : f32 to vector<16xf32>
      %scan3A_749 = arith.constant 0 : i32
      %scan3A_750 = arith.constant 50 : i32
      %scan3A_751 = arith.addi %scan3A_749, %scan3A_750 : i32
      %scan3A_752 = arith.constant 1 : i32
      %scan3A_753:8 = scf.for %scan3A_801 = %scan3A_749 to %scan3A_751 step %scan3A_752 iter_args(%scan3A_802 = %broadcast_in_dim3A_734, %scan3A_803 = %broadcast_in_dim3A_736, %scan3A_804 = %broadcast_in_dim3A_738, %scan3A_805 = %broadcast_in_dim3A_740, %scan3A_806 = %broadcast_in_dim3A_742, %scan3A_807 = %broadcast_in_dim3A_744, %scan3A_808 = %broadcast_in_dim3A_746, %scan3A_809 = %broadcast_in_dim3A_748) -> (vector<16xf32>, vector<16xf32>, vector<16xf32>, vector<16xf32>, vector<16xf32>, vector<16xf32>, vector<16xf32>, vector<16xf32>)  : i32 {
        %get3A = arith.index_cast %scan3A_801 : i32 to index
        %get3A_810 = arith.constant 0 : index
        %get3A_811 = tpu.vector_load %arg13[%get3A, %get3A_810] {strides = array<i32>} : memref<50x128xf32, #tpu.memory_space<vmem>>, vector<1x16xf32>,
        %get3A_812 = vector.shape_cast %get3A_811 : vector<1x16xf32> to vector<16xf32>
        %add3A_813 = arith.addf %scan3A_802, %get3A_812 : vector<16xf32>
        %get3A_814 = arith.index_cast %scan3A_801 : i32 to index
        %get3A_815 = arith.constant 16 : index
        %get3A_816 = tpu.vector_load %arg13[%get3A_814, %get3A_815] {strides = array<i32>} : memref<50x128xf32, #tpu.memory_space<vmem>>, vector<1x16xf32>,
        %get3A_817 = vector.shape_cast %get3A_816 : vector<1x16xf32> to vector<16xf32>
        %add3A_818 = arith.addf %scan3A_803, %get3A_817 : vector<16xf32>
        %get3A_819 = arith.index_cast %scan3A_801 : i32 to index
        %get3A_820 = arith.constant 32 : index
        %get3A_821 = tpu.vector_load %arg13[%get3A_819, %get3A_820] {strides = array<i32>} : memref<50x128xf32, #tpu.memory_space<vmem>>, vector<1x16xf32>,
        %get3A_822 = vector.shape_cast %get3A_821 : vector<1x16xf32> to vector<16xf32>
        %add3A_823 = arith.addf %scan3A_804, %get3A_822 : vector<16xf32>
        %get3A_824 = arith.index_cast %scan3A_801 : i32 to index
        %get3A_825 = arith.constant 48 : index
        %get3A_826 = tpu.vector_load %arg13[%get3A_824, %get3A_825] {strides = array<i32>} : memref<50x128xf32, #tpu.memory_space<vmem>>, vector<1x16xf32>,
        %get3A_827 = vector.shape_cast %get3A_826 : vector<1x16xf32> to vector<16xf32>
        %add3A_828 = arith.addf %scan3A_805, %get3A_827 : vector<16xf32>
        %get3A_829 = arith.index_cast %scan3A_801 : i32 to index
        %get3A_830 = arith.constant 64 : index
        %get3A_831 = tpu.vector_load %arg13[%get3A_829, %get3A_830] {strides = array<i32>} : memref<50x128xf32, #tpu.memory_space<vmem>>, vector<1x16xf32>,
        %get3A_832 = vector.shape_cast %get3A_831 : vector<1x16xf32> to vector<16xf32>
        %add3A_833 = arith.addf %scan3A_806, %get3A_832 : vector<16xf32>
        %get3A_834 = arith.index_cast %scan3A_801 : i32 to index
        %get3A_835 = arith.constant 80 : index
        %get3A_836 = tpu.vector_load %arg13[%get3A_834, %get3A_835] {strides = array<i32>} : memref<50x128xf32, #tpu.memory_space<vmem>>, vector<1x16xf32>,
        %get3A_837 = vector.shape_cast %get3A_836 : vector<1x16xf32> to vector<16xf32>
        %add3A_838 = arith.addf %scan3A_807, %get3A_837 : vector<16xf32>
        %get3A_839 = arith.index_cast %scan3A_801 : i32 to index
        %get3A_840 = arith.constant 96 : index
        %get3A_841 = tpu.vector_load %arg13[%get3A_839, %get3A_840] {strides = array<i32>} : memref<50x128xf32, #tpu.memory_space<vmem>>, vector<1x16xf32>,
        %get3A_842 = vector.shape_cast %get3A_841 : vector<1x16xf32> to vector<16xf32>
        %add3A_843 = arith.addf %scan3A_808, %get3A_842 : vector<16xf32>
        %get3A_844 = arith.index_cast %scan3A_801 : i32 to index
        %get3A_845 = arith.constant 112 : index
        %get3A_846 = tpu.vector_load %arg13[%get3A_844, %get3A_845] {strides = array<i32>} : memref<50x128xf32, #tpu.memory_space<vmem>>, vector<1x16xf32>,
        %get3A_847 = vector.shape_cast %get3A_846 : vector<1x16xf32> to vector<16xf32>
        %add3A_848 = arith.addf %scan3A_809, %get3A_847 : vector<16xf32>
        scf.yield %add3A_813, %add3A_818, %add3A_823, %add3A_828, %add3A_833, %add3A_838, %add3A_843, %add3A_848 : vector<16xf32>, vector<16xf32>, vector<16xf32>, vector<16xf32>, vector<16xf32>, vector<16xf32>, vector<16xf32>, vector<16xf32>
      }
      %scan3A_754 = arith.constant 50 : i32
      %div3A_755 = arith.constant 1.000000e+00 : f32
      %div3A_756 = vector.broadcast %div3A_755 : f32 to vector<16xf32>
      %div3A_757 = arith.divf %div3A_756, %scan3A_753#0 : vector<16xf32>
      %div3A_758 = arith.constant 1.000000e+00 : f32
      %div3A_759 = vector.broadcast %div3A_758 : f32 to vector<16xf32>
      %div3A_760 = arith.divf %div3A_759, %scan3A_753#1 : vector<16xf32>
      %div3A_761 = arith.constant 1.000000e+00 : f32
      %div3A_762 = vector.broadcast %div3A_761 : f32 to vector<16xf32>
      %div3A_763 = arith.divf %div3A_762, %scan3A_753#2 : vector<16xf32>
      %div3A_764 = arith.constant 1.000000e+00 : f32
      %div3A_765 = vector.broadcast %div3A_764 : f32 to vector<16xf32>
      %div3A_766 = arith.divf %div3A_765, %scan3A_753#3 : vector<16xf32>
      %div3A_767 = arith.constant 1.000000e+00 : f32
      %div3A_768 = vector.broadcast %div3A_767 : f32 to vector<16xf32>
      %div3A_769 = arith.divf %div3A_768, %scan3A_753#4 : vector<16xf32>
      %div3A_770 = arith.constant 1.000000e+00 : f32
      %div3A_771 = vector.broadcast %div3A_770 : f32 to vector<16xf32>
      %div3A_772 = arith.divf %div3A_771, %scan3A_753#5 : vector<16xf32>
      %div3A_773 = arith.constant 1.000000e+00 : f32
      %div3A_774 = vector.broadcast %div3A_773 : f32 to vector<16xf32>
      %div3A_775 = arith.divf %div3A_774, %scan3A_753#6 : vector<16xf32>
      %div3A_776 = arith.constant 1.000000e+00 : f32
      %div3A_777 = vector.broadcast %div3A_776 : f32 to vector<16xf32>
      %div3A_778 = arith.divf %div3A_777, %scan3A_753#7 : vector<16xf32>
      %scan3A_779 = arith.constant 0 : i32
      %scan3A_780 = arith.constant 0 : i32
      %scan3A_781 = arith.constant 50 : i32
      %scan3A_782 = arith.addi %scan3A_780, %scan3A_781 : i32
      %scan3A_783 = arith.constant 1 : i32
      scf.for %scan3A_801 = %scan3A_780 to %scan3A_782 step %scan3A_783  : i32 {
        %get3A = arith.index_cast %scan3A_801 : i32 to index
        %get3A_802 = arith.constant 0 : index
        %get3A_803 = tpu.vector_load %arg13[%get3A, %get3A_802] {strides = array<i32>} : memref<50x128xf32, #tpu.memory_space<vmem>>, vector<1x16xf32>,
        %get3A_804 = vector.shape_cast %get3A_803 : vector<1x16xf32> to vector<16xf32>
        %mul3A_805 = arith.mulf %get3A_804, %div3A_757 : vector<16xf32>
        %swap3A = arith.index_cast %scan3A_801 : i32 to index
        %swap3A_806 = arith.constant 0 : index
        %swap3A_807 = tpu.vector_load %arg21[%swap3A, %swap3A_806] {strides = array<i32>} : memref<50x128xf32, #tpu.memory_space<vmem>>, vector<1x16xf32>,
        %swap3A_808 = vector.shape_cast %swap3A_807 : vector<1x16xf32> to vector<16xf32>
        %swap3A_809 = vector.shape_cast %mul3A_805 : vector<16xf32> to vector<1x16xf32>
        tpu.vector_store %arg21[%swap3A, %swap3A_806], %swap3A_809 {strides = array<i32>} : memref<50x128xf32, #tpu.memory_space<vmem>>, vector<1x16xf32>,
        %get3A_810 = arith.index_cast %scan3A_801 : i32 to index
        %get3A_811 = arith.constant 16 : index
        %get3A_812 = tpu.vector_load %arg13[%get3A_810, %get3A_811] {strides = array<i32>} : memref<50x128xf32, #tpu.memory_space<vmem>>, vector<1x16xf32>,
        %get3A_813 = vector.shape_cast %get3A_812 : vector<1x16xf32> to vector<16xf32>
        %mul3A_814 = arith.mulf %get3A_813, %div3A_760 : vector<16xf32>
        %swap3A_815 = arith.index_cast %scan3A_801 : i32 to index
        %swap3A_816 = arith.constant 16 : index
        %swap3A_817 = tpu.vector_load %arg21[%swap3A_815, %swap3A_816] {strides = array<i32>} : memref<50x128xf32, #tpu.memory_space<vmem>>, vector<1x16xf32>,
        %swap3A_818 = vector.shape_cast %swap3A_817 : vector<1x16xf32> to vector<16xf32>
        %swap3A_819 = vector.shape_cast %mul3A_814 : vector<16xf32> to vector<1x16xf32>
        tpu.vector_store %arg21[%swap3A_815, %swap3A_816], %swap3A_819 {strides = array<i32>} : memref<50x128xf32, #tpu.memory_space<vmem>>, vector<1x16xf32>,
        %get3A_820 = arith.index_cast %scan3A_801 : i32 to index
        %get3A_821 = arith.constant 32 : index
        %get3A_822 = tpu.vector_load %arg13[%get3A_820, %get3A_821] {strides = array<i32>} : memref<50x128xf32, #tpu.memory_space<vmem>>, vector<1x16xf32>,
        %get3A_823 = vector.shape_cast %get3A_822 : vector<1x16xf32> to vector<16xf32>
        %mul3A_824 = arith.mulf %get3A_823, %div3A_763 : vector<16xf32>
        %swap3A_825 = arith.index_cast %scan3A_801 : i32 to index
        %swap3A_826 = arith.constant 32 : index
        %swap3A_827 = tpu.vector_load %arg21[%swap3A_825, %swap3A_826] {strides = array<i32>} : memref<50x128xf32, #tpu.memory_space<vmem>>, vector<1x16xf32>,
        %swap3A_828 = vector.shape_cast %swap3A_827 : vector<1x16xf32> to vector<16xf32>
        %swap3A_829 = vector.shape_cast %mul3A_824 : vector<16xf32> to vector<1x16xf32>
        tpu.vector_store %arg21[%swap3A_825, %swap3A_826], %swap3A_829 {strides = array<i32>} : memref<50x128xf32, #tpu.memory_space<vmem>>, vector<1x16xf32>,
        %get3A_830 = arith.index_cast %scan3A_801 : i32 to index
        %get3A_831 = arith.constant 48 : index
        %get3A_832 = tpu.vector_load %arg13[%get3A_830, %get3A_831] {strides = array<i32>} : memref<50x128xf32, #tpu.memory_space<vmem>>, vector<1x16xf32>,
        %get3A_833 = vector.shape_cast %get3A_832 : vector<1x16xf32> to vector<16xf32>
        %mul3A_834 = arith.mulf %get3A_833, %div3A_766 : vector<16xf32>
        %swap3A_835 = arith.index_cast %scan3A_801 : i32 to index
        %swap3A_836 = arith.constant 48 : index
        %swap3A_837 = tpu.vector_load %arg21[%swap3A_835, %swap3A_836] {strides = array<i32>} : memref<50x128xf32, #tpu.memory_space<vmem>>, vector<1x16xf32>,
        %swap3A_838 = vector.shape_cast %swap3A_837 : vector<1x16xf32> to vector<16xf32>
        %swap3A_839 = vector.shape_cast %mul3A_834 : vector<16xf32> to vector<1x16xf32>
        tpu.vector_store %arg21[%swap3A_835, %swap3A_836], %swap3A_839 {strides = array<i32>} : memref<50x128xf32, #tpu.memory_space<vmem>>, vector<1x16xf32>,
        %get3A_840 = arith.index_cast %scan3A_801 : i32 to index
        %get3A_841 = arith.constant 64 : index
        %get3A_842 = tpu.vector_load %arg13[%get3A_840, %get3A_841] {strides = array<i32>} : memref<50x128xf32, #tpu.memory_space<vmem>>, vector<1x16xf32>,
        %get3A_843 = vector.shape_cast %get3A_842 : vector<1x16xf32> to vector<16xf32>
        %mul3A_844 = arith.mulf %get3A_843, %div3A_769 : vector<16xf32>
        %swap3A_845 = arith.index_cast %scan3A_801 : i32 to index
        %swap3A_846 = arith.constant 64 : index
        %swap3A_847 = tpu.vector_load %arg21[%swap3A_845, %swap3A_846] {strides = array<i32>} : memref<50x128xf32, #tpu.memory_space<vmem>>, vector<1x16xf32>,
        %swap3A_848 = vector.shape_cast %swap3A_847 : vector<1x16xf32> to vector<16xf32>
        %swap3A_849 = vector.shape_cast %mul3A_844 : vector<16xf32> to vector<1x16xf32>
        tpu.vector_store %arg21[%swap3A_845, %swap3A_846], %swap3A_849 {strides = array<i32>} : memref<50x128xf32, #tpu.memory_space<vmem>>, vector<1x16xf32>,
        %get3A_850 = arith.index_cast %scan3A_801 : i32 to index
        %get3A_851 = arith.constant 80 : index
        %get3A_852 = tpu.vector_load %arg13[%get3A_850, %get3A_851] {strides = array<i32>} : memref<50x128xf32, #tpu.memory_space<vmem>>, vector<1x16xf32>,
        %get3A_853 = vector.shape_cast %get3A_852 : vector<1x16xf32> to vector<16xf32>
        %mul3A_854 = arith.mulf %get3A_853, %div3A_772 : vector<16xf32>
        %swap3A_855 = arith.index_cast %scan3A_801 : i32 to index
        %swap3A_856 = arith.constant 80 : index
        %swap3A_857 = tpu.vector_load %arg21[%swap3A_855, %swap3A_856] {strides = array<i32>} : memref<50x128xf32, #tpu.memory_space<vmem>>, vector<1x16xf32>,
        %swap3A_858 = vector.shape_cast %swap3A_857 : vector<1x16xf32> to vector<16xf32>
        %swap3A_859 = vector.shape_cast %mul3A_854 : vector<16xf32> to vector<1x16xf32>
        tpu.vector_store %arg21[%swap3A_855, %swap3A_856], %swap3A_859 {strides = array<i32>} : memref<50x128xf32, #tpu.memory_space<vmem>>, vector<1x16xf32>,
        %get3A_860 = arith.index_cast %scan3A_801 : i32 to index
        %get3A_861 = arith.constant 96 : index
        %get3A_862 = tpu.vector_load %arg13[%get3A_860, %get3A_861] {strides = array<i32>} : memref<50x128xf32, #tpu.memory_space<vmem>>, vector<1x16xf32>,
        %get3A_863 = vector.shape_cast %get3A_862 : vector<1x16xf32> to vector<16xf32>
        %mul3A_864 = arith.mulf %get3A_863, %div3A_775 : vector<16xf32>
        %swap3A_865 = arith.index_cast %scan3A_801 : i32 to index
        %swap3A_866 = arith.constant 96 : index
        %swap3A_867 = tpu.vector_load %arg21[%swap3A_865, %swap3A_866] {strides = array<i32>} : memref<50x128xf32, #tpu.memory_space<vmem>>, vector<1x16xf32>,
        %swap3A_868 = vector.shape_cast %swap3A_867 : vector<1x16xf32> to vector<16xf32>
        %swap3A_869 = vector.shape_cast %mul3A_864 : vector<16xf32> to vector<1x16xf32>
        tpu.vector_store %arg21[%swap3A_865, %swap3A_866], %swap3A_869 {strides = array<i32>} : memref<50x128xf32, #tpu.memory_space<vmem>>, vector<1x16xf32>,
        %get3A_870 = arith.index_cast %scan3A_801 : i32 to index
        %get3A_871 = arith.constant 112 : index
        %get3A_872 = tpu.vector_load %arg13[%get3A_870, %get3A_871] {strides = array<i32>} : memref<50x128xf32, #tpu.memory_space<vmem>>, vector<1x16xf32>,
        %get3A_873 = vector.shape_cast %get3A_872 : vector<1x16xf32> to vector<16xf32>
        %mul3A_874 = arith.mulf %get3A_873, %div3A_778 : vector<16xf32>
        %swap3A_875 = arith.index_cast %scan3A_801 : i32 to index
        %swap3A_876 = arith.constant 112 : index
        %swap3A_877 = tpu.vector_load %arg21[%swap3A_875, %swap3A_876] {strides = array<i32>} : memref<50x128xf32, #tpu.memory_space<vmem>>, vector<1x16xf32>,
        %swap3A_878 = vector.shape_cast %swap3A_877 : vector<1x16xf32> to vector<16xf32>
        %swap3A_879 = vector.shape_cast %mul3A_874 : vector<16xf32> to vector<1x16xf32>
        tpu.vector_store %arg21[%swap3A_875, %swap3A_876], %swap3A_879 {strides = array<i32>} : memref<50x128xf32, #tpu.memory_space<vmem>>, vector<1x16xf32>,
      }
      %scan3A_784 = arith.constant 50 : i32
      %add3A_785 = arith.addi %mul3A_2, %add3A_721 : i32
      %dma_start3A_786 = arith.constant 0 : i32
      %dma_start3A_787 = arith.constant 0 : i32
      %dma_start3A_788 = tpu.memref_slice %arg4[%add3A_785, %dma_start3A_786, %dma_start3A_787] : memref<4096x50x128xf32, #tpu.memory_space<hbm>> -> memref<1x50x128xf32, #tpu.memory_space<hbm>>
      %dma_start3A_789 = tpu.memref_squeeze %dma_start3A_788 : memref<1x50x128xf32, #tpu.memory_space<hbm>> -> memref<50x128xf32, #tpu.memory_space<hbm>>
      %dma_start3A_790 = arith.constant 0 : i32
      %dma_start3A_791 = arith.constant 0 : i32
      %dma_start3A_792 = tpu.memref_slice %arg4[%add3A_785, %dma_start3A_790, %dma_start3A_791] : memref<4096x50x128xf32, #tpu.memory_space<hbm>> -> memref<1x50x128xf32, #tpu.memory_space<hbm>>
      %dma_start3A_793 = tpu.memref_squeeze %dma_start3A_792 : memref<1x50x128xf32, #tpu.memory_space<hbm>> -> memref<50x128xf32, #tpu.memory_space<hbm>>
      tpu.enqueue_dma source(%arg21 : memref<50x128xf32, #tpu.memory_space<vmem>>) target(%dma_start3A_793 : memref<50x128xf32, #tpu.memory_space<hbm>>) target_semaphore(%arg37 : memref<!tpu.dma_semaphore, #tpu.memory_space<semaphore_mem>>)
      %add3A_794 = arith.constant 1 : i32
      %add3A_795 = arith.addi %scan3A_142, %add3A_794 : i32
      %lt3A_796 = arith.constant 16 : i32
      %lt3A_797 = arith.cmpi slt, %add3A_795, %lt3A_796 : i32
      %convert_element_type3A_798 = arith.extui %lt3A_797 : i1 to i32
      %cond3A_799 = arith.constant 0 : i32
      %cond3A_800 = arith.cmpi ne, %convert_element_type3A_798, %cond3A_799 : i32
      scf.if %cond3A_800 {
        %add3A_801 = arith.constant 8 : i32
        %add3A_802 = arith.addi %add3A_721, %add3A_801 : i32
        %dma_start3A_803 = arith.constant 0 : i32
        %dma_start3A_804 = tpu.memref_slice %arg5[%add3A_802, %dma_start3A_803] : memref<128x50xi32, #tpu.memory_space<vmem>> -> memref<1x50xi32, #tpu.memory_space<vmem>>
        %dma_start3A_805 = tpu.memref_squeeze %dma_start3A_804 : memref<1x50xi32, #tpu.memory_space<vmem>> -> memref<50xi32, #tpu.memory_space<vmem>>
        %dma_start3A_806 = arith.constant 0 : i32
        %dma_start3A_807 = arith.constant 0 : i32
        %dma_start3A_808 = tpu.memref_slice %arg3[%dma_start3A_806, %dma_start3A_807] : memref<100000x128xf32, #tpu.memory_space<hbm>> -> memref<100000x128xf32, #tpu.memory_space<hbm>>
        tpu.enqueue_indirect_dma source(%dma_start3A_808 : memref<100000x128xf32, #tpu.memory_space<hbm>>) target(%arg13 : memref<50x128xf32, #tpu.memory_space<vmem>>) offsets(%dma_start3A_805 : memref<50xi32, #tpu.memory_space<vmem>>) semaphore(%arg29 : memref<!tpu.dma_semaphore, #tpu.memory_space<semaphore_mem>>)
      } else {
      }
    }
    %scan3A_62 = arith.constant 16 : i32
    %add3A_63 = arith.constant 120 : i32
    %add3A_64 = arith.addi %mul3A_2, %add3A_63 : i32
    %dma_wait3A = arith.constant 0 : i32
    %dma_wait3A_65 = arith.constant 0 : i32
    %dma_wait3A_66 = tpu.memref_slice %arg4[%add3A_64, %dma_wait3A, %dma_wait3A_65] : memref<4096x50x128xf32, #tpu.memory_space<hbm>> -> memref<1x50x128xf32, #tpu.memory_space<hbm>>
    %dma_wait3A_67 = tpu.memref_squeeze %dma_wait3A_66 : memref<1x50x128xf32, #tpu.memory_space<hbm>> -> memref<50x128xf32, #tpu.memory_space<hbm>>
    %dma_wait3A_68 = arith.constant 0 : i32
    %dma_wait3A_69 = arith.constant 0 : i32
    %dma_wait3A_70 = tpu.memref_slice %arg4[%add3A_64, %dma_wait3A_68, %dma_wait3A_69] : memref<4096x50x128xf32, #tpu.memory_space<hbm>> -> memref<1x50x128xf32, #tpu.memory_space<hbm>>
    %dma_wait3A_71 = tpu.memref_squeeze %dma_wait3A_70 : memref<1x50x128xf32, #tpu.memory_space<hbm>> -> memref<50x128xf32, #tpu.memory_space<hbm>>
    tpu.wait_dma2 semaphore(%arg30 : memref<!tpu.dma_semaphore, #tpu.memory_space<semaphore_mem>>) src(%arg14 : memref<50x128xf32, #tpu.memory_space<vmem>>) dst(%dma_wait3A_71 : memref<50x128xf32, #tpu.memory_space<hbm>>)
    %add3A_72 = arith.constant 121 : i32
    %add3A_73 = arith.addi %mul3A_2, %add3A_72 : i32
    %dma_wait3A_74 = arith.constant 0 : i32
    %dma_wait3A_75 = arith.constant 0 : i32
    %dma_wait3A_76 = tpu.memref_slice %arg4[%add3A_73, %dma_wait3A_74, %dma_wait3A_75] : memref<4096x50x128xf32, #tpu.memory_space<hbm>> -> memref<1x50x128xf32, #tpu.memory_space<hbm>>
    %dma_wait3A_77 = tpu.memref_squeeze %dma_wait3A_76 : memref<1x50x128xf32, #tpu.memory_space<hbm>> -> memref<50x128xf32, #tpu.memory_space<hbm>>
    %dma_wait3A_78 = arith.constant 0 : i32
    %dma_wait3A_79 = arith.constant 0 : i32
    %dma_wait3A_80 = tpu.memref_slice %arg4[%add3A_73, %dma_wait3A_78, %dma_wait3A_79] : memref<4096x50x128xf32, #tpu.memory_space<hbm>> -> memref<1x50x128xf32, #tpu.memory_space<hbm>>
    %dma_wait3A_81 = tpu.memref_squeeze %dma_wait3A_80 : memref<1x50x128xf32, #tpu.memory_space<hbm>> -> memref<50x128xf32, #tpu.memory_space<hbm>>
    tpu.wait_dma2 semaphore(%arg31 : memref<!tpu.dma_semaphore, #tpu.memory_space<semaphore_mem>>) src(%arg15 : memref<50x128xf32, #tpu.memory_space<vmem>>) dst(%dma_wait3A_81 : memref<50x128xf32, #tpu.memory_space<hbm>>)
    %add3A_82 = arith.constant 122 : i32
    %add3A_83 = arith.addi %mul3A_2, %add3A_82 : i32
    %dma_wait3A_84 = arith.constant 0 : i32
    %dma_wait3A_85 = arith.constant 0 : i32
    %dma_wait3A_86 = tpu.memref_slice %arg4[%add3A_83, %dma_wait3A_84, %dma_wait3A_85] : memref<4096x50x128xf32, #tpu.memory_space<hbm>> -> memref<1x50x128xf32, #tpu.memory_space<hbm>>
    %dma_wait3A_87 = tpu.memref_squeeze %dma_wait3A_86 : memref<1x50x128xf32, #tpu.memory_space<hbm>> -> memref<50x128xf32, #tpu.memory_space<hbm>>
    %dma_wait3A_88 = arith.constant 0 : i32
    %dma_wait3A_89 = arith.constant 0 : i32
    %dma_wait3A_90 = tpu.memref_slice %arg4[%add3A_83, %dma_wait3A_88, %dma_wait3A_89] : memref<4096x50x128xf32, #tpu.memory_space<hbm>> -> memref<1x50x128xf32, #tpu.memory_space<hbm>>
    %dma_wait3A_91 = tpu.memref_squeeze %dma_wait3A_90 : memref<1x50x128xf32, #tpu.memory_space<hbm>> -> memref<50x128xf32, #tpu.memory_space<hbm>>
    tpu.wait_dma2 semaphore(%arg32 : memref<!tpu.dma_semaphore, #tpu.memory_space<semaphore_mem>>) src(%arg16 : memref<50x128xf32, #tpu.memory_space<vmem>>) dst(%dma_wait3A_91 : memref<50x128xf32, #tpu.memory_space<hbm>>)
    %add3A_92 = arith.constant 123 : i32
    %add3A_93 = arith.addi %mul3A_2, %add3A_92 : i32
    %dma_wait3A_94 = arith.constant 0 : i32
    %dma_wait3A_95 = arith.constant 0 : i32
    %dma_wait3A_96 = tpu.memref_slice %arg4[%add3A_93, %dma_wait3A_94, %dma_wait3A_95] : memref<4096x50x128xf32, #tpu.memory_space<hbm>> -> memref<1x50x128xf32, #tpu.memory_space<hbm>>
    %dma_wait3A_97 = tpu.memref_squeeze %dma_wait3A_96 : memref<1x50x128xf32, #tpu.memory_space<hbm>> -> memref<50x128xf32, #tpu.memory_space<hbm>>
    %dma_wait3A_98 = arith.constant 0 : i32
    %dma_wait3A_99 = arith.constant 0 : i32
    %dma_wait3A_100 = tpu.memref_slice %arg4[%add3A_93, %dma_wait3A_98, %dma_wait3A_99] : memref<4096x50x128xf32, #tpu.memory_space<hbm>> -> memref<1x50x128xf32, #tpu.memory_space<hbm>>
    %dma_wait3A_101 = tpu.memref_squeeze %dma_wait3A_100 : memref<1x50x128xf32, #tpu.memory_space<hbm>> -> memref<50x128xf32, #tpu.memory_space<hbm>>
    tpu.wait_dma2 semaphore(%arg33 : memref<!tpu.dma_semaphore, #tpu.memory_space<semaphore_mem>>) src(%arg17 : memref<50x128xf32, #tpu.memory_space<vmem>>) dst(%dma_wait3A_101 : memref<50x128xf32, #tpu.memory_space<hbm>>)
    %add3A_102 = arith.constant 124 : i32
    %add3A_103 = arith.addi %mul3A_2, %add3A_102 : i32
    %dma_wait3A_104 = arith.constant 0 : i32
    %dma_wait3A_105 = arith.constant 0 : i32
    %dma_wait3A_106 = tpu.memref_slice %arg4[%add3A_103, %dma_wait3A_104, %dma_wait3A_105] : memref<4096x50x128xf32, #tpu.memory_space<hbm>> -> memref<1x50x128xf32, #tpu.memory_space<hbm>>
    %dma_wait3A_107 = tpu.memref_squeeze %dma_wait3A_106 : memref<1x50x128xf32, #tpu.memory_space<hbm>> -> memref<50x128xf32, #tpu.memory_space<hbm>>
    %dma_wait3A_108 = arith.constant 0 : i32
    %dma_wait3A_109 = arith.constant 0 : i32
    %dma_wait3A_110 = tpu.memref_slice %arg4[%add3A_103, %dma_wait3A_108, %dma_wait3A_109] : memref<4096x50x128xf32, #tpu.memory_space<hbm>> -> memref<1x50x128xf32, #tpu.memory_space<hbm>>
    %dma_wait3A_111 = tpu.memref_squeeze %dma_wait3A_110 : memref<1x50x128xf32, #tpu.memory_space<hbm>> -> memref<50x128xf32, #tpu.memory_space<hbm>>
    tpu.wait_dma2 semaphore(%arg34 : memref<!tpu.dma_semaphore, #tpu.memory_space<semaphore_mem>>) src(%arg18 : memref<50x128xf32, #tpu.memory_space<vmem>>) dst(%dma_wait3A_111 : memref<50x128xf32, #tpu.memory_space<hbm>>)
    %add3A_112 = arith.constant 125 : i32
    %add3A_113 = arith.addi %mul3A_2, %add3A_112 : i32
    %dma_wait3A_114 = arith.constant 0 : i32
    %dma_wait3A_115 = arith.constant 0 : i32
    %dma_wait3A_116 = tpu.memref_slice %arg4[%add3A_113, %dma_wait3A_114, %dma_wait3A_115] : memref<4096x50x128xf32, #tpu.memory_space<hbm>> -> memref<1x50x128xf32, #tpu.memory_space<hbm>>
    %dma_wait3A_117 = tpu.memref_squeeze %dma_wait3A_116 : memref<1x50x128xf32, #tpu.memory_space<hbm>> -> memref<50x128xf32, #tpu.memory_space<hbm>>
    %dma_wait3A_118 = arith.constant 0 : i32
    %dma_wait3A_119 = arith.constant 0 : i32
    %dma_wait3A_120 = tpu.memref_slice %arg4[%add3A_113, %dma_wait3A_118, %dma_wait3A_119] : memref<4096x50x128xf32, #tpu.memory_space<hbm>> -> memref<1x50x128xf32, #tpu.memory_space<hbm>>
    %dma_wait3A_121 = tpu.memref_squeeze %dma_wait3A_120 : memref<1x50x128xf32, #tpu.memory_space<hbm>> -> memref<50x128xf32, #tpu.memory_space<hbm>>
    tpu.wait_dma2 semaphore(%arg35 : memref<!tpu.dma_semaphore, #tpu.memory_space<semaphore_mem>>) src(%arg19 : memref<50x128xf32, #tpu.memory_space<vmem>>) dst(%dma_wait3A_121 : memref<50x128xf32, #tpu.memory_space<hbm>>)
    %add3A_122 = arith.constant 126 : i32
    %add3A_123 = arith.addi %mul3A_2, %add3A_122 : i32
    %dma_wait3A_124 = arith.constant 0 : i32
    %dma_wait3A_125 = arith.constant 0 : i32
    %dma_wait3A_126 = tpu.memref_slice %arg4[%add3A_123, %dma_wait3A_124, %dma_wait3A_125] : memref<4096x50x128xf32, #tpu.memory_space<hbm>> -> memref<1x50x128xf32, #tpu.memory_space<hbm>>
    %dma_wait3A_127 = tpu.memref_squeeze %dma_wait3A_126 : memref<1x50x128xf32, #tpu.memory_space<hbm>> -> memref<50x128xf32, #tpu.memory_space<hbm>>
    %dma_wait3A_128 = arith.constant 0 : i32
    %dma_wait3A_129 = arith.constant 0 : i32
    %dma_wait3A_130 = tpu.memref_slice %arg4[%add3A_123, %dma_wait3A_128, %dma_wait3A_129] : memref<4096x50x128xf32, #tpu.memory_space<hbm>> -> memref<1x50x128xf32, #tpu.memory_space<hbm>>
    %dma_wait3A_131 = tpu.memref_squeeze %dma_wait3A_130 : memref<1x50x128xf32, #tpu.memory_space<hbm>> -> memref<50x128xf32, #tpu.memory_space<hbm>>
    tpu.wait_dma2 semaphore(%arg36 : memref<!tpu.dma_semaphore, #tpu.memory_space<semaphore_mem>>) src(%arg20 : memref<50x128xf32, #tpu.memory_space<vmem>>) dst(%dma_wait3A_131 : memref<50x128xf32, #tpu.memory_space<hbm>>)
    %add3A_132 = arith.constant 127 : i32
    %add3A_133 = arith.addi %mul3A_2, %add3A_132 : i32
    %dma_wait3A_134 = arith.constant 0 : i32
    %dma_wait3A_135 = arith.constant 0 : i32
    %dma_wait3A_136 = tpu.memref_slice %arg4[%add3A_133, %dma_wait3A_134, %dma_wait3A_135] : memref<4096x50x128xf32, #tpu.memory_space<hbm>> -> memref<1x50x128xf32, #tpu.memory_space<hbm>>
    %dma_wait3A_137 = tpu.memref_squeeze %dma_wait3A_136 : memref<1x50x128xf32, #tpu.memory_space<hbm>> -> memref<50x128xf32, #tpu.memory_space<hbm>>
    %dma_wait3A_138 = arith.constant 0 : i32
    %dma_wait3A_139 = arith.constant 0 : i32
    %dma_wait3A_140 = tpu.memref_slice %arg4[%add3A_133, %dma_wait3A_138, %dma_wait3A_139] : memref<4096x50x128xf32, #tpu.memory_space<hbm>> -> memref<1x50x128xf32, #tpu.memory_space<hbm>>
    %dma_wait3A_141 = tpu.memref_squeeze %dma_wait3A_140 : memref<1x50x128xf32, #tpu.memory_space<hbm>> -> memref<50x128xf32, #tpu.memory_space<hbm>>
    tpu.wait_dma2 semaphore(%arg37 : memref<!tpu.dma_semaphore, #tpu.memory_space<semaphore_mem>>) src(%arg21 : memref<50x128xf32, #tpu.memory_space<vmem>>) dst(%dma_wait3A_141 : memref<50x128xf32, #tpu.memory_space<hbm>>)
    return
  }
}

module attributes {stable_mosaic.version = 14 : i64} {
  func.func @_transform_body(%arg0: i32, %arg1: memref<2000x128xf32, #tpu.memory_space<vmem>>, %arg2: memref<128x128xf32, #tpu.memory_space<vmem>>, %arg3: memref<1x128xf32, #tpu.memory_space<vmem>>, %arg4: memref<2000x128xf32, #tpu.memory_space<vmem>>) attributes {dimension_semantics = [#tpu.dimension_semantics<arbitrary>], iteration_bounds = array<i64: 50>, scalar_prefetch = 0 : i64, scratch_operands = 0 : i64, tpu.core_type = #tpu.core_type<tc>, window_params = [{transform_indices = @transform_0, window_bounds = array<i64: 2000, 128>}, {pipeline_mode = #tpu.pipeline_mode<synchronous>, transform_indices = @transform_1, window_bounds = array<i64: 128, 128>}, {pipeline_mode = #tpu.pipeline_mode<synchronous>, transform_indices = @transform_2, window_bounds = array<i64: 1, 128>}, {transform_indices = @transform_3, window_bounds = array<i64: 2000, 128>}]} {
    %get3A = arith.constant 0 : index
    %get3A_0 = arith.constant 0 : index
    %get3A_1 = vector.load %arg1[%get3A, %get3A_0] : memref<2000x128xf32, #tpu.memory_space<vmem>>, vector<2000x128xf32>
    %get3A_2 = arith.constant 0 : index
    %get3A_3 = arith.constant 0 : index
    %get3A_4 = vector.load %arg2[%get3A_2, %get3A_3] : memref<128x128xf32, #tpu.memory_space<vmem>>, vector<128x128xf32>
    %dot_general3A = arith.constant dense<0.000000e+00> : vector<2000x128xf32>
    %dot_general3A_5 = tpu.matmul %get3A_1, %get3A_4, %dot_general3A {dimension_numbers = #tpu.dot_dimension_numbers<[1], [0], [0], [1], [0, 0, 1, 1], [], []>, transpose_lhs_hint = false} : vector<2000x128xf32>, vector<128x128xf32>, vector<2000x128xf32> -> vector<2000x128xf32>
    %get3A_6 = arith.constant 0 : index
    %get3A_7 = arith.constant 0 : index
    %get3A_8 = vector.load %arg3[%get3A_6, %get3A_7] : memref<1x128xf32, #tpu.memory_space<vmem>>, vector<1x128xf32>
    %add3A = vector.broadcast %get3A_8 : vector<1x128xf32> to vector<2000x128xf32>
    %add3A_9 = arith.addf %dot_general3A_5, %add3A : vector<2000x128xf32>
    %max3A = arith.constant 0.000000e+00 : f32
    %max3A_10 = vector.broadcast %max3A : f32 to vector<2000x128xf32>
    %max3A_11 = arith.maximumf %add3A_9, %max3A_10 : vector<2000x128xf32>
    %exp3A = math.exp %max3A_11 : vector<2000x128xf32>
    %swap3A = arith.constant 0 : index
    %swap3A_12 = arith.constant 0 : index
    %swap3A_13 = vector.load %arg4[%swap3A, %swap3A_12] : memref<2000x128xf32, #tpu.memory_space<vmem>>, vector<2000x128xf32>
    tpu.vector_store %arg4[%swap3A, %swap3A_12], %exp3A {strides = array<i32>} : memref<2000x128xf32, #tpu.memory_space<vmem>>, vector<2000x128xf32>,
    return
  }
  func.func @transform_0(%arg0: i32) -> (i32, i32) {
    %c0_i32 = arith.constant 0 : i32
    %c0_i32_0 = arith.constant 0 : i32
    return %arg0, %c0_i32 : i32, i32
  }
  func.func @transform_1(%arg0: i32) -> (i32, i32) {
    %c0_i32 = arith.constant 0 : i32
    %c0_i32_0 = arith.constant 0 : i32
    %c0_i32_1 = arith.constant 0 : i32
    return %c0_i32, %c0_i32_0 : i32, i32
  }
  func.func @transform_2(%arg0: i32) -> (i32, i32) {
    %c0_i32 = arith.constant 0 : i32
    %c0_i32_0 = arith.constant 0 : i32
    %c0_i32_1 = arith.constant 0 : i32
    return %c0_i32, %c0_i32_0 : i32, i32
  }
  func.func @transform_3(%arg0: i32) -> (i32, i32) {
    %c0_i32 = arith.constant 0 : i32
    %c0_i32_0 = arith.constant 0 : i32
    return %arg0, %c0_i32 : i32, i32
  }
}

</mosaic_0001>

<sc_bundles>
// kernel: kernel.4.cloned.1.call-start
scs
__scs_entry_jumppad:
0x0: {  	(pc) =	sbr.rel $0x88, $3  }
0x1: {  	(tag) =	ssettag $0x0;
	lr =	simm.s32 $0x1  }
0x2: {  	[smem:$0x3F9D] =	sst lr;
	_ =	strace $0xD0000000  }
0x3: {  	_ = 	snop  }
0x4: {  	_ = 	snop  }
0x5: {  	_ = 	snop  }
0x6: {  	_ = 	snop  }
0x7: {  	_ = 	snop  }
__scs_overlays_trampoline_lowered:
0x8: {  	[smem:$0x3FAC] =	sst s0  }
0x9: {  	[smem:$0x3FAD] =	sst s1  }
0xa: {  	[smem:$0x3FAE] =	sst s2  }
0xb: {  	[smem:$0x3FAF] =	sst s3  }
0xc: {  	[smem:$0x3FB0] =	sst s4  }
0xd: {  	[smem:$0x3FB1] =	sst s5  }
0xe: {  	[smem:$0x3FB2] =	sst s6  }
0xf: {  	[smem:$0x3FB3] =	sst s7  }
0x10: {  	[smem:$0x3FB4] =	sst s8  }
0x11: {  	[smem:$0x3FB5] =	sst s9;
	s0 =	simm.s32 @!p0 $0x0  }
0x12: {  	s1 =	sld [smem:$0x3F9B];
	s0 =	simm.s32 @p0 $0x1  }
0x13: {  	[smem:$0x3FB6] =	sst s0;
	s0 =	simm.s32 @!p1 $0x0  }
0x14: {  	s2 =	sld [smem:$0x3F9A];
	s0 =	simm.s32 @p1 $0x1  }
0x15: {  	[smem:$0x3FB7] =	sst s0;
	s0 =	simm.s32 @!p2 $0x0  }
0x16: {  	s3 =	sld [smem:$0x3FDB];
	s0 =	simm.s32 @p2 $0x1  }
0x17: {  	s4 =	simm.s32 $0x1BF5;
	[smem:$0x3FB9] =	sst s0  }
0x18: {  	s0 =	sld [smem:$0x3F9C];
	_ =	swait.ge [sflag:s4], $0x0  }
0x19: {  	s7 =	sld [smem:$0x3F9D]  }
0x1a: {  	s8 =	sadd.s32 $0xFFFFE003, lr  }
0x1b: {  	s9 =	sadd.s32 $0xFFFFFEF7, lr;
	s5 =	simm.s32 $0xFFFFFFFF;
	p2 =	slt.u32 s8, $0xFFFFF086  }
0x1c: {  	p1 =	slt.u32 s9, $0xF7A;
	s5 =	simm.s32 @!p2 $0x0  }
0x1d: {  	s5 =	simm.s32 @p1 $0x1;
	p0 =	seq.s32 s7, s2  }
0x1e: {  	s7 =	smul.u32 @!p0 $0xF7A, s2;
	p2 =	seq.s32 @!p0 s5, $0x0  }
0x1f: {  	s9 =	smul.u32 $0xF7A, s1;
	s8 =	simm.s32 @!p0 $0x1BF5;
	p2 =	por !p2, p0  }
0x20: {  	[sflag:s8] =	ssyncset.s32 @!p0 $0xFFFFF086;
	s6 =	sadd.s32 @!p0 s3, s7;
	s7 =	simm.s32 @!p0 $0x108  }
0x21: {  	s3 =	sadd.s32 s3, s9;
	s6 =	sadd.s32 @!p0 $0x88, s6;
	s7 =	simm.s32 @p2 $0x1082  }
0x22: {  	[simem:s7], [sflag:s8] =	dma.local @!p0 [hbm:s6], $0xF7A  }
0x23: {  	s9 =	sor.u32 $0xD0000000, s2;
	s6 =	simm.s32 $0x108;
	_ =	swait.ge @!p0 [sflag:s8], $0x0  }
0x24: {  	s3 =	sadd.s32 $0x88, s3;
	s6 =	simm.s32 @!p1 $0x1082;
	[sflag:s4] =	ssyncset.s32 $0xFFFFF086  }
0x25: {  	[simem:s6], [sflag:s4] =	dma.local [hbm:s3], $0xF7A  }
0x26: {  	[smem:$0x3F9D] =	sst s1;
	(tag) =	ssettag s2;
	_ =	strace s9  }
0x27: {  	s1 =	sld [smem:$0x3FAD]  }
0x28: {  	s2 =	sld [smem:$0x3FAE]  }
0x29: {  	s4 =	sld [smem:$0x3FB0]  }
0x2a: {  	p0 =	seq.s32 s5, $0x0;
	s5 =	sld [smem:$0x3FB1]  }
0x2b: {  	s6 =	sld [smem:$0x3FB2]  }
0x2c: {  	s7 =	sld [smem:$0x3FB3]  }
0x2d: {  	s3 =	simm.s32 $0x108;
	s8 =	sld [smem:$0x3FB4]  }
0x2e: {  	s3 =	simm.s32 @!p0 $0x1082;
	s9 =	sld [smem:$0x3FB5]  }
0x2f: {  	lr =	sadd.s32 s0, s3;
	s0 =	sld [smem:$0x3FAC]  }
0x30: {  	s3 =	sld [smem:$0x3FAF]  }
0x31: {  	[smem:$0x3FB8] =	sst s10  }
0x32: {  	s10 =	sld [smem:$0x3FB6];
	_ =	sdelay $0x3  }
0x33: {  	p0 =	seq.s32 s10, $0x1;
	s10 =	sld [smem:$0x3FB8];
	_ =	sdelay $0x3  }
0x34: {  	[smem:$0x3FB8] =	sst s10  }
0x35: {  	s10 =	sld [smem:$0x3FB7];
	_ =	sdelay $0x3  }
0x36: {  	p1 =	seq.s32 s10, $0x1;
	s10 =	sld [smem:$0x3FB8];
	_ =	sdelay $0x3  }
0x37: {  	[smem:$0x3FB8] =	sst s10  }
0x38: {  	s10 =	sld [smem:$0x3FB9]  }
0x39: {  	_ = 	snop;
	(pc) =	sbr.ind lr, $3  }
0x3a: {  	_ = 	snop  }
0x3b: {  	_ = 	snop  }
0x3c: {  	p2 =	seq.s32 s10, $0x1;
	s10 =	sld [smem:$0x3FB8]  }
0x3d: {  	_ =	shalt  }
0x3e: {  	_ =	shalt  }
0x3f: {  	_ =	shalt  }
0x40: {  	_ =	shalt  }
0x41: {  	_ =	shalt  }
0x42: {  	_ =	shalt  }
0x43: {  	_ =	shalt  }
0x44: {  	_ =	shalt  }
0x45: {  	_ =	shalt  }
0x46: {  	_ =	shalt  }
0x47: {  	_ =	shalt  }
0x48: {  	_ =	shalt  }
0x49: {  	_ =	shalt  }
0x4a: {  	_ =	shalt  }
0x4b: {  	_ =	shalt  }
0x4c: {  	_ =	shalt  }
0x4d: {  	_ =	shalt  }
0x4e: {  	_ =	shalt  }
0x4f: {  	_ =	shalt  }
0x50: {  	_ =	shalt  }
0x51: {  	_ =	shalt  }
0x52: {  	_ =	shalt  }
0x53: {  	_ =	shalt  }
0x54: {  	_ =	shalt  }
0x55: {  	_ =	shalt  }
0x56: {  	_ =	shalt  }
0x57: {  	_ =	shalt  }
0x58: {  	_ =	shalt  }
0x59: {  	_ =	shalt  }
0x5a: {  	_ =	shalt  }
0x5b: {  	_ =	shalt  }
0x5c: {  	_ =	shalt  }
0x5d: {  	_ =	shalt  }
0x5e: {  	_ =	shalt  }
0x5f: {  	_ =	shalt  }
0x60: {  	_ =	shalt  }
0x61: {  	_ =	shalt  }
0x62: {  	_ =	shalt  }
0x63: {  	_ =	shalt  }
0x64: {  	_ =	shalt  }
0x65: {  	_ =	shalt  }
0x66: {  	_ =	shalt  }
0x67: {  	_ =	shalt  }
0x68: {  	_ =	shalt  }
0x69: {  	_ =	shalt  }
0x6a: {  	_ =	shalt  }
0x6b: {  	_ =	shalt  }
0x6c: {  	_ =	shalt  }
0x6d: {  	_ =	shalt  }
0x6e: {  	_ =	shalt  }
0x6f: {  	_ =	shalt  }
0x70: {  	_ =	shalt  }
0x71: {  	_ =	shalt  }
0x72: {  	_ =	shalt  }
0x73: {  	_ =	shalt  }
0x74: {  	_ =	shalt  }
0x75: {  	_ =	shalt  }
0x76: {  	_ =	shalt  }
0x77: {  	_ =	shalt  }
0x78: {  	_ =	shalt  }
0x79: {  	_ =	shalt  }
0x7a: {  	_ =	shalt  }
0x7b: {  	_ =	shalt  }
0x7c: {  	_ =	shalt  }
0x7d: {  	_ =	shalt  }
0x7e: {  	_ =	shalt  }
0x7f: {  	_ =	shalt  }
0x80: {  	_ =	shalt  }
0x81: {  	_ =	shalt  }
0x82: {  	_ =	shalt  }
0x83: {  	_ =	shalt  }
0x84: {  	_ =	shalt  }
0x85: {  	_ =	shalt  }
0x86: {  	_ =	shalt  }
0x87: {  	_ =	shalt  }
.Lfunc_end0:
.L_simem_size_0:
called_computation_lowered:
.L_overlay_start_0:
0x88: {  	s2 =	sld [smem:$0x3FD9]  }
0x89: {  	s3 =	sld [smem:$0x3FFE];
	_ =	sdelay $0x1  }
0x8a: {  	s1 =	srdreg.scid  }
0x8b: {  	s0 =	sand.u32 $0x1, s1  }
0x8c: {  	s17 =	sshll.u32 s0, $0xA;
	s2 =	sadd.s32 s3, s2  }
0x8d: {  	s2 =	sadd.s32 s2, s17  }
0x8e: {  	[smem:$0x3FC4] =	sst s2  }
0x8f: {  	_ = 	snop  }
0x90: {  	s2 =	sld [smem:$0x3FD0];
	(tm) =	ssettm $0x1  }
0x91: {  	s18 =	sld [smem:$0x3FFB];
	_ =	sdelay $0x3  }
0x92: {  	_ =	strace s18  }
0x93: {  	s3 =	sld [smem:$0x3FFC];
	_ =	sdelay $0x3  }
0x94: {  	_ =	strace s3  }
0x95: {  	s3 =	sld [smem:$0x3FFD];
	_ =	sdelay $0x3  }
0x96: {  	_ =	strace s3  }
0x97: {  	_ =	strace $0x8FFFFFFF  }
0x98: {  	s19 =	sld [smem:$0x3FDB];
	_ =	sdelay $0x1  }
0x99: {  	s4 =	simm.s32 $_scs_section_size  }
0x9a: {  	s5 =	simm.s32 $_size__tile_overlayer_lowered;
	s6 =	simm.s32 $_tile_overlayer_lowered  }
0x9b: {  	s22 =	simm.s32 $0x1BFF;
	s21 =	sshll.u32 s6, $0x1;
	s3 =	sadd.s32 s4, s19  }
0x9c: {  	s7 =	simm.s32 $0x0;
	s20 =	sshll.u32 s5, $0x1;
	s5 =	sadd.s32 s21, s3  }
0x9d: {  	[timem:s7], [sflag:s22] =	dma.local [hbm:s5], s20  }
0x9e: {  	_ =	swait.ge [sflag:s22], s20  }
0x9f: {  	s4 =	ssub.s32 $0x0, s20;
	[sflag:s22] =	ssyncset.done $0x0  }
0xa0: {  	[sflag:s22] =	ssyncadd.s32 s4;
	_ =	sdelay $0x1  }
0xa1: {  	s23 =	simm.s32 $0x1B8B  }
0xa2: {  	_ =	swait.ge [sflag:s23], $0x1  }
0xa3: {  	[sflag:s23] =	ssyncset.done $0x0  }
0xa4: {  	s25 =	simm.s32 $0x1B8E;
	s24 =	sld [smem:$0x3FFE];
	[sflag:s23] =	ssyncadd.s32 $0xFFFFFFFF  }
0xa5: {  	s26 =	simm.s32 $execute0_lowered;
	[smem:$0x3FD2] =	sst s25  }
0xa6: {  	s5 =	sshll.u32 s26, $0x1;
	_ =	strace $0x80000046;
	[dreg:$0x1] =	wrdreg $0xFFFFFFFF  }
0xa7: {  	s28 =	simm.s32 $_size_execute0_lowered;
	s3 =	sadd.s32 s3, s5;
	[dreg:$0x0] =	wrdreg $0x0  }
0xa8: {  	s5 =	sshll.u32 s28, $0x1;
	[dreg:$0x2] =	wrdreg s3  }
0xa9: {  	[dreg:$0x3] =	wrdreg s5  }
0xaa: {  	[dreg:$0x4] =	wrdreg $0xC0  }
0xab: {  	_ =	task [dreg:s7], $0x5FFFF  }
0xac: {  	[dreg:$0x1] =	wrdreg $0xFFFFFFFF  }
0xad: {  	[dreg:$0x0] =	wrdreg $0x60  }
0xae: {  	[dreg:$0x2] =	wrdreg s24  }
0xaf: {  	[dreg:$0x3] =	wrdreg s2  }
0xb0: {  	[dreg:$0x4] =	wrdreg $0x9  }
0xb1: {  	_ =	task.clear_ibuf [dreg:s7], $0x5FFFF;
	_ =	strace $0x90000046  }
0xb2: {  	s29 =	simm.s32 $0x9;
	_ =	strace $0x80000048  }
0xb3: {  	_ =	swait.ge [sflag:s29], $0x1  }
0xb4: {  	[sflag:s29] =	ssyncadd.s32 $0xFFFFFFFF  }
0xb5: {  	_ =	strace $0x90000048  }
0xb6: {  	_ =	sfence  }
0xb7: {  	s30 =	sld [smem:$0x0];
	_ =	sdelay $0x2  }
0xb8: {  	s31 =	sshll.u32 s1, $0xD;
	s1 =	sshrl.u32 s1, $0x2  }
0xb9: {  	s3 =	sand.u32 $0x4000, s31;
	s1 =	sadd.s32 s1, s30  }
0xba: {  	s0 =	sor.u32 s3, s0;
	s1 =	sshll.u32 s1, $0x11  }
0xbb: {  	s0 =	sor.u32 s1, s0  }
0xbc: {  	s0 =	sadd.s32 $0x8F2B, s0  }
0xbd: {  	[sflag:s0] =	ssyncadd.remote.s32 $0x1  }
0xbe: {  	_ =	sfence.sel $0xFFFF  }
0xbf: {  	[dreg:$0x0] =	wrdreg $0xFFFFFFFF;
	(pc) =	sbr.abs _section_cstart, $3  }
0xc0: {  	[dreg:$0x1] =	wrdreg $0xFFFFFFFF  }
0xc1: {  	_ =	task.clear_ibuf [dreg:s7], $0x2FFFF;
	_ =	strace $0x9FFFFFFF  }
0xc2: {  	(tm) =	ssettm $0x7FFFFFFF  }
0xc3: {  	_ =	shalt  }
tec
execute0_lowered:
.L_overlay_start_1:
0x0: {  	(tag) =	ssettag $0x1  }
0x1: {  	s0 =	rddreg [dreg:$0x0];
	s1 =	srdreg.scid  }
0x2: {  	s2 =	rddreg [dreg:$0x1];
	s3 =	stileid.u32;
	s9 =	simm.s32 $0x32  }
0x3: {  	s28 =	simm.s32 $0x2;
	s29 =	simm.s32 $0x13C00;
	s30 =	simm.s32 $0x3  }
0x4: {  	s31 =	simm.s32 $0x15800;
	s10 =	simm.s32 $0x5;
	s11 =	simm.s32 $0x19000  }
0x5: {  	s12 =	simm.s32 $0x6;
	s13 =	simm.s32 $0x1AC00;
	s14 =	simm.s32 $0x7  }
0x6: {  	s15 =	simm.s32 $0x1C800;
	s16 =	simm.s32 $0x8;
	s17 =	simm.s32 $0x1E400  }
0x7: {  	s24 =	simm.s32 $0xF;
	s1 =	sand.u32 $0x1, s1;
	s4 =	sshll.u32 s3, $0x8  }
0x8: {  	s3 =	simm.s32 $0x0;
	s5 =	sshll.u32 s1, $0x7;
	s1 =	ssub.s32 $0x2, s1  }
0x9: {  	[smem:$0x7FF] =	sst s3;
	s4 =	sor.u32 s5, s4;
	s6 =	sshrl.u32 s1, $0x1  }
0xa: {  	_ =	strace $0x80000047;
	s5 =	sshll.u32 s4, $0x4;
	s1 =	ssub.s32 s1, s6  }
0xb: {  	s6 =	simm.s32 $0x10;
	s7 =	sadd.s32 s5, s0;
	s5 =	sadd.s32 $0x10800, s0  }
0xc: {  	s26 =	smax.u32 s1, $0x1;
	s0 =	simm.s32 $0x4;
	s1 =	simm.s32 $0x17400  }
0xd: {  	s25 =	sadd.s32 $0x800, s7;
	[dreg:$0x4] =	wrdreg s26;
	s26 =	simm.s32 $0x12000  }
0xe: {  	s7 =	simm.s32 $0x0;
	[dreg:$0x3] =	wrdreg s25;
	s25 =	simm.s32 $0x1  }
.LBB2_1:
0xf: {  	s8 =	rddreg [dreg:$0x3];
	s21 =	simm.s32 $0x11  }
0x10: {  	[tilespmem:s3], [sflag:$0x11] =	stream.linear.gather [hbm4b:s8+s3], $0x4000, $0x38;
	v63 =	vld [tilespmem:$0x0]  }
0x11: {  	_ =	swait.ge [sflag:s21], $0x4000  }
0x12: {  	[sflag:s21] =	ssyncset.done $0x0  }
0x13: {  	s22 =	simm.s32 $0x4000;
	[sflag:s21] =	ssyncadd.s32 $0xFFFFC000  }
0x14: {  	[tilespmem:s22], [sflag:$0x1] =	stream.indirect.gather [hbm4b:s2+s9], $0x80, s3, s9, $0xb8;
	v63 =	vld [tilespmem:$0x0]  }
0x15: {  	s23 =	simm.s32 $0x80;
	s18 =	simm.s32 $0x5C00  }
0x16: {  	[tilespmem:s18], [sflag:$0x2] =	stream.indirect.gather [hbm4b:s2+s9], $0x80, s23, s9, $0xb8;
	v63 =	vld [tilespmem:$0x0]  }
0x17: {  	s19 =	simm.s32 $0x7800;
	s18 =	simm.s32 $0x100  }
0x18: {  	[tilespmem:s19], [sflag:$0x3] =	stream.indirect.gather [hbm4b:s2+s9], $0x80, s18, s9, $0xb8;
	v63 =	vld [tilespmem:$0x0]  }
0x19: {  	s20 =	simm.s32 $0x180;
	s21 =	simm.s32 $0x9400  }
0x1a: {  	[tilespmem:s21], [sflag:$0x4] =	stream.indirect.gather [hbm4b:s2+s9], $0x80, s20, s9, $0xb8;
	v63 =	vld [tilespmem:$0x0]  }
0x1b: {  	s22 =	simm.s32 $0x200;
	s23 =	simm.s32 $0xB000  }
0x1c: {  	[tilespmem:s23], [sflag:$0x5] =	stream.indirect.gather [hbm4b:s2+s9], $0x80, s22, s9, $0xb8;
	v63 =	vld [tilespmem:$0x0]  }
0x1d: {  	s18 =	simm.s32 $0x280;
	s19 =	simm.s32 $0xCC00  }
0x1e: {  	[tilespmem:s19], [sflag:$0x6] =	stream.indirect.gather [hbm4b:s2+s9], $0x80, s18, s9, $0xb8;
	v63 =	vld [tilespmem:$0x0]  }
0x1f: {  	s20 =	simm.s32 $0x300;
	s21 =	simm.s32 $0xE800  }
0x20: {  	[tilespmem:s21], [sflag:$0x7] =	stream.indirect.gather [hbm4b:s2+s9], $0x80, s20, s9, $0xb8;
	v63 =	vld [tilespmem:$0x0]  }
0x21: {  	s22 =	simm.s32 $0x380;
	s23 =	simm.s32 $0x10400;
	s19 =	simm.s32 $0x0  }
0x22: {  	[tilespmem:s23], [sflag:$0x8] =	stream.indirect.gather [hbm4b:s2+s9], $0x80, s22, s9, $0xb8;
	v63 =	vld [tilespmem:$0x0]  }
.LBB2_2:
0x23: {  	_ =	swait.ge [sflag:s25], $0x1900  }
0x24: {  	p0 =	seq.s32 s19, $0x0;
	[sflag:s25] =	ssyncset.done $0x0  }
0x25: {  	s8 =	simm.s32 @!p0 $0x9;
	[sflag:s25] =	ssyncadd.s32 $0xFFFFE700  }
0x26: {  	_ =	swait.ge @!p0 [sflag:s8], $0x1900  }
0x27: {  	[sflag:s8] =	ssyncset.done @!p0 $0x0  }
0x28: {  	s21 =	simm.s32 $0x0;
	[sflag:s8] =	ssyncadd.s32 @!p0 $0xFFFFE700  }
0x29: {  	v0 =	vld [tilespmem:s21+$0x4070]  }
0x2a: {  	v2 =	vld [tilespmem:s21+$0x4000]  }
0x2b: {  	v3 =	vld [tilespmem:s21+$0x4010]  }
0x2c: {  	v11 =	vld [tilespmem:s21+$0x4020]  }
0x2d: {  	v9 =	vld [tilespmem:s21+$0x4030]  }
0x2e: {  	v1 =	vimm.f32 $0.0e+00;
	v6 =	vimm.f32 $0.0e+00;
	v7 =	vld [tilespmem:s21+$0x4040]  }
0x2f: {  	v10 =	vimm.f32 $0.0e+00;
	v4 =	vimm.f32 $0.0e+00;
	v8 =	vld [tilespmem:s21+$0x4050];
	v0 =	vadd.f32 v0, v1  }
0x30: {  	s18 =	simm.s32 $0x80;
	s20 =	simm.s32 $0x400;
	s8 =	sshll.u32 s19, $0x3;
	v12 =	vld [tilespmem:s21+$0x4060];
	v5 =	vadd.f32 v2, v1;
	v3 =	vadd.f32 v3, v1;
	v2 =	vimm.f32 $0.0e+00  }
.LBB2_3:
0x31: {  	p1 =	sne.s32 s20, $0x6200;
	v13 =	vld [tilespmem:s18+$0x4070];
	v1 =	vadd.f32 v11, v1  }
0x32: {  	v14 =	vld [tilespmem:s18+$0x4000];
	v6 =	vadd.f32 v9, v6  }
0x33: {  	v15 =	vld [tilespmem:s18+$0x4010];
	v10 =	vadd.f32 v7, v10  }
.Ltmp0:
0x34: {  	v11 =	vld [tilespmem:s18+$0x4020];
	v4 =	vadd.f32 v8, v4;
	(pc) =	sbr.rel @p1 .LBB2_3-.Ltmp0, $4  }
0x35: {  	v9 =	vld [tilespmem:s18+$0x4030];
	v2 =	vadd.f32 v12, v2  }
0x36: {  	v7 =	vld [tilespmem:s18+$0x4040];
	v0 =	vadd.f32 v13, v0  }
0x37: {  	v5 =	vadd.f32 v14, v5;
	v8 =	vld [tilespmem:s18+$0x4050]  }
0x38: {  	v3 =	vadd.f32 v15, v3;
	v12 =	vld [tilespmem:s18+$0x4060];
	s18 =	sshra.s32 s20, $0x2;
	s20 =	sadd.s32 $0x200, s20  }
0x39: {  	v13 =	vld [tilespmem:s18+$0x4000]  }
0x3a: {  	v14 =	vld [tilespmem:s18+$0x4010]  }
0x3b: {  	v15 =	vld [tilespmem:s18+$0x4020]  }
0x3c: {  	v16 =	vld [tilespmem:s18+$0x4030]  }
0x3d: {  	v17 =	vld [tilespmem:s18+$0x4040]  }
0x3e: {  	v1 =	vadd.f32 v11, v1;
	v11 =	vld [tilespmem:s18+$0x4050];
	v5 =	vadd.f32 v13, v5  }
0x3f: {  	v6 =	vadd.f32 v9, v6;
	v9 =	vld [tilespmem:s18+$0x4060];
	v3 =	vadd.f32 v14, v3  }
0x40: {  	v7 =	vadd.f32 v7, v10;
	v10 =	vld [tilespmem:s18+$0x4070];
	v1 =	vadd.f32 v15, v1;
	(erf) = vrcp.f32 v5  }
0x41: {  	v4 =	vadd.f32 v8, v4;
	v5 =	vadd.f32 v16, v6;
	(erf) = vrcp.f32 v3  }
0x42: {  	v2 =	vadd.f32 v12, v2;
	v3 =	vadd.f32 v17, v7;
	(erf) = vrcp.f32 v1  }
0x43: {  	v1 =	vadd.f32 v11, v4;
	(erf) = vrcp.f32 v5  }
0x44: {  	v2 =	vadd.f32 v9, v2;
	(erf) = vrcp.f32 v3  }
0x45: {  	v0 =	vadd.f32 v10, v0;
	(erf) = vrcp.f32 v1  }
0x46: {  	(erf) = vrcp.f32 v2  }
0x47: {  	(erf) = vrcp.f32 v0;
	_ =	sdelay $0x1  }
0x48: {  	v6 =	vpop (erf)  }
0x49: {  	v5 =	vpop (erf)  }
0x4a: {  	s18 =	simm.s32 $0x0;
	v1 =	vpop (erf)  }
0x4b: {  	v9 =	vld [tilespmem:s18+$0x4070];
	v2 =	vpop (erf)  }
0x4c: {  	v13 =	vld [tilespmem:s18+$0x4000];
	v3 =	vpop (erf)  }
0x4d: {  	v14 =	vld [tilespmem:s18+$0x4010];
	v4 =	vpop (erf)  }
0x4e: {  	v12 =	vld [tilespmem:s18+$0x4020];
	v0 =	vpop (erf)  }
0x4f: {  	v10 =	vld [tilespmem:s18+$0x4030];
	v7 =	vpop (erf)  }
0x50: {  	v8 =	vld [tilespmem:s18+$0x4040];
	v15 =	vmul.f32 v9, v7  }
0x51: {  	v13 =	vmul.f32 v13, v6;
	v9 =	vld [tilespmem:s18+$0x4050]  }
0x52: {  	s20 =	simm.s32 $0x80;
	s21 =	simm.s32 $0x400;
	v11 =	vld [tilespmem:s18+$0x4060];
	v14 =	vmul.f32 v14, v5;
	[tilespmem:s18+$0x12070] =	vst v15  }
.LBB2_5:
0x53: {  	p1 =	sne.s32 s21, $0x6200;
	v15 =	vld [tilespmem:s20+$0x4070];
	[tilespmem:s18+$0x12000] =	vst v13;
	v12 =	vmul.f32 v12, v1  }
0x54: {  	v13 =	vld [tilespmem:s20+$0x4000];
	[tilespmem:s18+$0x12010] =	vst v14;
	v10 =	vmul.f32 v10, v2  }
0x55: {  	v14 =	vld [tilespmem:s20+$0x4010];
	[tilespmem:s18+$0x12020] =	vst v12;
	v8 =	vmul.f32 v8, v3  }
.Ltmp1:
0x56: {  	v12 =	vld [tilespmem:s20+$0x4020];
	[tilespmem:s18+$0x12030] =	vst v10;
	v9 =	vmul.f32 v9, v4;
	(pc) =	sbr.rel @p1 .LBB2_5-.Ltmp1, $4  }
0x57: {  	v10 =	vld [tilespmem:s20+$0x4030];
	[tilespmem:s18+$0x12040] =	vst v8;
	v11 =	vmul.f32 v11, v0  }
0x58: {  	v8 =	vld [tilespmem:s20+$0x4040];
	v15 =	vmul.f32 v15, v7;
	[tilespmem:s18+$0x12050] =	vst v9  }
0x59: {  	v13 =	vmul.f32 v13, v6;
	v9 =	vld [tilespmem:s20+$0x4050];
	[tilespmem:s18+$0x12060] =	vst v11;
	s18 =	smov.u32 s20  }
0x5a: {  	s20 =	sshra.s32 s21, $0x2;
	s21 =	sadd.s32 $0x200, s21;
	v14 =	vmul.f32 v14, v5;
	v11 =	vld [tilespmem:s18+$0x4060];
	[tilespmem:s18+$0x12070] =	vst v15  }
0x5b: {  	v15 =	vld [tilespmem:s20+$0x4070];
	[tilespmem:s18+$0x12000] =	vst v13;
	v12 =	vmul.f32 v12, v1  }
0x5c: {  	v13 =	vld [tilespmem:s20+$0x4000];
	[tilespmem:s18+$0x12010] =	vst v14;
	v10 =	vmul.f32 v10, v2  }
0x5d: {  	v14 =	vld [tilespmem:s20+$0x4010];
	[tilespmem:s18+$0x12020] =	vst v12;
	v8 =	vmul.f32 v8, v3  }
0x5e: {  	v12 =	vld [tilespmem:s20+$0x4020];
	[tilespmem:s18+$0x12030] =	vst v10;
	v9 =	vmul.f32 v9, v4  }
0x5f: {  	v10 =	vld [tilespmem:s20+$0x4030];
	[tilespmem:s18+$0x12040] =	vst v8;
	v11 =	vmul.f32 v11, v0  }
0x60: {  	v8 =	vld [tilespmem:s20+$0x4040];
	[tilespmem:s18+$0x12050] =	vst v9;
	v7 =	vmul.f32 v15, v7  }
0x61: {  	v9 =	vld [tilespmem:s20+$0x4050];
	[tilespmem:s18+$0x12060] =	vst v11;
	v6 =	vmul.f32 v13, v6  }
0x62: {  	v11 =	vld [tilespmem:s20+$0x4060];
	v5 =	vmul.f32 v14, v5;
	[tilespmem:s20+$0x12070] =	vst v7  }
0x63: {  	[tilespmem:s20+$0x12000] =	vst v6;
	v1 =	vmul.f32 v12, v1  }
0x64: {  	[tilespmem:s20+$0x12010] =	vst v5;
	v2 =	vmul.f32 v10, v2  }
0x65: {  	[tilespmem:s20+$0x12020] =	vst v1;
	v1 =	vmul.f32 v8, v3  }
0x66: {  	s23 =	sadd.s32 s4, s8;
	[tilespmem:s20+$0x12030] =	vst v2;
	v2 =	vmul.f32 v9, v4  }
0x67: {  	s18 =	smul.u32 $0x380, s23;
	[tilespmem:s20+$0x12040] =	vst v1;
	v0 =	vmul.f32 v11, v0  }
0x68: {  	[tilespmem:s20+$0x12050] =	vst v2  }
0x69: {  	p1 =	seq.s32 s19, $0xF;
	s18 =	sadd.s32 s5, s18;
	[tilespmem:s20+$0x12060] =	vst v0  }
0x6a: {  	[hbm4b:s18+s3] =	stream.linear.scatter [tilespmem:s26], [sflag:$0x9], $0x1900, $0x38;
	v63 =	vld [tilespmem:$0x0]  }
0x6b: {  	s18 =	sshll.u32 @!p1 s19, $0xA  }
0x6c: {  	s18 =	sand.u32 @!p1 $0x3FFFFC00, s18  }
0x6d: {  	s21 =	simm.s32 @!p1 $0x32;
	s22 =	simm.s32 @!p1 $0x4000;
	s20 =	sadd.s32 @!p1 $0x400, s18  }
0x6e: {  	[tilespmem:s22], [sflag:$0x1] =	stream.indirect.gather @!p1 [hbm4b:s2+s21], $0x80, s20, s21, $0xb8;
	v63 =	vld [tilespmem:$0x0]  }
0x6f: {  	_ =	swait.ge [sflag:s28], $0x1900  }
0x70: {  	[sflag:s28] =	ssyncset.done $0x0  }
0x71: {  	s20 =	simm.s32 @!p0 $0xA;
	[sflag:s28] =	ssyncadd.s32 $0xFFFFE700  }
0x72: {  	_ =	swait.ge @!p0 [sflag:s20], $0x1900  }
0x73: {  	[sflag:s20] =	ssyncset.done @!p0 $0x0  }
0x74: {  	s23 =	simm.s32 $0x0;
	[sflag:s20] =	ssyncadd.s32 @!p0 $0xFFFFE700  }
0x75: {  	v0 =	vld [tilespmem:s23+$0x5C70]  }
0x76: {  	v2 =	vld [tilespmem:s23+$0x5C00]  }
0x77: {  	v3 =	vld [tilespmem:s23+$0x5C10]  }
0x78: {  	v10 =	vld [tilespmem:s23+$0x5C20]  }
0x79: {  	v9 =	vld [tilespmem:s23+$0x5C30]  }
0x7a: {  	v7 =	vimm.f32 $0.0e+00;
	v1 =	vimm.f32 $0.0e+00;
	v4 =	vld [tilespmem:s23+$0x5C40]  }
0x7b: {  	v5 =	vimm.f32 $0.0e+00;
	v11 =	vimm.f32 $0.0e+00;
	s19 =	sadd.s32 $0x1, s19;
	v8 =	vld [tilespmem:s23+$0x5C50];
	v0 =	vadd.f32 v0, v1  }
0x7c: {  	s21 =	simm.s32 $0x80;
	s22 =	simm.s32 $0x400;
	s20 =	sor.u32 $0x1, s8;
	v12 =	vld [tilespmem:s23+$0x5C60];
	v6 =	vadd.f32 v2, v1;
	v3 =	vadd.f32 v3, v1;
	v2 =	vimm.f32 $0.0e+00  }
.LBB2_7:
0x7d: {  	p2 =	sne.s32 s22, $0x6200;
	v13 =	vld [tilespmem:s21+$0x5C70];
	v1 =	vadd.f32 v10, v1  }
0x7e: {  	v14 =	vld [tilespmem:s21+$0x5C00];
	v7 =	vadd.f32 v9, v7  }
0x7f: {  	v15 =	vld [tilespmem:s21+$0x5C10];
	v11 =	vadd.f32 v4, v11  }
.Ltmp2:
0x80: {  	v10 =	vld [tilespmem:s21+$0x5C20];
	v5 =	vadd.f32 v8, v5;
	(pc) =	sbr.rel @p2 .LBB2_7-.Ltmp2, $4  }
0x81: {  	v9 =	vld [tilespmem:s21+$0x5C30];
	v2 =	vadd.f32 v12, v2  }
0x82: {  	v4 =	vld [tilespmem:s21+$0x5C40];
	v0 =	vadd.f32 v13, v0  }
0x83: {  	v6 =	vadd.f32 v14, v6;
	v8 =	vld [tilespmem:s21+$0x5C50]  }
0x84: {  	v3 =	vadd.f32 v15, v3;
	v12 =	vld [tilespmem:s21+$0x5C60];
	s21 =	sshra.s32 s22, $0x2;
	s22 =	sadd.s32 $0x200, s22  }
0x85: {  	v13 =	vld [tilespmem:s21+$0x5C00]  }
0x86: {  	v14 =	vld [tilespmem:s21+$0x5C10]  }
0x87: {  	v15 =	vld [tilespmem:s21+$0x5C20]  }
0x88: {  	v16 =	vld [tilespmem:s21+$0x5C30]  }
0x89: {  	v17 =	vld [tilespmem:s21+$0x5C40]  }
0x8a: {  	v1 =	vadd.f32 v10, v1;
	v10 =	vld [tilespmem:s21+$0x5C50];
	v6 =	vadd.f32 v13, v6  }
0x8b: {  	v7 =	vadd.f32 v9, v7;
	v9 =	vld [tilespmem:s21+$0x5C60];
	v3 =	vadd.f32 v14, v3  }
0x8c: {  	v4 =	vadd.f32 v4, v11;
	v11 =	vld [tilespmem:s21+$0x5C70];
	v1 =	vadd.f32 v15, v1;
	(erf) = vrcp.f32 v6  }
0x8d: {  	v5 =	vadd.f32 v8, v5;
	v6 =	vadd.f32 v16, v7;
	(erf) = vrcp.f32 v3  }
0x8e: {  	v2 =	vadd.f32 v12, v2;
	v3 =	vadd.f32 v17, v4;
	(erf) = vrcp.f32 v1  }
0x8f: {  	v1 =	vadd.f32 v10, v5;
	(erf) = vrcp.f32 v6  }
0x90: {  	v2 =	vadd.f32 v9, v2;
	(erf) = vrcp.f32 v3  }
0x91: {  	v0 =	vadd.f32 v11, v0;
	(erf) = vrcp.f32 v1  }
0x92: {  	(erf) = vrcp.f32 v2  }
0x93: {  	(erf) = vrcp.f32 v0;
	_ =	sdelay $0x1  }
0x94: {  	v6 =	vpop (erf)  }
0x95: {  	v5 =	vpop (erf)  }
0x96: {  	s21 =	simm.s32 $0x0;
	v1 =	vpop (erf)  }
0x97: {  	v9 =	vld [tilespmem:s21+$0x5C70];
	v2 =	vpop (erf)  }
0x98: {  	v13 =	vld [tilespmem:s21+$0x5C00];
	v3 =	vpop (erf)  }
0x99: {  	v14 =	vld [tilespmem:s21+$0x5C10];
	v4 =	vpop (erf)  }
0x9a: {  	v12 =	vld [tilespmem:s21+$0x5C20];
	v0 =	vpop (erf)  }
0x9b: {  	v10 =	vld [tilespmem:s21+$0x5C30];
	v7 =	vpop (erf)  }
0x9c: {  	v8 =	vld [tilespmem:s21+$0x5C40];
	v15 =	vmul.f32 v9, v7  }
0x9d: {  	v13 =	vmul.f32 v13, v6;
	v9 =	vld [tilespmem:s21+$0x5C50]  }
0x9e: {  	s22 =	simm.s32 $0x80;
	s23 =	simm.s32 $0x400;
	v11 =	vld [tilespmem:s21+$0x5C60];
	v14 =	vmul.f32 v14, v5;
	[tilespmem:s21+$0x13C70] =	vst v15  }
.LBB2_9:
0x9f: {  	p2 =	sne.s32 s23, $0x6200;
	v15 =	vld [tilespmem:s22+$0x5C70];
	[tilespmem:s21+$0x13C00] =	vst v13;
	v12 =	vmul.f32 v12, v1  }
0xa0: {  	v13 =	vld [tilespmem:s22+$0x5C00];
	[tilespmem:s21+$0x13C10] =	vst v14;
	v10 =	vmul.f32 v10, v2  }
0xa1: {  	v14 =	vld [tilespmem:s22+$0x5C10];
	[tilespmem:s21+$0x13C20] =	vst v12;
	v8 =	vmul.f32 v8, v3  }
.Ltmp3:
0xa2: {  	v12 =	vld [tilespmem:s22+$0x5C20];
	[tilespmem:s21+$0x13C30] =	vst v10;
	v9 =	vmul.f32 v9, v4;
	(pc) =	sbr.rel @p2 .LBB2_9-.Ltmp3, $4  }
0xa3: {  	v10 =	vld [tilespmem:s22+$0x5C30];
	[tilespmem:s21+$0x13C40] =	vst v8;
	v11 =	vmul.f32 v11, v0  }
0xa4: {  	v8 =	vld [tilespmem:s22+$0x5C40];
	v15 =	vmul.f32 v15, v7;
	[tilespmem:s21+$0x13C50] =	vst v9  }
0xa5: {  	v13 =	vmul.f32 v13, v6;
	v9 =	vld [tilespmem:s22+$0x5C50];
	[tilespmem:s21+$0x13C60] =	vst v11;
	s21 =	smov.u32 s22  }
0xa6: {  	s22 =	sshra.s32 s23, $0x2;
	s23 =	sadd.s32 $0x200, s23;
	v14 =	vmul.f32 v14, v5;
	v11 =	vld [tilespmem:s21+$0x5C60];
	[tilespmem:s21+$0x13C70] =	vst v15  }
0xa7: {  	v15 =	vld [tilespmem:s22+$0x5C70];
	[tilespmem:s21+$0x13C00] =	vst v13;
	v12 =	vmul.f32 v12, v1  }
0xa8: {  	v13 =	vld [tilespmem:s22+$0x5C00];
	[tilespmem:s21+$0x13C10] =	vst v14;
	v10 =	vmul.f32 v10, v2  }
0xa9: {  	v14 =	vld [tilespmem:s22+$0x5C10];
	[tilespmem:s21+$0x13C20] =	vst v12;
	v8 =	vmul.f32 v8, v3  }
0xaa: {  	v12 =	vld [tilespmem:s22+$0x5C20];
	[tilespmem:s21+$0x13C30] =	vst v10;
	v9 =	vmul.f32 v9, v4  }
0xab: {  	v10 =	vld [tilespmem:s22+$0x5C30];
	[tilespmem:s21+$0x13C40] =	vst v8;
	v11 =	vmul.f32 v11, v0  }
0xac: {  	v8 =	vld [tilespmem:s22+$0x5C40];
	[tilespmem:s21+$0x13C50] =	vst v9;
	v7 =	vmul.f32 v15, v7  }
0xad: {  	v9 =	vld [tilespmem:s22+$0x5C50];
	[tilespmem:s21+$0x13C60] =	vst v11;
	v6 =	vmul.f32 v13, v6  }
0xae: {  	v11 =	vld [tilespmem:s22+$0x5C60];
	v5 =	vmul.f32 v14, v5;
	[tilespmem:s22+$0x13C70] =	vst v7  }
0xaf: {  	[tilespmem:s22+$0x13C00] =	vst v6;
	v1 =	vmul.f32 v12, v1  }
0xb0: {  	[tilespmem:s22+$0x13C10] =	vst v5;
	v2 =	vmul.f32 v10, v2  }
0xb1: {  	[tilespmem:s22+$0x13C20] =	vst v1;
	v1 =	vmul.f32 v8, v3  }
0xb2: {  	s20 =	sadd.s32 s4, s20;
	[tilespmem:s22+$0x13C30] =	vst v2;
	v2 =	vmul.f32 v9, v4  }
0xb3: {  	s20 =	smul.u32 $0x380, s20;
	[tilespmem:s22+$0x13C40] =	vst v1;
	v0 =	vmul.f32 v11, v0  }
0xb4: {  	[tilespmem:s22+$0x13C50] =	vst v2  }
0xb5: {  	s20 =	sadd.s32 s5, s20;
	[tilespmem:s22+$0x13C60] =	vst v0  }
0xb6: {  	[hbm4b:s20+s3] =	stream.linear.scatter [tilespmem:s29], [sflag:$0xA], $0x1900, $0x38;
	v63 =	vld [tilespmem:$0x0]  }
0xb7: {  	s21 =	simm.s32 @!p1 $0x32;
	s22 =	simm.s32 @!p1 $0x5C00;
	s20 =	sadd.s32 @!p1 $0x480, s18  }
0xb8: {  	[tilespmem:s22], [sflag:$0x2] =	stream.indirect.gather @!p1 [hbm4b:s2+s21], $0x80, s20, s21, $0xb8;
	v63 =	vld [tilespmem:$0x0]  }
0xb9: {  	_ =	swait.ge [sflag:s30], $0x1900  }
0xba: {  	[sflag:s30] =	ssyncset.done $0x0  }
0xbb: {  	s20 =	simm.s32 @!p0 $0xB;
	[sflag:s30] =	ssyncadd.s32 $0xFFFFE700  }
0xbc: {  	_ =	swait.ge @!p0 [sflag:s20], $0x1900  }
0xbd: {  	[sflag:s20] =	ssyncset.done @!p0 $0x0  }
0xbe: {  	s23 =	simm.s32 $0x0;
	[sflag:s20] =	ssyncadd.s32 @!p0 $0xFFFFE700  }
0xbf: {  	v0 =	vld [tilespmem:s23+$0x7870]  }
0xc0: {  	v2 =	vld [tilespmem:s23+$0x7800]  }
0xc1: {  	v3 =	vld [tilespmem:s23+$0x7810]  }
0xc2: {  	v11 =	vld [tilespmem:s23+$0x7820]  }
0xc3: {  	v9 =	vld [tilespmem:s23+$0x7830]  }
0xc4: {  	v6 =	vimm.f32 $0.0e+00;
	v1 =	vimm.f32 $0.0e+00;
	v7 =	vld [tilespmem:s23+$0x7840]  }
0xc5: {  	v10 =	vimm.f32 $0.0e+00;
	v4 =	vimm.f32 $0.0e+00;
	v8 =	vld [tilespmem:s23+$0x7850];
	v0 =	vadd.f32 v0, v1  }
0xc6: {  	s21 =	simm.s32 $0x80;
	s22 =	simm.s32 $0x400;
	s20 =	sor.u32 $0x2, s8;
	v12 =	vld [tilespmem:s23+$0x7860];
	v5 =	vadd.f32 v2, v1;
	v3 =	vadd.f32 v3, v1;
	v2 =	vimm.f32 $0.0e+00  }
.LBB2_11:
0xc7: {  	p2 =	sne.s32 s22, $0x6200;
	v13 =	vld [tilespmem:s21+$0x7870];
	v1 =	vadd.f32 v11, v1  }
0xc8: {  	v14 =	vld [tilespmem:s21+$0x7800];
	v6 =	vadd.f32 v9, v6  }
0xc9: {  	v15 =	vld [tilespmem:s21+$0x7810];
	v10 =	vadd.f32 v7, v10  }
.Ltmp4:
0xca: {  	v11 =	vld [tilespmem:s21+$0x7820];
	v4 =	vadd.f32 v8, v4;
	(pc) =	sbr.rel @p2 .LBB2_11-.Ltmp4, $4  }
0xcb: {  	v9 =	vld [tilespmem:s21+$0x7830];
	v2 =	vadd.f32 v12, v2  }
0xcc: {  	v7 =	vld [tilespmem:s21+$0x7840];
	v0 =	vadd.f32 v13, v0  }
0xcd: {  	v5 =	vadd.f32 v14, v5;
	v8 =	vld [tilespmem:s21+$0x7850]  }
0xce: {  	v3 =	vadd.f32 v15, v3;
	v12 =	vld [tilespmem:s21+$0x7860];
	s21 =	sshra.s32 s22, $0x2;
	s22 =	sadd.s32 $0x200, s22  }
0xcf: {  	v13 =	vld [tilespmem:s21+$0x7800]  }
0xd0: {  	v14 =	vld [tilespmem:s21+$0x7810]  }
0xd1: {  	v15 =	vld [tilespmem:s21+$0x7820]  }
0xd2: {  	v16 =	vld [tilespmem:s21+$0x7830]  }
0xd3: {  	v17 =	vld [tilespmem:s21+$0x7840]  }
0xd4: {  	v1 =	vadd.f32 v11, v1;
	v11 =	vld [tilespmem:s21+$0x7850];
	v5 =	vadd.f32 v13, v5  }
0xd5: {  	v6 =	vadd.f32 v9, v6;
	v9 =	vld [tilespmem:s21+$0x7860];
	v3 =	vadd.f32 v14, v3  }
0xd6: {  	v7 =	vadd.f32 v7, v10;
	v10 =	vld [tilespmem:s21+$0x7870];
	v1 =	vadd.f32 v15, v1;
	(erf) = vrcp.f32 v5  }
0xd7: {  	v4 =	vadd.f32 v8, v4;
	v5 =	vadd.f32 v16, v6;
	(erf) = vrcp.f32 v3  }
0xd8: {  	v2 =	vadd.f32 v12, v2;
	v3 =	vadd.f32 v17, v7;
	(erf) = vrcp.f32 v1  }
0xd9: {  	v1 =	vadd.f32 v11, v4;
	(erf) = vrcp.f32 v5  }
0xda: {  	v2 =	vadd.f32 v9, v2;
	(erf) = vrcp.f32 v3  }
0xdb: {  	v0 =	vadd.f32 v10, v0;
	(erf) = vrcp.f32 v1  }
0xdc: {  	(erf) = vrcp.f32 v2  }
0xdd: {  	(erf) = vrcp.f32 v0;
	_ =	sdelay $0x1  }
0xde: {  	v6 =	vpop (erf)  }
0xdf: {  	v5 =	vpop (erf)  }
0xe0: {  	s21 =	simm.s32 $0x0;
	v1 =	vpop (erf)  }
0xe1: {  	v9 =	vld [tilespmem:s21+$0x7870];
	v2 =	vpop (erf)  }
0xe2: {  	v13 =	vld [tilespmem:s21+$0x7800];
	v3 =	vpop (erf)  }
0xe3: {  	v14 =	vld [tilespmem:s21+$0x7810];
	v4 =	vpop (erf)  }
0xe4: {  	v12 =	vld [tilespmem:s21+$0x7820];
	v0 =	vpop (erf)  }
0xe5: {  	v10 =	vld [tilespmem:s21+$0x7830];
	v7 =	vpop (erf)  }
0xe6: {  	v8 =	vld [tilespmem:s21+$0x7840];
	v15 =	vmul.f32 v9, v7  }
0xe7: {  	v13 =	vmul.f32 v13, v6;
	v9 =	vld [tilespmem:s21+$0x7850]  }
0xe8: {  	s22 =	simm.s32 $0x80;
	s23 =	simm.s32 $0x400;
	v11 =	vld [tilespmem:s21+$0x7860];
	v14 =	vmul.f32 v14, v5;
	[tilespmem:s21+$0x15870] =	vst v15  }
.LBB2_13:
0xe9: {  	p2 =	sne.s32 s23, $0x6200;
	v15 =	vld [tilespmem:s22+$0x7870];
	[tilespmem:s21+$0x15800] =	vst v13;
	v12 =	vmul.f32 v12, v1  }
0xea: {  	v13 =	vld [tilespmem:s22+$0x7800];
	[tilespmem:s21+$0x15810] =	vst v14;
	v10 =	vmul.f32 v10, v2  }
0xeb: {  	v14 =	vld [tilespmem:s22+$0x7810];
	[tilespmem:s21+$0x15820] =	vst v12;
	v8 =	vmul.f32 v8, v3  }
.Ltmp5:
0xec: {  	v12 =	vld [tilespmem:s22+$0x7820];
	[tilespmem:s21+$0x15830] =	vst v10;
	v9 =	vmul.f32 v9, v4;
	(pc) =	sbr.rel @p2 .LBB2_13-.Ltmp5, $4  }
0xed: {  	v10 =	vld [tilespmem:s22+$0x7830];
	[tilespmem:s21+$0x15840] =	vst v8;
	v11 =	vmul.f32 v11, v0  }
0xee: {  	v8 =	vld [tilespmem:s22+$0x7840];
	v15 =	vmul.f32 v15, v7;
	[tilespmem:s21+$0x15850] =	vst v9  }
0xef: {  	v13 =	vmul.f32 v13, v6;
	v9 =	vld [tilespmem:s22+$0x7850];
	[tilespmem:s21+$0x15860] =	vst v11;
	s21 =	smov.u32 s22  }
0xf0: {  	s22 =	sshra.s32 s23, $0x2;
	s23 =	sadd.s32 $0x200, s23;
	v14 =	vmul.f32 v14, v5;
	v11 =	vld [tilespmem:s21+$0x7860];
	[tilespmem:s21+$0x15870] =	vst v15  }
0xf1: {  	v15 =	vld [tilespmem:s22+$0x7870];
	[tilespmem:s21+$0x15800] =	vst v13;
	v12 =	vmul.f32 v12, v1  }
0xf2: {  	v13 =	vld [tilespmem:s22+$0x7800];
	[tilespmem:s21+$0x15810] =	vst v14;
	v10 =	vmul.f32 v10, v2  }
0xf3: {  	v14 =	vld [tilespmem:s22+$0x7810];
	[tilespmem:s21+$0x15820] =	vst v12;
	v8 =	vmul.f32 v8, v3  }
0xf4: {  	v12 =	vld [tilespmem:s22+$0x7820];
	[tilespmem:s21+$0x15830] =	vst v10;
	v9 =	vmul.f32 v9, v4  }
0xf5: {  	v10 =	vld [tilespmem:s22+$0x7830];
	[tilespmem:s21+$0x15840] =	vst v8;
	v11 =	vmul.f32 v11, v0  }
0xf6: {  	v8 =	vld [tilespmem:s22+$0x7840];
	[tilespmem:s21+$0x15850] =	vst v9;
	v7 =	vmul.f32 v15, v7  }
0xf7: {  	v9 =	vld [tilespmem:s22+$0x7850];
	[tilespmem:s21+$0x15860] =	vst v11;
	v6 =	vmul.f32 v13, v6  }
0xf8: {  	v11 =	vld [tilespmem:s22+$0x7860];
	v5 =	vmul.f32 v14, v5;
	[tilespmem:s22+$0x15870] =	vst v7  }
0xf9: {  	[tilespmem:s22+$0x15800] =	vst v6;
	v1 =	vmul.f32 v12, v1  }
0xfa: {  	[tilespmem:s22+$0x15810] =	vst v5;
	v2 =	vmul.f32 v10, v2  }
0xfb: {  	[tilespmem:s22+$0x15820] =	vst v1;
	v1 =	vmul.f32 v8, v3  }
0xfc: {  	s20 =	sadd.s32 s4, s20;
	[tilespmem:s22+$0x15830] =	vst v2;
	v2 =	vmul.f32 v9, v4  }
0xfd: {  	s20 =	smul.u32 $0x380, s20;
	[tilespmem:s22+$0x15840] =	vst v1;
	v0 =	vmul.f32 v11, v0  }
0xfe: {  	[tilespmem:s22+$0x15850] =	vst v2  }
0xff: {  	s20 =	sadd.s32 s5, s20;
	[tilespmem:s22+$0x15860] =	vst v0  }
0x100: {  	[hbm4b:s20+s3] =	stream.linear.scatter [tilespmem:s31], [sflag:$0xB], $0x1900, $0x38;
	v63 =	vld [tilespmem:$0x0]  }
0x101: {  	s21 =	simm.s32 @!p1 $0x32;
	s22 =	simm.s32 @!p1 $0x7800;
	s20 =	sadd.s32 @!p1 $0x500, s18  }
0x102: {  	[tilespmem:s22], [sflag:$0x3] =	stream.indirect.gather @!p1 [hbm4b:s2+s21], $0x80, s20, s21, $0xb8;
	v63 =	vld [tilespmem:$0x0]  }
0x103: {  	_ =	swait.ge [sflag:s0], $0x1900  }
0x104: {  	[sflag:s0] =	ssyncset.done $0x0  }
0x105: {  	s20 =	simm.s32 @!p0 $0xC;
	[sflag:s0] =	ssyncadd.s32 $0xFFFFE700  }
0x106: {  	_ =	swait.ge @!p0 [sflag:s20], $0x1900  }
0x107: {  	[sflag:s20] =	ssyncset.done @!p0 $0x0  }
0x108: {  	s23 =	simm.s32 $0x0;
	[sflag:s20] =	ssyncadd.s32 @!p0 $0xFFFFE700  }
0x109: {  	v0 =	vld [tilespmem:s23+$0x9470]  }
0x10a: {  	v2 =	vld [tilespmem:s23+$0x9400]  }
0x10b: {  	v3 =	vld [tilespmem:s23+$0x9410]  }
0x10c: {  	v11 =	vld [tilespmem:s23+$0x9420]  }
0x10d: {  	v9 =	vld [tilespmem:s23+$0x9430]  }
0x10e: {  	v6 =	vimm.f32 $0.0e+00;
	v1 =	vimm.f32 $0.0e+00;
	v7 =	vld [tilespmem:s23+$0x9440]  }
0x10f: {  	v10 =	vimm.f32 $0.0e+00;
	v4 =	vimm.f32 $0.0e+00;
	v8 =	vld [tilespmem:s23+$0x9450];
	v0 =	vadd.f32 v0, v1  }
0x110: {  	s21 =	simm.s32 $0x80;
	s22 =	simm.s32 $0x400;
	s20 =	sor.u32 $0x3, s8;
	v12 =	vld [tilespmem:s23+$0x9460];
	v5 =	vadd.f32 v2, v1;
	v3 =	vadd.f32 v3, v1;
	v2 =	vimm.f32 $0.0e+00  }
.LBB2_15:
0x111: {  	p2 =	sne.s32 s22, $0x6200;
	v13 =	vld [tilespmem:s21+$0x9470];
	v1 =	vadd.f32 v11, v1  }
0x112: {  	v14 =	vld [tilespmem:s21+$0x9400];
	v6 =	vadd.f32 v9, v6  }
0x113: {  	v15 =	vld [tilespmem:s21+$0x9410];
	v10 =	vadd.f32 v7, v10  }
.Ltmp6:
0x114: {  	v11 =	vld [tilespmem:s21+$0x9420];
	v4 =	vadd.f32 v8, v4;
	(pc) =	sbr.rel @p2 .LBB2_15-.Ltmp6, $4  }
0x115: {  	v9 =	vld [tilespmem:s21+$0x9430];
	v2 =	vadd.f32 v12, v2  }
0x116: {  	v7 =	vld [tilespmem:s21+$0x9440];
	v0 =	vadd.f32 v13, v0  }
0x117: {  	v5 =	vadd.f32 v14, v5;
	v8 =	vld [tilespmem:s21+$0x9450]  }
0x118: {  	v3 =	vadd.f32 v15, v3;
	v12 =	vld [tilespmem:s21+$0x9460];
	s21 =	sshra.s32 s22, $0x2;
	s22 =	sadd.s32 $0x200, s22  }
0x119: {  	v13 =	vld [tilespmem:s21+$0x9400]  }
0x11a: {  	v14 =	vld [tilespmem:s21+$0x9410]  }
0x11b: {  	v15 =	vld [tilespmem:s21+$0x9420]  }
0x11c: {  	v16 =	vld [tilespmem:s21+$0x9430]  }
0x11d: {  	v17 =	vld [tilespmem:s21+$0x9440]  }
0x11e: {  	v1 =	vadd.f32 v11, v1;
	v11 =	vld [tilespmem:s21+$0x9450];
	v5 =	vadd.f32 v13, v5  }
0x11f: {  	v6 =	vadd.f32 v9, v6;
	v9 =	vld [tilespmem:s21+$0x9460];
	v3 =	vadd.f32 v14, v3  }
0x120: {  	v7 =	vadd.f32 v7, v10;
	v10 =	vld [tilespmem:s21+$0x9470];
	v1 =	vadd.f32 v15, v1;
	(erf) = vrcp.f32 v5  }
0x121: {  	v4 =	vadd.f32 v8, v4;
	v5 =	vadd.f32 v16, v6;
	(erf) = vrcp.f32 v3  }
0x122: {  	v2 =	vadd.f32 v12, v2;
	v3 =	vadd.f32 v17, v7;
	(erf) = vrcp.f32 v1  }
0x123: {  	v1 =	vadd.f32 v11, v4;
	(erf) = vrcp.f32 v5  }
0x124: {  	v2 =	vadd.f32 v9, v2;
	(erf) = vrcp.f32 v3  }
0x125: {  	v0 =	vadd.f32 v10, v0;
	(erf) = vrcp.f32 v1  }
0x126: {  	(erf) = vrcp.f32 v2  }
0x127: {  	(erf) = vrcp.f32 v0;
	_ =	sdelay $0x1  }
0x128: {  	v6 =	vpop (erf)  }
0x129: {  	v5 =	vpop (erf)  }
0x12a: {  	s21 =	simm.s32 $0x0;
	v1 =	vpop (erf)  }
0x12b: {  	v9 =	vld [tilespmem:s21+$0x9470];
	v2 =	vpop (erf)  }
0x12c: {  	v13 =	vld [tilespmem:s21+$0x9400];
	v3 =	vpop (erf)  }
0x12d: {  	v14 =	vld [tilespmem:s21+$0x9410];
	v4 =	vpop (erf)  }
0x12e: {  	v12 =	vld [tilespmem:s21+$0x9420];
	v0 =	vpop (erf)  }
0x12f: {  	v10 =	vld [tilespmem:s21+$0x9430];
	v7 =	vpop (erf)  }
0x130: {  	v8 =	vld [tilespmem:s21+$0x9440];
	v15 =	vmul.f32 v9, v7  }
0x131: {  	v13 =	vmul.f32 v13, v6;
	v9 =	vld [tilespmem:s21+$0x9450]  }
0x132: {  	s22 =	simm.s32 $0x80;
	s23 =	simm.s32 $0x400;
	v11 =	vld [tilespmem:s21+$0x9460];
	v14 =	vmul.f32 v14, v5;
	[tilespmem:s21+$0x17470] =	vst v15  }
.LBB2_17:
0x133: {  	p2 =	sne.s32 s23, $0x6200;
	v15 =	vld [tilespmem:s22+$0x9470];
	[tilespmem:s21+$0x17400] =	vst v13;
	v12 =	vmul.f32 v12, v1  }
0x134: {  	v13 =	vld [tilespmem:s22+$0x9400];
	[tilespmem:s21+$0x17410] =	vst v14;
	v10 =	vmul.f32 v10, v2  }
0x135: {  	v14 =	vld [tilespmem:s22+$0x9410];
	[tilespmem:s21+$0x17420] =	vst v12;
	v8 =	vmul.f32 v8, v3  }
.Ltmp7:
0x136: {  	v12 =	vld [tilespmem:s22+$0x9420];
	[tilespmem:s21+$0x17430] =	vst v10;
	v9 =	vmul.f32 v9, v4;
	(pc) =	sbr.rel @p2 .LBB2_17-.Ltmp7, $4  }
0x137: {  	v10 =	vld [tilespmem:s22+$0x9430];
	[tilespmem:s21+$0x17440] =	vst v8;
	v11 =	vmul.f32 v11, v0  }
0x138: {  	v8 =	vld [tilespmem:s22+$0x9440];
	v15 =	vmul.f32 v15, v7;
	[tilespmem:s21+$0x17450] =	vst v9  }
0x139: {  	v13 =	vmul.f32 v13, v6;
	v9 =	vld [tilespmem:s22+$0x9450];
	[tilespmem:s21+$0x17460] =	vst v11;
	s21 =	smov.u32 s22  }
0x13a: {  	s22 =	sshra.s32 s23, $0x2;
	s23 =	sadd.s32 $0x200, s23;
	v14 =	vmul.f32 v14, v5;
	v11 =	vld [tilespmem:s21+$0x9460];
	[tilespmem:s21+$0x17470] =	vst v15  }
0x13b: {  	v15 =	vld [tilespmem:s22+$0x9470];
	[tilespmem:s21+$0x17400] =	vst v13;
	v12 =	vmul.f32 v12, v1  }
0x13c: {  	v13 =	vld [tilespmem:s22+$0x9400];
	[tilespmem:s21+$0x17410] =	vst v14;
	v10 =	vmul.f32 v10, v2  }
0x13d: {  	v14 =	vld [tilespmem:s22+$0x9410];
	[tilespmem:s21+$0x17420] =	vst v12;
	v8 =	vmul.f32 v8, v3  }
0x13e: {  	v12 =	vld [tilespmem:s22+$0x9420];
	[tilespmem:s21+$0x17430] =	vst v10;
	v9 =	vmul.f32 v9, v4  }
0x13f: {  	v10 =	vld [tilespmem:s22+$0x9430];
	[tilespmem:s21+$0x17440] =	vst v8;
	v11 =	vmul.f32 v11, v0  }
0x140: {  	v8 =	vld [tilespmem:s22+$0x9440];
	[tilespmem:s21+$0x17450] =	vst v9;
	v7 =	vmul.f32 v15, v7  }
0x141: {  	v9 =	vld [tilespmem:s22+$0x9450];
	[tilespmem:s21+$0x17460] =	vst v11;
	v6 =	vmul.f32 v13, v6  }
0x142: {  	v11 =	vld [tilespmem:s22+$0x9460];
	v5 =	vmul.f32 v14, v5;
	[tilespmem:s22+$0x17470] =	vst v7  }
0x143: {  	[tilespmem:s22+$0x17400] =	vst v6;
	v1 =	vmul.f32 v12, v1  }
0x144: {  	[tilespmem:s22+$0x17410] =	vst v5;
	v2 =	vmul.f32 v10, v2  }
0x145: {  	[tilespmem:s22+$0x17420] =	vst v1;
	v1 =	vmul.f32 v8, v3  }
0x146: {  	s20 =	sadd.s32 s4, s20;
	[tilespmem:s22+$0x17430] =	vst v2;
	v2 =	vmul.f32 v9, v4  }
0x147: {  	s20 =	smul.u32 $0x380, s20;
	[tilespmem:s22+$0x17440] =	vst v1;
	v0 =	vmul.f32 v11, v0  }
0x148: {  	[tilespmem:s22+$0x17450] =	vst v2  }
0x149: {  	s20 =	sadd.s32 s5, s20;
	[tilespmem:s22+$0x17460] =	vst v0  }
0x14a: {  	[hbm4b:s20+s3] =	stream.linear.scatter [tilespmem:s1], [sflag:$0xC], $0x1900, $0x38;
	v63 =	vld [tilespmem:$0x0]  }
0x14b: {  	s21 =	simm.s32 @!p1 $0x32;
	s22 =	simm.s32 @!p1 $0x9400;
	s20 =	sadd.s32 @!p1 $0x580, s18  }
0x14c: {  	[tilespmem:s22], [sflag:$0x4] =	stream.indirect.gather @!p1 [hbm4b:s2+s21], $0x80, s20, s21, $0xb8;
	v63 =	vld [tilespmem:$0x0]  }
0x14d: {  	_ =	swait.ge [sflag:s10], $0x1900  }
0x14e: {  	[sflag:s10] =	ssyncset.done $0x0  }
0x14f: {  	s20 =	simm.s32 @!p0 $0xD;
	[sflag:s10] =	ssyncadd.s32 $0xFFFFE700  }
0x150: {  	_ =	swait.ge @!p0 [sflag:s20], $0x1900  }
0x151: {  	[sflag:s20] =	ssyncset.done @!p0 $0x0  }
0x152: {  	s23 =	simm.s32 $0x0;
	[sflag:s20] =	ssyncadd.s32 @!p0 $0xFFFFE700  }
0x153: {  	v0 =	vld [tilespmem:s23+$0xB070]  }
0x154: {  	v2 =	vld [tilespmem:s23+$0xB000]  }
0x155: {  	v3 =	vld [tilespmem:s23+$0xB010]  }
0x156: {  	v11 =	vld [tilespmem:s23+$0xB020]  }
0x157: {  	v9 =	vld [tilespmem:s23+$0xB030]  }
0x158: {  	v6 =	vimm.f32 $0.0e+00;
	v1 =	vimm.f32 $0.0e+00;
	v7 =	vld [tilespmem:s23+$0xB040]  }
0x159: {  	v10 =	vimm.f32 $0.0e+00;
	v4 =	vimm.f32 $0.0e+00;
	v8 =	vld [tilespmem:s23+$0xB050];
	v0 =	vadd.f32 v0, v1  }
0x15a: {  	s21 =	simm.s32 $0x80;
	s22 =	simm.s32 $0x400;
	s20 =	sor.u32 $0x4, s8;
	v12 =	vld [tilespmem:s23+$0xB060];
	v5 =	vadd.f32 v2, v1;
	v3 =	vadd.f32 v3, v1;
	v2 =	vimm.f32 $0.0e+00  }
.LBB2_19:
0x15b: {  	p2 =	sne.s32 s22, $0x6200;
	v13 =	vld [tilespmem:s21+$0xB070];
	v1 =	vadd.f32 v11, v1  }
0x15c: {  	v14 =	vld [tilespmem:s21+$0xB000];
	v6 =	vadd.f32 v9, v6  }
0x15d: {  	v15 =	vld [tilespmem:s21+$0xB010];
	v10 =	vadd.f32 v7, v10  }
.Ltmp8:
0x15e: {  	v11 =	vld [tilespmem:s21+$0xB020];
	v4 =	vadd.f32 v8, v4;
	(pc) =	sbr.rel @p2 .LBB2_19-.Ltmp8, $4  }
0x15f: {  	v9 =	vld [tilespmem:s21+$0xB030];
	v2 =	vadd.f32 v12, v2  }
0x160: {  	v7 =	vld [tilespmem:s21+$0xB040];
	v0 =	vadd.f32 v13, v0  }
0x161: {  	v5 =	vadd.f32 v14, v5;
	v8 =	vld [tilespmem:s21+$0xB050]  }
0x162: {  	v3 =	vadd.f32 v15, v3;
	v12 =	vld [tilespmem:s21+$0xB060];
	s21 =	sshra.s32 s22, $0x2;
	s22 =	sadd.s32 $0x200, s22  }
0x163: {  	v13 =	vld [tilespmem:s21+$0xB000]  }
0x164: {  	v14 =	vld [tilespmem:s21+$0xB010]  }
0x165: {  	v15 =	vld [tilespmem:s21+$0xB020]  }
0x166: {  	v16 =	vld [tilespmem:s21+$0xB030]  }
0x167: {  	v17 =	vld [tilespmem:s21+$0xB040]  }
0x168: {  	v1 =	vadd.f32 v11, v1;
	v11 =	vld [tilespmem:s21+$0xB050];
	v5 =	vadd.f32 v13, v5  }
0x169: {  	v6 =	vadd.f32 v9, v6;
	v9 =	vld [tilespmem:s21+$0xB060];
	v3 =	vadd.f32 v14, v3  }
0x16a: {  	v7 =	vadd.f32 v7, v10;
	v10 =	vld [tilespmem:s21+$0xB070];
	v1 =	vadd.f32 v15, v1;
	(erf) = vrcp.f32 v5  }
0x16b: {  	v4 =	vadd.f32 v8, v4;
	v5 =	vadd.f32 v16, v6;
	(erf) = vrcp.f32 v3  }
0x16c: {  	v2 =	vadd.f32 v12, v2;
	v3 =	vadd.f32 v17, v7;
	(erf) = vrcp.f32 v1  }
0x16d: {  	v1 =	vadd.f32 v11, v4;
	(erf) = vrcp.f32 v5  }
0x16e: {  	v2 =	vadd.f32 v9, v2;
	(erf) = vrcp.f32 v3  }
0x16f: {  	v0 =	vadd.f32 v10, v0;
	(erf) = vrcp.f32 v1  }
0x170: {  	(erf) = vrcp.f32 v2  }
0x171: {  	(erf) = vrcp.f32 v0;
	_ =	sdelay $0x1  }
0x172: {  	v6 =	vpop (erf)  }
0x173: {  	v5 =	vpop (erf)  }
0x174: {  	s21 =	simm.s32 $0x0;
	v1 =	vpop (erf)  }
0x175: {  	v9 =	vld [tilespmem:s21+$0xB070];
	v2 =	vpop (erf)  }
0x176: {  	v13 =	vld [tilespmem:s21+$0xB000];
	v3 =	vpop (erf)  }
0x177: {  	v14 =	vld [tilespmem:s21+$0xB010];
	v4 =	vpop (erf)  }
0x178: {  	v12 =	vld [tilespmem:s21+$0xB020];
	v0 =	vpop (erf)  }
0x179: {  	v10 =	vld [tilespmem:s21+$0xB030];
	v7 =	vpop (erf)  }
0x17a: {  	v8 =	vld [tilespmem:s21+$0xB040];
	v15 =	vmul.f32 v9, v7  }
0x17b: {  	v13 =	vmul.f32 v13, v6;
	v9 =	vld [tilespmem:s21+$0xB050]  }
0x17c: {  	s22 =	simm.s32 $0x80;
	s23 =	simm.s32 $0x400;
	v11 =	vld [tilespmem:s21+$0xB060];
	v14 =	vmul.f32 v14, v5;
	[tilespmem:s21+$0x19070] =	vst v15  }
.LBB2_21:
0x17d: {  	p2 =	sne.s32 s23, $0x6200;
	v15 =	vld [tilespmem:s22+$0xB070];
	[tilespmem:s21+$0x19000] =	vst v13;
	v12 =	vmul.f32 v12, v1  }
0x17e: {  	v13 =	vld [tilespmem:s22+$0xB000];
	[tilespmem:s21+$0x19010] =	vst v14;
	v10 =	vmul.f32 v10, v2  }
0x17f: {  	v14 =	vld [tilespmem:s22+$0xB010];
	[tilespmem:s21+$0x19020] =	vst v12;
	v8 =	vmul.f32 v8, v3  }
.Ltmp9:
0x180: {  	v12 =	vld [tilespmem:s22+$0xB020];
	[tilespmem:s21+$0x19030] =	vst v10;
	v9 =	vmul.f32 v9, v4;
	(pc) =	sbr.rel @p2 .LBB2_21-.Ltmp9, $4  }
0x181: {  	v10 =	vld [tilespmem:s22+$0xB030];
	[tilespmem:s21+$0x19040] =	vst v8;
	v11 =	vmul.f32 v11, v0  }
0x182: {  	v8 =	vld [tilespmem:s22+$0xB040];
	v15 =	vmul.f32 v15, v7;
	[tilespmem:s21+$0x19050] =	vst v9  }
0x183: {  	v13 =	vmul.f32 v13, v6;
	v9 =	vld [tilespmem:s22+$0xB050];
	[tilespmem:s21+$0x19060] =	vst v11;
	s21 =	smov.u32 s22  }
0x184: {  	s22 =	sshra.s32 s23, $0x2;
	s23 =	sadd.s32 $0x200, s23;
	v14 =	vmul.f32 v14, v5;
	v11 =	vld [tilespmem:s21+$0xB060];
	[tilespmem:s21+$0x19070] =	vst v15  }
0x185: {  	v15 =	vld [tilespmem:s22+$0xB070];
	[tilespmem:s21+$0x19000] =	vst v13;
	v12 =	vmul.f32 v12, v1  }
0x186: {  	v13 =	vld [tilespmem:s22+$0xB000];
	[tilespmem:s21+$0x19010] =	vst v14;
	v10 =	vmul.f32 v10, v2  }
0x187: {  	v14 =	vld [tilespmem:s22+$0xB010];
	[tilespmem:s21+$0x19020] =	vst v12;
	v8 =	vmul.f32 v8, v3  }
0x188: {  	v12 =	vld [tilespmem:s22+$0xB020];
	[tilespmem:s21+$0x19030] =	vst v10;
	v9 =	vmul.f32 v9, v4  }
0x189: {  	v10 =	vld [tilespmem:s22+$0xB030];
	[tilespmem:s21+$0x19040] =	vst v8;
	v11 =	vmul.f32 v11, v0  }
0x18a: {  	v8 =	vld [tilespmem:s22+$0xB040];
	[tilespmem:s21+$0x19050] =	vst v9;
	v7 =	vmul.f32 v15, v7  }
0x18b: {  	v9 =	vld [tilespmem:s22+$0xB050];
	[tilespmem:s21+$0x19060] =	vst v11;
	v6 =	vmul.f32 v13, v6  }
0x18c: {  	v11 =	vld [tilespmem:s22+$0xB060];
	v5 =	vmul.f32 v14, v5;
	[tilespmem:s22+$0x19070] =	vst v7  }
0x18d: {  	[tilespmem:s22+$0x19000] =	vst v6;
	v1 =	vmul.f32 v12, v1  }
0x18e: {  	[tilespmem:s22+$0x19010] =	vst v5;
	v2 =	vmul.f32 v10, v2  }
0x18f: {  	[tilespmem:s22+$0x19020] =	vst v1;
	v1 =	vmul.f32 v8, v3  }
0x190: {  	s20 =	sadd.s32 s4, s20;
	[tilespmem:s22+$0x19030] =	vst v2;
	v2 =	vmul.f32 v9, v4  }
0x191: {  	s20 =	smul.u32 $0x380, s20;
	[tilespmem:s22+$0x19040] =	vst v1;
	v0 =	vmul.f32 v11, v0  }
0x192: {  	[tilespmem:s22+$0x19050] =	vst v2  }
0x193: {  	s20 =	sadd.s32 s5, s20;
	[tilespmem:s22+$0x19060] =	vst v0  }
0x194: {  	[hbm4b:s20+s3] =	stream.linear.scatter [tilespmem:s11], [sflag:$0xD], $0x1900, $0x38;
	v63 =	vld [tilespmem:$0x0]  }
0x195: {  	s21 =	simm.s32 @!p1 $0x32;
	s22 =	simm.s32 @!p1 $0xB000;
	s20 =	sadd.s32 @!p1 $0x600, s18  }
0x196: {  	[tilespmem:s22], [sflag:$0x5] =	stream.indirect.gather @!p1 [hbm4b:s2+s21], $0x80, s20, s21, $0xb8;
	v63 =	vld [tilespmem:$0x0]  }
0x197: {  	_ =	swait.ge [sflag:s12], $0x1900  }
0x198: {  	[sflag:s12] =	ssyncset.done $0x0  }
0x199: {  	s20 =	simm.s32 @!p0 $0xE;
	[sflag:s12] =	ssyncadd.s32 $0xFFFFE700  }
0x19a: {  	_ =	swait.ge @!p0 [sflag:s20], $0x1900  }
0x19b: {  	[sflag:s20] =	ssyncset.done @!p0 $0x0  }
0x19c: {  	s23 =	simm.s32 $0x0;
	[sflag:s20] =	ssyncadd.s32 @!p0 $0xFFFFE700  }
0x19d: {  	v0 =	vld [tilespmem:s23+$0xCC70]  }
0x19e: {  	v2 =	vld [tilespmem:s23+$0xCC00]  }
0x19f: {  	v3 =	vld [tilespmem:s23+$0xCC10]  }
0x1a0: {  	v11 =	vld [tilespmem:s23+$0xCC20]  }
0x1a1: {  	v9 =	vld [tilespmem:s23+$0xCC30]  }
0x1a2: {  	v6 =	vimm.f32 $0.0e+00;
	v1 =	vimm.f32 $0.0e+00;
	v7 =	vld [tilespmem:s23+$0xCC40]  }
0x1a3: {  	v10 =	vimm.f32 $0.0e+00;
	v4 =	vimm.f32 $0.0e+00;
	v8 =	vld [tilespmem:s23+$0xCC50];
	v0 =	vadd.f32 v0, v1  }
0x1a4: {  	s21 =	simm.s32 $0x80;
	s22 =	simm.s32 $0x400;
	s20 =	sor.u32 $0x5, s8;
	v12 =	vld [tilespmem:s23+$0xCC60];
	v5 =	vadd.f32 v2, v1;
	v3 =	vadd.f32 v3, v1;
	v2 =	vimm.f32 $0.0e+00  }
.LBB2_23:
0x1a5: {  	p2 =	sne.s32 s22, $0x6200;
	v13 =	vld [tilespmem:s21+$0xCC70];
	v1 =	vadd.f32 v11, v1  }
0x1a6: {  	v14 =	vld [tilespmem:s21+$0xCC00];
	v6 =	vadd.f32 v9, v6  }
0x1a7: {  	v15 =	vld [tilespmem:s21+$0xCC10];
	v10 =	vadd.f32 v7, v10  }
.Ltmp10:
0x1a8: {  	v11 =	vld [tilespmem:s21+$0xCC20];
	v4 =	vadd.f32 v8, v4;
	(pc) =	sbr.rel @p2 .LBB2_23-.Ltmp10, $4  }
0x1a9: {  	v9 =	vld [tilespmem:s21+$0xCC30];
	v2 =	vadd.f32 v12, v2  }
0x1aa: {  	v7 =	vld [tilespmem:s21+$0xCC40];
	v0 =	vadd.f32 v13, v0  }
0x1ab: {  	v5 =	vadd.f32 v14, v5;
	v8 =	vld [tilespmem:s21+$0xCC50]  }
0x1ac: {  	v3 =	vadd.f32 v15, v3;
	v12 =	vld [tilespmem:s21+$0xCC60];
	s21 =	sshra.s32 s22, $0x2;
	s22 =	sadd.s32 $0x200, s22  }
0x1ad: {  	v13 =	vld [tilespmem:s21+$0xCC00]  }
0x1ae: {  	v14 =	vld [tilespmem:s21+$0xCC10]  }
0x1af: {  	v15 =	vld [tilespmem:s21+$0xCC20]  }
0x1b0: {  	v16 =	vld [tilespmem:s21+$0xCC30]  }
0x1b1: {  	v17 =	vld [tilespmem:s21+$0xCC40]  }
0x1b2: {  	v1 =	vadd.f32 v11, v1;
	v11 =	vld [tilespmem:s21+$0xCC50];
	v5 =	vadd.f32 v13, v5  }
0x1b3: {  	v6 =	vadd.f32 v9, v6;
	v9 =	vld [tilespmem:s21+$0xCC60];
	v3 =	vadd.f32 v14, v3  }
0x1b4: {  	v7 =	vadd.f32 v7, v10;
	v10 =	vld [tilespmem:s21+$0xCC70];
	v1 =	vadd.f32 v15, v1;
	(erf) = vrcp.f32 v5  }
0x1b5: {  	v4 =	vadd.f32 v8, v4;
	v5 =	vadd.f32 v16, v6;
	(erf) = vrcp.f32 v3  }
0x1b6: {  	v2 =	vadd.f32 v12, v2;
	v3 =	vadd.f32 v17, v7;
	(erf) = vrcp.f32 v1  }
0x1b7: {  	v1 =	vadd.f32 v11, v4;
	(erf) = vrcp.f32 v5  }
0x1b8: {  	v2 =	vadd.f32 v9, v2;
	(erf) = vrcp.f32 v3  }
0x1b9: {  	v0 =	vadd.f32 v10, v0;
	(erf) = vrcp.f32 v1  }
0x1ba: {  	(erf) = vrcp.f32 v2  }
0x1bb: {  	(erf) = vrcp.f32 v0;
	_ =	sdelay $0x1  }
0x1bc: {  	v6 =	vpop (erf)  }
0x1bd: {  	v5 =	vpop (erf)  }
0x1be: {  	s21 =	simm.s32 $0x0;
	v1 =	vpop (erf)  }
0x1bf: {  	v9 =	vld [tilespmem:s21+$0xCC70];
	v2 =	vpop (erf)  }
0x1c0: {  	v13 =	vld [tilespmem:s21+$0xCC00];
	v3 =	vpop (erf)  }
0x1c1: {  	v14 =	vld [tilespmem:s21+$0xCC10];
	v4 =	vpop (erf)  }
0x1c2: {  	v12 =	vld [tilespmem:s21+$0xCC20];
	v0 =	vpop (erf)  }
0x1c3: {  	v10 =	vld [tilespmem:s21+$0xCC30];
	v7 =	vpop (erf)  }
0x1c4: {  	v8 =	vld [tilespmem:s21+$0xCC40];
	v15 =	vmul.f32 v9, v7  }
0x1c5: {  	v13 =	vmul.f32 v13, v6;
	v9 =	vld [tilespmem:s21+$0xCC50]  }
0x1c6: {  	s22 =	simm.s32 $0x80;
	s23 =	simm.s32 $0x400;
	v11 =	vld [tilespmem:s21+$0xCC60];
	v14 =	vmul.f32 v14, v5;
	[tilespmem:s21+$0x1AC70] =	vst v15  }
.LBB2_25:
0x1c7: {  	p2 =	sne.s32 s23, $0x6200;
	v15 =	vld [tilespmem:s22+$0xCC70];
	[tilespmem:s21+$0x1AC00] =	vst v13;
	v12 =	vmul.f32 v12, v1  }
0x1c8: {  	v13 =	vld [tilespmem:s22+$0xCC00];
	[tilespmem:s21+$0x1AC10] =	vst v14;
	v10 =	vmul.f32 v10, v2  }
0x1c9: {  	v14 =	vld [tilespmem:s22+$0xCC10];
	[tilespmem:s21+$0x1AC20] =	vst v12;
	v8 =	vmul.f32 v8, v3  }
.Ltmp11:
0x1ca: {  	v12 =	vld [tilespmem:s22+$0xCC20];
	[tilespmem:s21+$0x1AC30] =	vst v10;
	v9 =	vmul.f32 v9, v4;
	(pc) =	sbr.rel @p2 .LBB2_25-.Ltmp11, $4  }
0x1cb: {  	v10 =	vld [tilespmem:s22+$0xCC30];
	[tilespmem:s21+$0x1AC40] =	vst v8;
	v11 =	vmul.f32 v11, v0  }
0x1cc: {  	v8 =	vld [tilespmem:s22+$0xCC40];
	v15 =	vmul.f32 v15, v7;
	[tilespmem:s21+$0x1AC50] =	vst v9  }
0x1cd: {  	v13 =	vmul.f32 v13, v6;
	v9 =	vld [tilespmem:s22+$0xCC50];
	[tilespmem:s21+$0x1AC60] =	vst v11;
	s21 =	smov.u32 s22  }
0x1ce: {  	s22 =	sshra.s32 s23, $0x2;
	s23 =	sadd.s32 $0x200, s23;
	v14 =	vmul.f32 v14, v5;
	v11 =	vld [tilespmem:s21+$0xCC60];
	[tilespmem:s21+$0x1AC70] =	vst v15  }
0x1cf: {  	v15 =	vld [tilespmem:s22+$0xCC70];
	[tilespmem:s21+$0x1AC00] =	vst v13;
	v12 =	vmul.f32 v12, v1  }
0x1d0: {  	v13 =	vld [tilespmem:s22+$0xCC00];
	[tilespmem:s21+$0x1AC10] =	vst v14;
	v10 =	vmul.f32 v10, v2  }
0x1d1: {  	v14 =	vld [tilespmem:s22+$0xCC10];
	[tilespmem:s21+$0x1AC20] =	vst v12;
	v8 =	vmul.f32 v8, v3  }
0x1d2: {  	v12 =	vld [tilespmem:s22+$0xCC20];
	[tilespmem:s21+$0x1AC30] =	vst v10;
	v9 =	vmul.f32 v9, v4  }
0x1d3: {  	v10 =	vld [tilespmem:s22+$0xCC30];
	[tilespmem:s21+$0x1AC40] =	vst v8;
	v11 =	vmul.f32 v11, v0  }
0x1d4: {  	v8 =	vld [tilespmem:s22+$0xCC40];
	[tilespmem:s21+$0x1AC50] =	vst v9;
	v7 =	vmul.f32 v15, v7  }
0x1d5: {  	v9 =	vld [tilespmem:s22+$0xCC50];
	[tilespmem:s21+$0x1AC60] =	vst v11;
	v6 =	vmul.f32 v13, v6  }
0x1d6: {  	v11 =	vld [tilespmem:s22+$0xCC60];
	v5 =	vmul.f32 v14, v5;
	[tilespmem:s22+$0x1AC70] =	vst v7  }
0x1d7: {  	[tilespmem:s22+$0x1AC00] =	vst v6;
	v1 =	vmul.f32 v12, v1  }
0x1d8: {  	[tilespmem:s22+$0x1AC10] =	vst v5;
	v2 =	vmul.f32 v10, v2  }
0x1d9: {  	[tilespmem:s22+$0x1AC20] =	vst v1;
	v1 =	vmul.f32 v8, v3  }
0x1da: {  	s20 =	sadd.s32 s4, s20;
	[tilespmem:s22+$0x1AC30] =	vst v2;
	v2 =	vmul.f32 v9, v4  }
0x1db: {  	s20 =	smul.u32 $0x380, s20;
	[tilespmem:s22+$0x1AC40] =	vst v1;
	v0 =	vmul.f32 v11, v0  }
0x1dc: {  	[tilespmem:s22+$0x1AC50] =	vst v2  }
0x1dd: {  	s20 =	sadd.s32 s5, s20;
	[tilespmem:s22+$0x1AC60] =	vst v0  }
0x1de: {  	[hbm4b:s20+s3] =	stream.linear.scatter [tilespmem:s13], [sflag:$0xE], $0x1900, $0x38;
	v63 =	vld [tilespmem:$0x0]  }
0x1df: {  	s21 =	simm.s32 @!p1 $0x32;
	s22 =	simm.s32 @!p1 $0xCC00;
	s20 =	sadd.s32 @!p1 $0x680, s18  }
0x1e0: {  	[tilespmem:s22], [sflag:$0x6] =	stream.indirect.gather @!p1 [hbm4b:s2+s21], $0x80, s20, s21, $0xb8;
	v63 =	vld [tilespmem:$0x0]  }
0x1e1: {  	_ =	swait.ge [sflag:s14], $0x1900  }
0x1e2: {  	[sflag:s14] =	ssyncset.done $0x0  }
0x1e3: {  	s20 =	simm.s32 @!p0 $0xF;
	[sflag:s14] =	ssyncadd.s32 $0xFFFFE700  }
0x1e4: {  	_ =	swait.ge @!p0 [sflag:s20], $0x1900  }
0x1e5: {  	[sflag:s20] =	ssyncset.done @!p0 $0x0  }
0x1e6: {  	s23 =	simm.s32 $0x0;
	[sflag:s20] =	ssyncadd.s32 @!p0 $0xFFFFE700  }
0x1e7: {  	v0 =	vld [tilespmem:s23+$0xE870]  }
0x1e8: {  	v2 =	vld [tilespmem:s23+$0xE800]  }
0x1e9: {  	v3 =	vld [tilespmem:s23+$0xE810]  }
0x1ea: {  	v11 =	vld [tilespmem:s23+$0xE820]  }
0x1eb: {  	v9 =	vld [tilespmem:s23+$0xE830]  }
0x1ec: {  	v6 =	vimm.f32 $0.0e+00;
	v1 =	vimm.f32 $0.0e+00;
	v7 =	vld [tilespmem:s23+$0xE840]  }
0x1ed: {  	v10 =	vimm.f32 $0.0e+00;
	v4 =	vimm.f32 $0.0e+00;
	v8 =	vld [tilespmem:s23+$0xE850];
	v0 =	vadd.f32 v0, v1  }
0x1ee: {  	s21 =	simm.s32 $0x80;
	s22 =	simm.s32 $0x400;
	s20 =	sor.u32 $0x6, s8;
	v12 =	vld [tilespmem:s23+$0xE860];
	v5 =	vadd.f32 v2, v1;
	v3 =	vadd.f32 v3, v1;
	v2 =	vimm.f32 $0.0e+00  }
.LBB2_27:
0x1ef: {  	p2 =	sne.s32 s22, $0x6200;
	v13 =	vld [tilespmem:s21+$0xE870];
	v1 =	vadd.f32 v11, v1  }
0x1f0: {  	v14 =	vld [tilespmem:s21+$0xE800];
	v6 =	vadd.f32 v9, v6  }
0x1f1: {  	v15 =	vld [tilespmem:s21+$0xE810];
	v10 =	vadd.f32 v7, v10  }
.Ltmp12:
0x1f2: {  	v11 =	vld [tilespmem:s21+$0xE820];
	v4 =	vadd.f32 v8, v4;
	(pc) =	sbr.rel @p2 .LBB2_27-.Ltmp12, $4  }
0x1f3: {  	v9 =	vld [tilespmem:s21+$0xE830];
	v2 =	vadd.f32 v12, v2  }
0x1f4: {  	v7 =	vld [tilespmem:s21+$0xE840];
	v0 =	vadd.f32 v13, v0  }
0x1f5: {  	v5 =	vadd.f32 v14, v5;
	v8 =	vld [tilespmem:s21+$0xE850]  }
0x1f6: {  	v3 =	vadd.f32 v15, v3;
	v12 =	vld [tilespmem:s21+$0xE860];
	s21 =	sshra.s32 s22, $0x2;
	s22 =	sadd.s32 $0x200, s22  }
0x1f7: {  	v13 =	vld [tilespmem:s21+$0xE800]  }
0x1f8: {  	v14 =	vld [tilespmem:s21+$0xE810]  }
0x1f9: {  	v15 =	vld [tilespmem:s21+$0xE820]  }
0x1fa: {  	v16 =	vld [tilespmem:s21+$0xE830]  }
0x1fb: {  	v17 =	vld [tilespmem:s21+$0xE840]  }
0x1fc: {  	v1 =	vadd.f32 v11, v1;
	v11 =	vld [tilespmem:s21+$0xE850];
	v5 =	vadd.f32 v13, v5  }
0x1fd: {  	v6 =	vadd.f32 v9, v6;
	v9 =	vld [tilespmem:s21+$0xE860];
	v3 =	vadd.f32 v14, v3  }
0x1fe: {  	v7 =	vadd.f32 v7, v10;
	v10 =	vld [tilespmem:s21+$0xE870];
	v1 =	vadd.f32 v15, v1;
	(erf) = vrcp.f32 v5  }
0x1ff: {  	v4 =	vadd.f32 v8, v4;
	v5 =	vadd.f32 v16, v6;
	(erf) = vrcp.f32 v3  }
0x200: {  	v2 =	vadd.f32 v12, v2;
	v3 =	vadd.f32 v17, v7;
	(erf) = vrcp.f32 v1  }
0x201: {  	v1 =	vadd.f32 v11, v4;
	(erf) = vrcp.f32 v5  }
0x202: {  	v2 =	vadd.f32 v9, v2;
	(erf) = vrcp.f32 v3  }
0x203: {  	v0 =	vadd.f32 v10, v0;
	(erf) = vrcp.f32 v1  }
0x204: {  	(erf) = vrcp.f32 v2  }
0x205: {  	(erf) = vrcp.f32 v0;
	_ =	sdelay $0x1  }
0x206: {  	v6 =	vpop (erf)  }
0x207: {  	v5 =	vpop (erf)  }
0x208: {  	s21 =	simm.s32 $0x0;
	v1 =	vpop (erf)  }
0x209: {  	v9 =	vld [tilespmem:s21+$0xE870];
	v2 =	vpop (erf)  }
0x20a: {  	v13 =	vld [tilespmem:s21+$0xE800];
	v3 =	vpop (erf)  }
0x20b: {  	v14 =	vld [tilespmem:s21+$0xE810];
	v4 =	vpop (erf)  }
0x20c: {  	v12 =	vld [tilespmem:s21+$0xE820];
	v0 =	vpop (erf)  }
0x20d: {  	v10 =	vld [tilespmem:s21+$0xE830];
	v7 =	vpop (erf)  }
0x20e: {  	v8 =	vld [tilespmem:s21+$0xE840];
	v15 =	vmul.f32 v9, v7  }
0x20f: {  	v13 =	vmul.f32 v13, v6;
	v9 =	vld [tilespmem:s21+$0xE850]  }
0x210: {  	s22 =	simm.s32 $0x80;
	s23 =	simm.s32 $0x400;
	v11 =	vld [tilespmem:s21+$0xE860];
	v14 =	vmul.f32 v14, v5;
	[tilespmem:s21+$0x1C870] =	vst v15  }
.LBB2_29:
0x211: {  	p2 =	sne.s32 s23, $0x6200;
	v15 =	vld [tilespmem:s22+$0xE870];
	[tilespmem:s21+$0x1C800] =	vst v13;
	v12 =	vmul.f32 v12, v1  }
0x212: {  	v13 =	vld [tilespmem:s22+$0xE800];
	[tilespmem:s21+$0x1C810] =	vst v14;
	v10 =	vmul.f32 v10, v2  }
0x213: {  	v14 =	vld [tilespmem:s22+$0xE810];
	[tilespmem:s21+$0x1C820] =	vst v12;
	v8 =	vmul.f32 v8, v3  }
.Ltmp13:
0x214: {  	v12 =	vld [tilespmem:s22+$0xE820];
	[tilespmem:s21+$0x1C830] =	vst v10;
	v9 =	vmul.f32 v9, v4;
	(pc) =	sbr.rel @p2 .LBB2_29-.Ltmp13, $4  }
0x215: {  	v10 =	vld [tilespmem:s22+$0xE830];
	[tilespmem:s21+$0x1C840] =	vst v8;
	v11 =	vmul.f32 v11, v0  }
0x216: {  	v8 =	vld [tilespmem:s22+$0xE840];
	v15 =	vmul.f32 v15, v7;
	[tilespmem:s21+$0x1C850] =	vst v9  }
0x217: {  	v13 =	vmul.f32 v13, v6;
	v9 =	vld [tilespmem:s22+$0xE850];
	[tilespmem:s21+$0x1C860] =	vst v11;
	s21 =	smov.u32 s22  }
0x218: {  	s22 =	sshra.s32 s23, $0x2;
	s23 =	sadd.s32 $0x200, s23;
	v14 =	vmul.f32 v14, v5;
	v11 =	vld [tilespmem:s21+$0xE860];
	[tilespmem:s21+$0x1C870] =	vst v15  }
0x219: {  	v15 =	vld [tilespmem:s22+$0xE870];
	[tilespmem:s21+$0x1C800] =	vst v13;
	v12 =	vmul.f32 v12, v1  }
0x21a: {  	v13 =	vld [tilespmem:s22+$0xE800];
	[tilespmem:s21+$0x1C810] =	vst v14;
	v10 =	vmul.f32 v10, v2  }
0x21b: {  	v14 =	vld [tilespmem:s22+$0xE810];
	[tilespmem:s21+$0x1C820] =	vst v12;
	v8 =	vmul.f32 v8, v3  }
0x21c: {  	v12 =	vld [tilespmem:s22+$0xE820];
	[tilespmem:s21+$0x1C830] =	vst v10;
	v9 =	vmul.f32 v9, v4  }
0x21d: {  	v10 =	vld [tilespmem:s22+$0xE830];
	[tilespmem:s21+$0x1C840] =	vst v8;
	v11 =	vmul.f32 v11, v0  }
0x21e: {  	v8 =	vld [tilespmem:s22+$0xE840];
	[tilespmem:s21+$0x1C850] =	vst v9;
	v7 =	vmul.f32 v15, v7  }
0x21f: {  	v9 =	vld [tilespmem:s22+$0xE850];
	[tilespmem:s21+$0x1C860] =	vst v11;
	v6 =	vmul.f32 v13, v6  }
0x220: {  	v11 =	vld [tilespmem:s22+$0xE860];
	v5 =	vmul.f32 v14, v5;
	[tilespmem:s22+$0x1C870] =	vst v7  }
0x221: {  	[tilespmem:s22+$0x1C800] =	vst v6;
	v1 =	vmul.f32 v12, v1  }
0x222: {  	[tilespmem:s22+$0x1C810] =	vst v5;
	v2 =	vmul.f32 v10, v2  }
0x223: {  	[tilespmem:s22+$0x1C820] =	vst v1;
	v1 =	vmul.f32 v8, v3  }
0x224: {  	s20 =	sadd.s32 s4, s20;
	[tilespmem:s22+$0x1C830] =	vst v2;
	v2 =	vmul.f32 v9, v4  }
0x225: {  	s20 =	smul.u32 $0x380, s20;
	[tilespmem:s22+$0x1C840] =	vst v1;
	v0 =	vmul.f32 v11, v0  }
0x226: {  	[tilespmem:s22+$0x1C850] =	vst v2  }
0x227: {  	s20 =	sadd.s32 s5, s20;
	[tilespmem:s22+$0x1C860] =	vst v0  }
0x228: {  	[hbm4b:s20+s3] =	stream.linear.scatter [tilespmem:s15], [sflag:$0xF], $0x1900, $0x38;
	v63 =	vld [tilespmem:$0x0]  }
0x229: {  	s21 =	simm.s32 @!p1 $0x32;
	s22 =	simm.s32 @!p1 $0xE800;
	s20 =	sadd.s32 @!p1 $0x700, s18  }
0x22a: {  	[tilespmem:s22], [sflag:$0x7] =	stream.indirect.gather @!p1 [hbm4b:s2+s21], $0x80, s20, s21, $0xb8;
	v63 =	vld [tilespmem:$0x0]  }
0x22b: {  	_ =	swait.ge [sflag:s16], $0x1900  }
0x22c: {  	[sflag:s16] =	ssyncset.done $0x0  }
0x22d: {  	s20 =	simm.s32 @!p0 $0x10;
	[sflag:s16] =	ssyncadd.s32 $0xFFFFE700  }
0x22e: {  	_ =	swait.ge @!p0 [sflag:s20], $0x1900  }
0x22f: {  	[sflag:s20] =	ssyncset.done @!p0 $0x0  }
0x230: {  	s23 =	simm.s32 $0x0;
	[sflag:s20] =	ssyncadd.s32 @!p0 $0xFFFFE700  }
0x231: {  	v0 =	vld [tilespmem:s23+$0x10470]  }
0x232: {  	v2 =	vld [tilespmem:s23+$0x10400]  }
0x233: {  	v3 =	vld [tilespmem:s23+$0x10410]  }
0x234: {  	v11 =	vld [tilespmem:s23+$0x10420]  }
0x235: {  	v9 =	vld [tilespmem:s23+$0x10430]  }
0x236: {  	v6 =	vimm.f32 $0.0e+00;
	v1 =	vimm.f32 $0.0e+00;
	v7 =	vld [tilespmem:s23+$0x10440]  }
0x237: {  	v10 =	vimm.f32 $0.0e+00;
	v4 =	vimm.f32 $0.0e+00;
	v8 =	vld [tilespmem:s23+$0x10450];
	v0 =	vadd.f32 v0, v1  }
0x238: {  	s8 =	sor.u32 $0x7, s8;
	s21 =	simm.s32 $0x400;
	s20 =	simm.s32 $0x80;
	v12 =	vld [tilespmem:s23+$0x10460];
	v5 =	vadd.f32 v2, v1;
	v3 =	vadd.f32 v3, v1;
	v2 =	vimm.f32 $0.0e+00  }
.LBB2_31:
0x239: {  	p0 =	sne.s32 s21, $0x6200;
	v13 =	vld [tilespmem:s20+$0x10470];
	v1 =	vadd.f32 v11, v1  }
0x23a: {  	v14 =	vld [tilespmem:s20+$0x10400];
	v6 =	vadd.f32 v9, v6  }
0x23b: {  	v15 =	vld [tilespmem:s20+$0x10410];
	v10 =	vadd.f32 v7, v10  }
.Ltmp14:
0x23c: {  	v11 =	vld [tilespmem:s20+$0x10420];
	v4 =	vadd.f32 v8, v4;
	(pc) =	sbr.rel @p0 .LBB2_31-.Ltmp14, $4  }
0x23d: {  	v9 =	vld [tilespmem:s20+$0x10430];
	v2 =	vadd.f32 v12, v2  }
0x23e: {  	v7 =	vld [tilespmem:s20+$0x10440];
	v0 =	vadd.f32 v13, v0  }
0x23f: {  	v5 =	vadd.f32 v14, v5;
	v8 =	vld [tilespmem:s20+$0x10450]  }
0x240: {  	v3 =	vadd.f32 v15, v3;
	v12 =	vld [tilespmem:s20+$0x10460];
	s20 =	sshra.s32 s21, $0x2;
	s21 =	sadd.s32 $0x200, s21  }
0x241: {  	v13 =	vld [tilespmem:s20+$0x10400]  }
0x242: {  	v14 =	vld [tilespmem:s20+$0x10410]  }
0x243: {  	v15 =	vld [tilespmem:s20+$0x10420]  }
0x244: {  	v16 =	vld [tilespmem:s20+$0x10430]  }
0x245: {  	v17 =	vld [tilespmem:s20+$0x10440]  }
0x246: {  	v1 =	vadd.f32 v11, v1;
	v11 =	vld [tilespmem:s20+$0x10450];
	v5 =	vadd.f32 v13, v5  }
0x247: {  	v6 =	vadd.f32 v9, v6;
	v9 =	vld [tilespmem:s20+$0x10460];
	v3 =	vadd.f32 v14, v3  }
0x248: {  	v7 =	vadd.f32 v7, v10;
	v10 =	vld [tilespmem:s20+$0x10470];
	v1 =	vadd.f32 v15, v1;
	(erf) = vrcp.f32 v5  }
0x249: {  	v4 =	vadd.f32 v8, v4;
	v5 =	vadd.f32 v16, v6;
	(erf) = vrcp.f32 v3  }
0x24a: {  	v2 =	vadd.f32 v12, v2;
	v3 =	vadd.f32 v17, v7;
	(erf) = vrcp.f32 v1  }
0x24b: {  	v1 =	vadd.f32 v11, v4;
	(erf) = vrcp.f32 v5  }
0x24c: {  	v2 =	vadd.f32 v9, v2;
	(erf) = vrcp.f32 v3  }
0x24d: {  	v0 =	vadd.f32 v10, v0;
	(erf) = vrcp.f32 v1  }
0x24e: {  	(erf) = vrcp.f32 v2  }
0x24f: {  	(erf) = vrcp.f32 v0;
	_ =	sdelay $0x1  }
0x250: {  	v6 =	vpop (erf)  }
0x251: {  	v5 =	vpop (erf)  }
0x252: {  	s20 =	simm.s32 $0x0;
	v1 =	vpop (erf)  }
0x253: {  	v9 =	vld [tilespmem:s20+$0x10470];
	v2 =	vpop (erf)  }
0x254: {  	v13 =	vld [tilespmem:s20+$0x10400];
	v3 =	vpop (erf)  }
0x255: {  	v14 =	vld [tilespmem:s20+$0x10410];
	v4 =	vpop (erf)  }
0x256: {  	v12 =	vld [tilespmem:s20+$0x10420];
	v0 =	vpop (erf)  }
0x257: {  	v10 =	vld [tilespmem:s20+$0x10430];
	v7 =	vpop (erf)  }
0x258: {  	v8 =	vld [tilespmem:s20+$0x10440];
	v15 =	vmul.f32 v9, v7  }
0x259: {  	v13 =	vmul.f32 v13, v6;
	v9 =	vld [tilespmem:s20+$0x10450]  }
0x25a: {  	s21 =	simm.s32 $0x80;
	s22 =	simm.s32 $0x400;
	v11 =	vld [tilespmem:s20+$0x10460];
	v14 =	vmul.f32 v14, v5;
	[tilespmem:s20+$0x1E470] =	vst v15  }
.LBB2_33:
0x25b: {  	p0 =	sne.s32 s22, $0x6200;
	v15 =	vld [tilespmem:s21+$0x10470];
	[tilespmem:s20+$0x1E400] =	vst v13;
	v12 =	vmul.f32 v12, v1  }
0x25c: {  	v13 =	vld [tilespmem:s21+$0x10400];
	[tilespmem:s20+$0x1E410] =	vst v14;
	v10 =	vmul.f32 v10, v2  }
0x25d: {  	v14 =	vld [tilespmem:s21+$0x10410];
	[tilespmem:s20+$0x1E420] =	vst v12;
	v8 =	vmul.f32 v8, v3  }
.Ltmp15:
0x25e: {  	v12 =	vld [tilespmem:s21+$0x10420];
	[tilespmem:s20+$0x1E430] =	vst v10;
	v9 =	vmul.f32 v9, v4;
	(pc) =	sbr.rel @p0 .LBB2_33-.Ltmp15, $4  }
0x25f: {  	v10 =	vld [tilespmem:s21+$0x10430];
	[tilespmem:s20+$0x1E440] =	vst v8;
	v11 =	vmul.f32 v11, v0  }
0x260: {  	v8 =	vld [tilespmem:s21+$0x10440];
	v15 =	vmul.f32 v15, v7;
	[tilespmem:s20+$0x1E450] =	vst v9  }
0x261: {  	v13 =	vmul.f32 v13, v6;
	v9 =	vld [tilespmem:s21+$0x10450];
	[tilespmem:s20+$0x1E460] =	vst v11;
	s20 =	smov.u32 s21  }
0x262: {  	s21 =	sshra.s32 s22, $0x2;
	s22 =	sadd.s32 $0x200, s22;
	v14 =	vmul.f32 v14, v5;
	v11 =	vld [tilespmem:s20+$0x10460];
	[tilespmem:s20+$0x1E470] =	vst v15  }
0x263: {  	v15 =	vld [tilespmem:s21+$0x10470];
	[tilespmem:s20+$0x1E400] =	vst v13;
	v12 =	vmul.f32 v12, v1  }
0x264: {  	v13 =	vld [tilespmem:s21+$0x10400];
	[tilespmem:s20+$0x1E410] =	vst v14;
	v10 =	vmul.f32 v10, v2  }
0x265: {  	v14 =	vld [tilespmem:s21+$0x10410];
	[tilespmem:s20+$0x1E420] =	vst v12;
	v8 =	vmul.f32 v8, v3  }
0x266: {  	v12 =	vld [tilespmem:s21+$0x10420];
	[tilespmem:s20+$0x1E430] =	vst v10;
	v9 =	vmul.f32 v9, v4  }
0x267: {  	v10 =	vld [tilespmem:s21+$0x10430];
	[tilespmem:s20+$0x1E440] =	vst v8;
	v11 =	vmul.f32 v11, v0  }
0x268: {  	v8 =	vld [tilespmem:s21+$0x10440];
	[tilespmem:s20+$0x1E450] =	vst v9;
	v7 =	vmul.f32 v15, v7  }
0x269: {  	v9 =	vld [tilespmem:s21+$0x10450];
	[tilespmem:s20+$0x1E460] =	vst v11;
	v6 =	vmul.f32 v13, v6  }
0x26a: {  	v11 =	vld [tilespmem:s21+$0x10460];
	v5 =	vmul.f32 v14, v5;
	[tilespmem:s21+$0x1E470] =	vst v7  }
0x26b: {  	[tilespmem:s21+$0x1E400] =	vst v6;
	v58 =	vmul.f32 v12, v1  }
0x26c: {  	[tilespmem:s21+$0x1E410] =	vst v5;
	v59 =	vmul.f32 v10, v2  }
0x26d: {  	[tilespmem:s21+$0x1E420] =	vst v58;
	v60 =	vmul.f32 v8, v3  }
0x26e: {  	s8 =	sadd.s32 s4, s8;
	p0 =	sne.s32 @!p1 s19, $0x10;
	[tilespmem:s21+$0x1E430] =	vst v59;
	v61 =	vmul.f32 v9, v4  }
0x26f: {  	s8 =	smul.u32 $0x380, s8;
	p0 =	por p1, !p0;
	[tilespmem:s21+$0x1E440] =	vst v60;
	v62 =	vmul.f32 v11, v0  }
.Ltmp16:
0x270: {  	[tilespmem:s21+$0x1E450] =	vst v61;
	(pc) =	sbr.rel @!p0 .LBB2_2-.Ltmp16, $4  }
0x271: {  	s8 =	sadd.s32 s5, s8;
	[tilespmem:s21+$0x1E460] =	vst v62  }
0x272: {  	[hbm4b:s8+s3] =	stream.linear.scatter [tilespmem:s17], [sflag:$0x10], $0x1900, $0x38;
	v63 =	vld [tilespmem:$0x0]  }
0x273: {  	s20 =	simm.s32 @!p1 $0x10400;
	s8 =	sadd.s32 @!p1 $0x780, s18;
	s18 =	simm.s32 @!p1 $0x32  }
0x274: {  	[tilespmem:s20], [sflag:$0x8] =	stream.indirect.gather @!p1 [hbm4b:s2+s18], $0x80, s8, s18, $0xb8;
	v63 =	vld [tilespmem:$0x0]  }
0x275: {  	s8 =	simm.s32 $0x9  }
0x276: {  	_ =	swait.ge [sflag:s8], $0x1900  }
0x277: {  	[sflag:s8] =	ssyncset.done $0x0  }
0x278: {  	s18 =	simm.s32 $0xA;
	[sflag:s8] =	ssyncadd.s32 $0xFFFFE700  }
0x279: {  	_ =	swait.ge [sflag:s18], $0x1900  }
0x27a: {  	[sflag:s18] =	ssyncset.done $0x0  }
0x27b: {  	s19 =	simm.s32 $0xB;
	[sflag:s18] =	ssyncadd.s32 $0xFFFFE700  }
0x27c: {  	_ =	swait.ge [sflag:s19], $0x1900  }
0x27d: {  	[sflag:s19] =	ssyncset.done $0x0  }
0x27e: {  	s20 =	simm.s32 $0xC;
	[sflag:s19] =	ssyncadd.s32 $0xFFFFE700  }
0x27f: {  	_ =	swait.ge [sflag:s20], $0x1900  }
0x280: {  	[sflag:s20] =	ssyncset.done $0x0  }
0x281: {  	s21 =	simm.s32 $0xD;
	[sflag:s20] =	ssyncadd.s32 $0xFFFFE700  }
0x282: {  	_ =	swait.ge [sflag:s21], $0x1900  }
0x283: {  	[sflag:s21] =	ssyncset.done $0x0  }
0x284: {  	s22 =	simm.s32 $0xE;
	[sflag:s21] =	ssyncadd.s32 $0xFFFFE700  }
0x285: {  	_ =	swait.ge [sflag:s22], $0x1900  }
0x286: {  	[sflag:s22] =	ssyncset.done $0x0  }
0x287: {  	[sflag:s22] =	ssyncadd.s32 $0xFFFFE700  }
0x288: {  	_ =	swait.ge [sflag:s24], $0x1900  }
0x289: {  	[sflag:s24] =	ssyncset.done $0x0  }
0x28a: {  	[sflag:s24] =	ssyncadd.s32 $0xFFFFE700  }
0x28b: {  	_ =	swait.ge [sflag:s6], $0x1900  }
0x28c: {  	s7 =	sadd.s32 $0x1, s7;
	s23 =	rddreg [dreg:$0x4]  }
0x28d: {  	p0 =	sne.s32 s7, s23  }
.Ltmp17:
0x28e: {  	_ = 	snop;
	(pc) =	sbr.rel @p0 .LBB2_1-.Ltmp17, $3  }
0x28f: {  	_ =	sdelay $0x1  }
0x290: {  	[sflag:s6] =	ssyncset.done $0x0  }
0x291: {  	[sflag:s6] =	ssyncadd.s32 $0xFFFFE700  }
0x292: {  	_ =	sfence.sel $0x180000  }
0x293: {  	[bflag:$0x0] =	sbarrier.arrive $0xFFFF  }
0x294: {  	_ =	strace $0x90000047  }
0x295: {  	s0 =	stileid.u32;
	[bflag:$0x2] =	sbarrier.arrive $0xFFFF  }
0x296: {  	p0 =	sne.s32 s0, $0x0;
	s0 =	rddreg [dreg:$0x2]  }
0x297: {  	s0 =	sadd.s32 @!p0 $0x100000, s0  }
0x298: {  	[sflag:s0] =	ssyncadd.tile.s32 @!p0 $0x1;
	_ =	shalt  }
.Lfunc_end2:
_tile_overlayer_lowered:
.L_overlay_start_2:
0x299: {  	(tag) =	ssettag $0x2  }
0x29a: {  	s0 =	rddreg [dreg:$0x0];
	s2 =	stileid.u32  }
0x29b: {  	s1 =	rddreg [dreg:$0x1];
	p0 =	sne.s32 s2, $0x0  }
0x29c: {  	s3 =	rddreg [dreg:$0x2];
	[bflag:$0x3] =	sbarrier.arrive $0xFFFF;
	s2 =	simm.s32 @!p0 $0x1C11  }
0x29d: {  	[timem:s3], [sflag:s2] =	dma.local @!p0 [hbm:s0], s1  }
0x29e: {  	s0 =	simm.s32 @!p0 $0x11  }
0x29f: {  	_ =	swait.ge @!p0 [sflag:s0], s1  }
0x2a0: {  	s1 =	ssub.s32 @!p0 $0x0, s1;
	[sflag:s0] =	ssyncset.done @!p0 $0x0  }
0x2a1: {  	[sflag:s0] =	ssyncadd.s32 @!p0 s1  }
0x2a2: {  	[bflag:$0x3] =	sbarrier.arrive $0xFFFF  }
0x2a3: {  	_ =	shalt  }

</sc_bundles>
